<compile_context>
chip_gen: v7x
topology: tpu7x:2x2x1
jax: 0.10.2.dev20260603
libtpu: 0.0.44.dev20260713+nightly
codegen_flags: <defaults>
</compile_context>

<pallas_src>
import functools
from typing import Any

import jax
import jax.numpy as jnp
from jax import lax
from jax.experimental import pallas as pl
from jax.experimental.pallas import tpu as pltpu
from jax.experimental.pallas import tpu_sc as plsc

N = 10000
E = 320000
D = 128
L = 3
G = 64

NC = 2
NS = 16
LANES = 16

CHUNK = 128
NCHUNKS = E // CHUNK
N_PAD = 10240
SB = 16
CH_T = (-(-NCHUNKS // NS) + SB - 1) // SB * SB
E_PAD = NS * CH_T * CHUNK
ROWS_PER_TILE = N_PAD // NS
BLK = 512
NBLK = N_PAD // BLK

def _dot16(a, b):
  return jnp.dot(a.astype(jnp.bfloat16), b.astype(jnp.bfloat16),
                 preferred_element_type=jnp.float32)


@functools.lru_cache(maxsize=1)
def _get_mesh():
  return plsc.VectorSubcoreMesh(core_axis_name="c", subcore_axis_name="s",
                                num_cores=NC, num_subcores=NS)


def _tile_chunk_range(s):
  base = NCHUNKS // NS
  rem = NCHUNKS % NS
  start = s * base + jnp.minimum(s, rem)
  n = base + jnp.where(s < rem, 1, 0)
  return start, n


def _deg_body(dst2, zeros, ones, deg_out, acc, onesbuf, idxbuf):
  c = lax.axis_index("c")
  s = lax.axis_index("s")
  r0 = s * ROWS_PER_TILE
  pltpu.sync_copy(zeros.at[pl.ds(r0, ROWS_PER_TILE)],
                  acc.at[pl.ds(r0, ROWS_PER_TILE)])
  pltpu.sync_copy(ones, onesbuf)
  plsc.subcore_barrier()

  start, n = _tile_chunk_range(s)

  def body(i, carry):
    eb = (start + i) * CHUNK
    pltpu.sync_copy(dst2.at[c, pl.ds(eb, CHUNK)], idxbuf.at[0])
    pltpu.sync_copy(onesbuf, acc.at[idxbuf.at[0]], add=True)
    return carry

  lax.fori_loop(0, n, body, 0, unroll=False)
  plsc.subcore_barrier()
  pltpu.sync_copy(acc.at[pl.ds(r0, ROWS_PER_TILE)],
                  deg_out.at[c, pl.ds(r0, ROWS_PER_TILE)])


def _degree_counts(dst2, zeros, ones):
  return pl.kernel(
      _deg_body,
      out_type=jax.ShapeDtypeStruct((NC, N_PAD, D), jnp.float32),
      mesh=_get_mesh(),
      scratch_types=[
          pltpu.VMEM_SHARED((N_PAD, D), jnp.float32),
          pltpu.VMEM((CHUNK, D), jnp.float32),
          pltpu.VMEM((1, CHUNK), jnp.int32),
      ],
  )(dst2, zeros, ones)


def _edge_body(g, src2, dst2, zeros, s_out, acc, rows, sidx, didx, sem):
  c = lax.axis_index("c")
  s = lax.axis_index("s")
  r0 = s * ROWS_PER_TILE
  pltpu.sync_copy(zeros.at[pl.ds(r0, ROWS_PER_TILE)],
                  acc.at[pl.ds(r0, ROWS_PER_TILE)])
  plsc.subcore_barrier()

  start, n = _tile_chunk_range(s)

  def load_idx(i, buf):
    eb = (start + i) * CHUNK
    pltpu.sync_copy(src2.at[c, pl.ds(eb, CHUNK)], sidx.at[buf])
    pltpu.sync_copy(dst2.at[c, pl.ds(eb, CHUNK)], didx.at[buf])

  def fire_gather(buf):
    pltpu.async_copy(g.at[sidx.at[buf]], rows.at[buf], sem.at[buf])

  @pl.when(n > 0)
  def _prologue():
    load_idx(0, 0)
    fire_gather(0)

  def body(i, carry):
    buf = lax.rem(i, 2)
    nbuf = 1 - buf

    @pl.when(i + 1 < n)
    def _fire_next():
      load_idx(i + 1, nbuf)
      fire_gather(nbuf)

    pltpu.make_async_copy(g.at[sidx.at[buf]], rows.at[buf], sem.at[buf]).wait()
    pltpu.sync_copy(rows.at[buf], acc.at[didx.at[buf]], add=True)
    return carry

  lax.fori_loop(0, n, body, 0, unroll=False)
  plsc.subcore_barrier()
  pltpu.sync_copy(acc.at[pl.ds(r0, ROWS_PER_TILE)],
                  s_out.at[c, pl.ds(r0, ROWS_PER_TILE)])


def _edge_segment_sum(g_flat, src2, dst2, zeros):
  return pl.kernel(
      _edge_body,
      out_type=jax.ShapeDtypeStruct((NC, N_PAD, D), jnp.float32),
      mesh=_get_mesh(),
      scratch_types=[
          pltpu.VMEM_SHARED((N_PAD, D), jnp.float32),
          pltpu.VMEM((2, CHUNK, D), jnp.float32),
          pltpu.VMEM((2, CHUNK), jnp.int32),
          pltpu.VMEM((2, CHUNK), jnp.int32),
          pltpu.SemaphoreType.DMA((2,)),
      ],
  )(g_flat, src2, dst2, zeros)


def _k0_body(x, deg, wlx, blx, wg, bg, h0_out, g0_out):
  dinv = 1.0 / jnp.sqrt(deg[0, :, 0:1] + 1.0)
  h0 = _dot16(x[0], wlx[0]) + blx[0]
  hw = _dot16(h0, wg[0]) + bg[0]
  h0_out[0] = h0
  g0_out[0] = dinv * hw


def _k_mid_body(sagg, gp, hp, deg, wg, bg, h_out, g_out):
  dinv = 1.0 / jnp.sqrt(deg[0, :, 0:1] + 1.0)
  h = jnp.maximum(dinv * (sagg[0] + gp[0]) + hp[0], 0.0)
  hw = _dot16(h, wg[0]) + bg[0]
  h_out[0] = h
  g_out[0] = dinv * hw


def _k3_body(sagg, gp, hp, deg, batch, wf0, bf0, wf1, bf1, wf2, bf2,
             out, acc):
  b = pl.program_id(0)
  r = pl.program_id(1)

  @pl.when(jnp.logical_and(b == 0, r == 0))
  def _():
    acc[...] = jnp.zeros_like(acc)

  dinv = 1.0 / jnp.sqrt(deg[0, :, 0:1] + 1.0)
  h3 = dinv * (sagg[0] + gp[0]) + hp[0]
  ids = batch[0, 0, 0]
  gids = lax.broadcasted_iota(jnp.int32, (G, BLK), 0)
  onehot = (ids[None, :] == gids).astype(jnp.float32)
  acc[...] += jnp.dot(onehot, h3, preferred_element_type=jnp.float32,
                      precision=lax.Precision.HIGHEST)

  @pl.when(jnp.logical_and(b == NC - 1, r == NBLK - 1))
  def _():
    rep = acc[...]
    t = jnp.maximum(_dot16(rep, wf0[...]) + bf0[...], 0.0)
    t = jnp.maximum(_dot16(t, wf1[...]) + bf1[...], 0.0)
    out[...] = _dot16(t, wf2[...]) + bf2[...]


def _row_spec(last):
  return pl.BlockSpec((1, BLK, last), lambda b, r: (b, r, 0))


def _wspec():
  return pl.BlockSpec((1, D, D), lambda b, r: (b, 0, 0))


def _bspec():
  return pl.BlockSpec((1, 1, D), lambda b, r: (b, 0, 0))


def _tc_layer0(x2, deg16, wlx2, blx2, wg2_0, bg2_0):
  return pl.pallas_call(
      _k0_body,
      grid=(NC, NBLK),
      in_specs=[_row_spec(D), _row_spec(D), _wspec(), _bspec(),
                _wspec(), _bspec()],
      out_specs=[_row_spec(D), _row_spec(D)],
      out_shape=[jax.ShapeDtypeStruct((NC, N_PAD, D), jnp.float32)] * 2,
  )(x2, deg16, wlx2, blx2, wg2_0, bg2_0)


def _tc_layer_mid(sagg, gp, hp, deg16, wg2_l, bg2_l):
  return pl.pallas_call(
      _k_mid_body,
      grid=(NC, NBLK),
      in_specs=[_row_spec(D), _row_spec(D), _row_spec(D), _row_spec(D),
                _wspec(), _bspec()],
      out_specs=[_row_spec(D), _row_spec(D)],
      out_shape=[jax.ShapeDtypeStruct((NC, N_PAD, D), jnp.float32)] * 2,
  )(sagg, gp, hp, deg16, wg2_l, bg2_l)


def _tc_final(sagg, gp, hp, deg16, batch4, wf0, bf0, wf1, bf1, wf2, bf2):
  full = lambda shp: pl.BlockSpec(shp, lambda b, r: (0,) * len(shp))
  return pl.pallas_call(
      _k3_body,
      grid=(NC, NBLK),
      in_specs=[_row_spec(D), _row_spec(D), _row_spec(D), _row_spec(D),
                pl.BlockSpec((1, 1, 1, BLK), lambda b, r: (b, r, 0, 0)),
                full((D, 128)), full((1, 128)),
                full((128, G)), full((1, G)),
                full((G, 1)), full((1, 1))],
      out_specs=full((G, 1)),
      out_shape=jax.ShapeDtypeStruct((G, 1), jnp.float32),
      scratch_shapes=[pltpu.VMEM((G, D), jnp.float32)],
  )(sagg, gp, hp, deg16, batch4, wf0, bf0, wf1, bf1, wf2, bf2)


def kernel(solute_x, solute_edge_index, solute_batch, hydrated_solute_x,
           hydrated_solute_edge_index, hydrated_solute_batch, W_lx_s, b_lx_s,
           Wg_s, bg_s, W_lx_h, b_lx_h, Wg_h, bg_h, W_fc0, b_fc0, W_fc1, b_fc1,
           W_fc2, b_fc2):
  f32 = jnp.float32
  pad_rows = N_PAD - N

  x2 = jnp.pad(jnp.stack([solute_x, hydrated_solute_x]),
               ((0, 0), (0, pad_rows), (0, 0)))
  src2 = jnp.stack([solute_edge_index[0], hydrated_solute_edge_index[0]])
  src2 = src2 + (jnp.arange(NC, dtype=jnp.int32) * N_PAD)[:, None]
  dst2 = jnp.stack([solute_edge_index[1], hydrated_solute_edge_index[1]])
  batch2 = jnp.pad(jnp.stack([solute_batch, hydrated_solute_batch]),
                   ((0, 0), (0, pad_rows)), constant_values=G)
  batch4 = batch2.reshape(NC, NBLK, 1, BLK)

  zeros = jnp.zeros((N_PAD, D), f32)
  ones = jnp.ones((CHUNK, D), f32)

  wlx2 = jnp.stack([W_lx_s, W_lx_h])
  blx2 = jnp.stack([b_lx_s, b_lx_h])[:, None, :]
  wg2 = jnp.stack([Wg_s, Wg_h])
  bg2 = jnp.stack([bg_s, bg_h])[:, :, None, :]

  deg16 = _degree_counts(dst2, zeros, ones)

  h, g = _tc_layer0(x2, deg16, wlx2, blx2, wg2[:, 0], bg2[:, 0])
  for l in range(1, L):
    s_agg = _edge_segment_sum(g.reshape(NC * N_PAD, D), src2, dst2, zeros)
    h, g = _tc_layer_mid(s_agg, g, h, deg16, wg2[:, l], bg2[:, l])
  s_agg = _edge_segment_sum(g.reshape(NC * N_PAD, D), src2, dst2, zeros)

  out = _tc_final(s_agg, g, h, deg16, batch4,
                  W_fc0, b_fc0[None, :], W_fc1, b_fc1[None, :],
                  W_fc2, b_fc2[None, :])
  return out

# --- scband reference (transcript-rebuilt; emitter-appended) ---
"""Pipeline reference for scband-gnn-1-with-water-simpler-75986561401176 (READ-ONLY COPY).

The authoritative reference and input builder live on the scoring server;
editing this copy changes nothing except your own understanding.
"""

import jax, jax.numpy as jnp
import numpy as np

N = 10000
E = 320000
D = 128
L = 3
G = 64

def setup_inputs(seed: int = 0):
    key = jax.random.key(seed)
    ks = jax.random.split(key, 24)
    inp = {}
    inp["solute_x"] = jax.random.normal(ks[0], (N, D), dtype=jnp.float32)
    inp["solute_edge_index"] = jax.random.randint(ks[1], (2, E), 0, N, dtype=jnp.int32)
    inp["solute_batch"] = jnp.sort(jax.random.randint(ks[2], (N,), 0, G, dtype=jnp.int32))
    inp["hydrated_solute_x"] = jax.random.normal(ks[3], (N, D), dtype=jnp.float32)
    inp["hydrated_solute_edge_index"] = jax.random.randint(ks[4], (2, E), 0, N, dtype=jnp.int32)
    inp["hydrated_solute_batch"] = jnp.sort(jax.random.randint(ks[5], (N,), 0, G, dtype=jnp.int32))
    s = 0.05
    inp["W_lx_s"] = jax.random.normal(ks[6], (D, D), dtype=jnp.float32) * s
    inp["b_lx_s"] = jnp.zeros((D,), dtype=jnp.float32)
    inp["Wg_s"] = jax.random.normal(ks[7], (L, D, D), dtype=jnp.float32) * s
    inp["bg_s"] = jnp.zeros((L, D), dtype=jnp.float32)
    inp["W_lx_h"] = jax.random.normal(ks[8], (D, D), dtype=jnp.float32) * s
    inp["b_lx_h"] = jnp.zeros((D,), dtype=jnp.float32)
    inp["Wg_h"] = jax.random.normal(ks[9], (L, D, D), dtype=jnp.float32) * s
    inp["bg_h"] = jnp.zeros((L, D), dtype=jnp.float32)
    inp["W_fc0"] = jax.random.normal(ks[10], (D, 128), dtype=jnp.float32) * s
    inp["b_fc0"] = jnp.zeros((128,), dtype=jnp.float32)
    inp["W_fc1"] = jax.random.normal(ks[11], (128, 64), dtype=jnp.float32) * s
    inp["b_fc1"] = jnp.zeros((64,), dtype=jnp.float32)
    inp["W_fc2"] = jax.random.normal(ks[12], (64, 1), dtype=jnp.float32) * s
    inp["b_fc2"] = jnp.zeros((1,), dtype=jnp.float32)
    return inp

def _gcn_branch(x, edge_index, Wlx, blx, Wg, bg):
    # linear_x: atom features -> emb_dim
    h = x @ Wlx + blx
    src = edge_index[0]
    dst = edge_index[1]
    loop = jnp.arange(N, dtype=src.dtype)
    s = jnp.concatenate([src, loop])
    d = jnp.concatenate([dst, loop])
    deg = jax.ops.segment_sum(jnp.ones_like(s, dtype=jnp.float32), d, num_segments=N)
    dinv = 1.0 / jnp.sqrt(jnp.clip(deg, 1.0))
    norm = dinv[s] * dinv[d]
    for l in range(L):
        residual = h
        hw = h @ Wg[l] + bg[l]
        msg = hw[s] * norm[:, None]
        agg = jax.ops.segment_sum(msg, d, num_segments=N)
        h = agg + residual  # residual_connect
        if l < L - 1:
            h = jax.nn.relu(h)  # act on all but last layer; dropout p=0 is identity
    return h  # JK == 'last'

def reference(solute_x, solute_edge_index, solute_batch, hydrated_solute_x, hydrated_solute_edge_index, hydrated_solute_batch, W_lx_s, b_lx_s, Wg_s, bg_s, W_lx_h, b_lx_h, Wg_h, bg_h, W_fc0, b_fc0, W_fc1, b_fc1, W_fc2, b_fc2):
    h_s = _gcn_branch(solute_x, solute_edge_index, W_lx_s, b_lx_s, Wg_s, bg_s)
    h_h = _gcn_branch(hydrated_solute_x, hydrated_solute_edge_index, W_lx_h, b_lx_h, Wg_h, bg_h)
    pool_s = jax.ops.segment_sum(h_s, solute_batch, num_segments=G)  # global add pool
    pool_h = jax.ops.segment_sum(h_h, hydrated_solute_batch, num_segments=G)
    rep = pool_s + pool_h  # combine solute + hydrated-solute branch representations
    h = jax.nn.relu(rep @ W_fc0 + b_fc0)
    h = jax.nn.relu(h @ W_fc1 + b_fc1)
    out = h @ W_fc2 + b_fc2
    return out

if __name__ == "__main__":
    import jax
    _d = setup_inputs()
    print(jax.jit(kernel)(*tuple(_d.values())))

</pallas_src>

<mosaic_0001>
#map = affine_map<(d0, d1) -> (0, 0)>
#map1 = affine_map<(d0, d1) -> (0, 0, 0)>
module attributes {stable_mosaic.version = 14 : i64} {
  func.func @_edge_body(%arg0: i32, %arg1: i32, %arg2: memref<20480x128xf32, #tpu.memory_space<hbm>>, %arg3: memref<2x320000xi32, #tpu.memory_space<hbm>>, %arg4: memref<2x320000xi32, #tpu.memory_space<hbm>>, %arg5: memref<10240x128xf32, #tpu.memory_space<hbm>>, %arg6: memref<2x10240x128xf32, #tpu.memory_space<hbm>>, %arg7: memref<10240x128xf32, #tpu.memory_space<vmem_shared>>, %arg8: memref<2x128x128xf32, #tpu.memory_space<vmem>>, %arg9: memref<2x128xi32, #tpu.memory_space<vmem>>, %arg10: memref<2x128xi32, #tpu.memory_space<vmem>>, %arg11: memref<2x!tpu.dma_semaphore, #tpu.memory_space<semaphore_mem>>) attributes {dimension_semantics = [#tpu.dimension_semantics<core_parallel>, #tpu.dimension_semantics<subcore_parallel>], iteration_bounds = array<i64: 2, 16>, scalar_prefetch = 0 : i64, scratch_operands = 5 : i64, tpu.core_type = #tpu.core_type<sc_vector_subcore>, window_params = [{transform_indices = #map}, {transform_indices = #map}, {transform_indices = #map}, {transform_indices = #map}, {transform_indices = #map1}]} {
    %mul3A = arith.constant 640 : i32
    %mul3A_0 = arith.muli %arg1, %mul3A : i32
    "tpu.region"() ({
      %run_scoped3A = tpu.sem_alloc : memref<!tpu.dma_semaphore, #tpu.memory_space<semaphore_mem>>
      %dma_start3A = arith.constant 0 : i32
      %dma_start3A_20 = tpu.memref_slice %arg7[%mul3A_0, %dma_start3A] : memref<10240x128xf32, #tpu.memory_space<vmem_shared>> -> memref<640x128xf32, #tpu.memory_space<vmem_shared>>
      %dma_start3A_21 = arith.constant 0 : i32
      %dma_start3A_22 = tpu.memref_slice %arg5[%mul3A_0, %dma_start3A_21] : memref<10240x128xf32, #tpu.memory_space<hbm>> -> memref<640x128xf32, #tpu.memory_space<hbm>>
      tpu.enqueue_dma source(%dma_start3A_22 : memref<640x128xf32, #tpu.memory_space<hbm>>) target(%dma_start3A_20 : memref<640x128xf32, #tpu.memory_space<vmem_shared>>) target_semaphore(%run_scoped3A : memref<!tpu.dma_semaphore, #tpu.memory_space<semaphore_mem>>)
      %dma_wait3A = arith.constant 0 : i32
      %dma_wait3A_23 = tpu.memref_slice %arg7[%mul3A_0, %dma_wait3A] : memref<10240x128xf32, #tpu.memory_space<vmem_shared>> -> memref<640x128xf32, #tpu.memory_space<vmem_shared>>
      %dma_wait3A_24 = arith.constant 0 : i32
      %dma_wait3A_25 = tpu.memref_slice %arg5[%mul3A_0, %dma_wait3A_24] : memref<10240x128xf32, #tpu.memory_space<hbm>> -> memref<640x128xf32, #tpu.memory_space<hbm>>
      tpu.wait_dma2 semaphore(%run_scoped3A : memref<!tpu.dma_semaphore, #tpu.memory_space<semaphore_mem>>) src(%dma_wait3A_25 : memref<640x128xf32, #tpu.memory_space<hbm>>) dst(%dma_wait3A_23 : memref<640x128xf32, #tpu.memory_space<vmem_shared>>)
      tpu.yield
    }) : () -> ()
    %barrier3A = arith.constant 0 : index
    tpu.barrier barrier_id(%barrier3A)
    %mul3A_1 = arith.constant 156 : i32
    %mul3A_2 = arith.muli %arg1, %mul3A_1 : i32
    %min3A = arith.constant 4 : i32
    %min3A_3 = arith.minsi %arg1, %min3A : i32
    %add3A = arith.addi %mul3A_2, %min3A_3 : i32
    %lt3A = arith.constant 4 : i32
    %lt3A_4 = arith.cmpi slt, %arg1, %lt3A : i32
    %jit3A = arith.constant 1 : i32
    %jit3A_5 = arith.constant 0 : i32
    %select_n3A = arith.select %lt3A_4, %jit3A, %jit3A_5 : i32
    %add3A_6 = arith.constant 156 : i32
    %add3A_7 = arith.addi %add3A_6, %select_n3A : i32
    %gt3A = arith.constant 0 : i32
    %gt3A_8 = arith.cmpi sgt, %add3A_7, %gt3A : i32
    %convert_element_type3A = arith.extui %gt3A_8 : i1 to i32
    %cond3A = arith.constant 0 : i32
    %cond3A_9 = arith.cmpi ne, %convert_element_type3A, %cond3A : i32
    scf.if %cond3A_9 {
      %add3A_20 = arith.constant 0 : i32
      %add3A_21 = arith.addi %add3A, %add3A_20 : i32
      %mul3A_22 = arith.constant 128 : i32
      %mul3A_23 = arith.muli %add3A_21, %mul3A_22 : i32
      %run_scoped3A = arith.constant 0 : i32
      "tpu.region"() ({
        %run_scoped3A_39 = tpu.sem_alloc : memref<!tpu.dma_semaphore, #tpu.memory_space<semaphore_mem>>
        %dma_start3A_40 = arith.constant 0 : i32
        %dma_start3A_41 = tpu.memref_slice %arg9[%run_scoped3A, %dma_start3A_40] : memref<2x128xi32, #tpu.memory_space<vmem>> -> memref<1x128xi32, #tpu.memory_space<vmem>>
        %dma_start3A_42 = tpu.memref_squeeze %dma_start3A_41 : memref<1x128xi32, #tpu.memory_space<vmem>> -> memref<128xi32, #tpu.memory_space<vmem>>
        %dma_start3A_43 = tpu.memref_slice %arg3[%arg0, %mul3A_23] : memref<2x320000xi32, #tpu.memory_space<hbm>> -> memref<1x128xi32, #tpu.memory_space<hbm>>
        %dma_start3A_44 = tpu.memref_squeeze %dma_start3A_43 : memref<1x128xi32, #tpu.memory_space<hbm>> -> memref<128xi32, #tpu.memory_space<hbm>>
        %dma_start3A_45 = arith.constant 0 : i32
        %dma_start3A_46 = tpu.memref_slice %arg9[%run_scoped3A, %dma_start3A_45] : memref<2x128xi32, #tpu.memory_space<vmem>> -> memref<1x128xi32, #tpu.memory_space<vmem>>
        %dma_start3A_47 = tpu.memref_squeeze %dma_start3A_46 : memref<1x128xi32, #tpu.memory_space<vmem>> -> memref<128xi32, #tpu.memory_space<vmem>>
        %dma_start3A_48 = tpu.memref_slice %arg3[%arg0, %mul3A_23] : memref<2x320000xi32, #tpu.memory_space<hbm>> -> memref<1x128xi32, #tpu.memory_space<hbm>>
        %dma_start3A_49 = tpu.memref_squeeze %dma_start3A_48 : memref<1x128xi32, #tpu.memory_space<hbm>> -> memref<128xi32, #tpu.memory_space<hbm>>
        tpu.enqueue_dma source(%dma_start3A_49 : memref<128xi32, #tpu.memory_space<hbm>>) target(%dma_start3A_47 : memref<128xi32, #tpu.memory_space<vmem>>) target_semaphore(%run_scoped3A_39 : memref<!tpu.dma_semaphore, #tpu.memory_space<semaphore_mem>>)
        %dma_wait3A = arith.constant 0 : i32
        %dma_wait3A_50 = tpu.memref_slice %arg9[%run_scoped3A, %dma_wait3A] : memref<2x128xi32, #tpu.memory_space<vmem>> -> memref<1x128xi32, #tpu.memory_space<vmem>>
        %dma_wait3A_51 = tpu.memref_squeeze %dma_wait3A_50 : memref<1x128xi32, #tpu.memory_space<vmem>> -> memref<128xi32, #tpu.memory_space<vmem>>
        %dma_wait3A_52 = tpu.memref_slice %arg3[%arg0, %mul3A_23] : memref<2x320000xi32, #tpu.memory_space<hbm>> -> memref<1x128xi32, #tpu.memory_space<hbm>>
        %dma_wait3A_53 = tpu.memref_squeeze %dma_wait3A_52 : memref<1x128xi32, #tpu.memory_space<hbm>> -> memref<128xi32, #tpu.memory_space<hbm>>
        %dma_wait3A_54 = arith.constant 0 : i32
        %dma_wait3A_55 = tpu.memref_slice %arg9[%run_scoped3A, %dma_wait3A_54] : memref<2x128xi32, #tpu.memory_space<vmem>> -> memref<1x128xi32, #tpu.memory_space<vmem>>
        %dma_wait3A_56 = tpu.memref_squeeze %dma_wait3A_55 : memref<1x128xi32, #tpu.memory_space<vmem>> -> memref<128xi32, #tpu.memory_space<vmem>>
        %dma_wait3A_57 = tpu.memref_slice %arg3[%arg0, %mul3A_23] : memref<2x320000xi32, #tpu.memory_space<hbm>> -> memref<1x128xi32, #tpu.memory_space<hbm>>
        %dma_wait3A_58 = tpu.memref_squeeze %dma_wait3A_57 : memref<1x128xi32, #tpu.memory_space<hbm>> -> memref<128xi32, #tpu.memory_space<hbm>>
        tpu.wait_dma2 semaphore(%run_scoped3A_39 : memref<!tpu.dma_semaphore, #tpu.memory_space<semaphore_mem>>) src(%dma_wait3A_58 : memref<128xi32, #tpu.memory_space<hbm>>) dst(%dma_wait3A_56 : memref<128xi32, #tpu.memory_space<vmem>>)
        tpu.yield
      }) : () -> ()
      %run_scoped3A_24 = arith.constant 0 : i32
      "tpu.region"() ({
        %run_scoped3A_39 = tpu.sem_alloc : memref<!tpu.dma_semaphore, #tpu.memory_space<semaphore_mem>>
        %dma_start3A_40 = arith.constant 0 : i32
        %dma_start3A_41 = tpu.memref_slice %arg10[%run_scoped3A_24, %dma_start3A_40] : memref<2x128xi32, #tpu.memory_space<vmem>> -> memref<1x128xi32, #tpu.memory_space<vmem>>
        %dma_start3A_42 = tpu.memref_squeeze %dma_start3A_41 : memref<1x128xi32, #tpu.memory_space<vmem>> -> memref<128xi32, #tpu.memory_space<vmem>>
        %dma_start3A_43 = tpu.memref_slice %arg4[%arg0, %mul3A_23] : memref<2x320000xi32, #tpu.memory_space<hbm>> -> memref<1x128xi32, #tpu.memory_space<hbm>>
        %dma_start3A_44 = tpu.memref_squeeze %dma_start3A_43 : memref<1x128xi32, #tpu.memory_space<hbm>> -> memref<128xi32, #tpu.memory_space<hbm>>
        %dma_start3A_45 = arith.constant 0 : i32
        %dma_start3A_46 = tpu.memref_slice %arg10[%run_scoped3A_24, %dma_start3A_45] : memref<2x128xi32, #tpu.memory_space<vmem>> -> memref<1x128xi32, #tpu.memory_space<vmem>>
        %dma_start3A_47 = tpu.memref_squeeze %dma_start3A_46 : memref<1x128xi32, #tpu.memory_space<vmem>> -> memref<128xi32, #tpu.memory_space<vmem>>
        %dma_start3A_48 = tpu.memref_slice %arg4[%arg0, %mul3A_23] : memref<2x320000xi32, #tpu.memory_space<hbm>> -> memref<1x128xi32, #tpu.memory_space<hbm>>
        %dma_start3A_49 = tpu.memref_squeeze %dma_start3A_48 : memref<1x128xi32, #tpu.memory_space<hbm>> -> memref<128xi32, #tpu.memory_space<hbm>>
        tpu.enqueue_dma source(%dma_start3A_49 : memref<128xi32, #tpu.memory_space<hbm>>) target(%dma_start3A_47 : memref<128xi32, #tpu.memory_space<vmem>>) target_semaphore(%run_scoped3A_39 : memref<!tpu.dma_semaphore, #tpu.memory_space<semaphore_mem>>)
        %dma_wait3A = arith.constant 0 : i32
        %dma_wait3A_50 = tpu.memref_slice %arg10[%run_scoped3A_24, %dma_wait3A] : memref<2x128xi32, #tpu.memory_space<vmem>> -> memref<1x128xi32, #tpu.memory_space<vmem>>
        %dma_wait3A_51 = tpu.memref_squeeze %dma_wait3A_50 : memref<1x128xi32, #tpu.memory_space<vmem>> -> memref<128xi32, #tpu.memory_space<vmem>>
        %dma_wait3A_52 = tpu.memref_slice %arg4[%arg0, %mul3A_23] : memref<2x320000xi32, #tpu.memory_space<hbm>> -> memref<1x128xi32, #tpu.memory_space<hbm>>
        %dma_wait3A_53 = tpu.memref_squeeze %dma_wait3A_52 : memref<1x128xi32, #tpu.memory_space<hbm>> -> memref<128xi32, #tpu.memory_space<hbm>>
        %dma_wait3A_54 = arith.constant 0 : i32
        %dma_wait3A_55 = tpu.memref_slice %arg10[%run_scoped3A_24, %dma_wait3A_54] : memref<2x128xi32, #tpu.memory_space<vmem>> -> memref<1x128xi32, #tpu.memory_space<vmem>>
        %dma_wait3A_56 = tpu.memref_squeeze %dma_wait3A_55 : memref<1x128xi32, #tpu.memory_space<vmem>> -> memref<128xi32, #tpu.memory_space<vmem>>
        %dma_wait3A_57 = tpu.memref_slice %arg4[%arg0, %mul3A_23] : memref<2x320000xi32, #tpu.memory_space<hbm>> -> memref<1x128xi32, #tpu.memory_space<hbm>>
        %dma_wait3A_58 = tpu.memref_squeeze %dma_wait3A_57 : memref<1x128xi32, #tpu.memory_space<hbm>> -> memref<128xi32, #tpu.memory_space<hbm>>
        tpu.wait_dma2 semaphore(%run_scoped3A_39 : memref<!tpu.dma_semaphore, #tpu.memory_space<semaphore_mem>>) src(%dma_wait3A_58 : memref<128xi32, #tpu.memory_space<hbm>>) dst(%dma_wait3A_56 : memref<128xi32, #tpu.memory_space<vmem>>)
        tpu.yield
      }) : () -> ()
      %dma_start3A = arith.constant 0 : i32
      %dma_start3A_25 = arith.constant 0 : i32
      %dma_start3A_26 = arith.constant 0 : i32
      %dma_start3A_27 = arith.constant 0 : i32
      %dma_start3A_28 = arith.constant 0 : i32
      %dma_start3A_29 = tpu.memref_slice %arg8[%dma_start3A_25, %dma_start3A_27, %dma_start3A_28] : memref<2x128x128xf32, #tpu.memory_space<vmem>> -> memref<1x128x128xf32, #tpu.memory_space<vmem>>
      %dma_start3A_30 = tpu.memref_squeeze %dma_start3A_29 : memref<1x128x128xf32, #tpu.memory_space<vmem>> -> memref<128x128xf32, #tpu.memory_space<vmem>>
      %dma_start3A_31 = arith.constant 0 : i32
      %dma_start3A_32 = tpu.memref_slice %arg9[%dma_start3A, %dma_start3A_31] : memref<2x128xi32, #tpu.memory_space<vmem>> -> memref<1x128xi32, #tpu.memory_space<vmem>>
      %dma_start3A_33 = tpu.memref_squeeze %dma_start3A_32 : memref<1x128xi32, #tpu.memory_space<vmem>> -> memref<128xi32, #tpu.memory_space<vmem>>
      %dma_start3A_34 = arith.constant 0 : i32
      %dma_start3A_35 = arith.constant 0 : i32
      %dma_start3A_36 = tpu.memref_slice %arg2[%dma_start3A_34, %dma_start3A_35] : memref<20480x128xf32, #tpu.memory_space<hbm>> -> memref<20480x128xf32, #tpu.memory_space<hbm>>
      %dma_start3A_37 = tpu.memref_slice %arg11[%dma_start3A_26] : memref<2x!tpu.dma_semaphore, #tpu.memory_space<semaphore_mem>> -> memref<1x!tpu.dma_semaphore, #tpu.memory_space<semaphore_mem>>
      %dma_start3A_38 = tpu.memref_squeeze %dma_start3A_37 : memref<1x!tpu.dma_semaphore, #tpu.memory_space<semaphore_mem>> -> memref<!tpu.dma_semaphore, #tpu.memory_space<semaphore_mem>>
      tpu.enqueue_indirect_dma source(%dma_start3A_36 : memref<20480x128xf32, #tpu.memory_space<hbm>>) target(%dma_start3A_30 : memref<128x128xf32, #tpu.memory_space<vmem>>) offsets(%dma_start3A_33 : memref<128xi32, #tpu.memory_space<vmem>>) semaphore(%dma_start3A_38 : memref<!tpu.dma_semaphore, #tpu.memory_space<semaphore_mem>>)
    } else {
    }
    %while3A = arith.constant 0 : i32
    %while3A_10 = arith.constant 0 : i32
    %while3A_11 = arith.subi %add3A_7, %while3A_10 : i32
    %while3A_12 = arith.addi %while3A_10, %while3A_11 : i32
    %while3A_13 = arith.constant 1 : i32
    %while3A_14 = arith.divsi %while3A_11, %while3A_13 : i32
    %while3A_15 = arith.muli %while3A_14, %while3A_13 : i32
    %while3A_16 = arith.addi %while3A_10, %while3A_15 : i32
    %while3A_17 = arith.constant 1 : i32
    scf.for %while3A_20 = %while3A_10 to %while3A_16 step %while3A_17  : i32 {
      %rem3A = arith.constant 2 : i32
      %rem3A_21 = arith.remsi %while3A_20, %rem3A : i32
      %sub3A = arith.constant 1 : i32
      %sub3A_22 = arith.subi %sub3A, %rem3A_21 : i32
      %add3A_23 = arith.constant 1 : i32
      %add3A_24 = arith.addi %while3A_20, %add3A_23 : i32
      %lt3A_25 = arith.cmpi slt, %add3A_24, %add3A_7 : i32
      %convert_element_type3A_26 = arith.extui %lt3A_25 : i1 to i32
      %cond3A_27 = arith.constant 0 : i32
      %cond3A_28 = arith.cmpi ne, %convert_element_type3A_26, %cond3A_27 : i32
      scf.if %cond3A_28 {
        %add3A_40 = arith.constant 1 : i32
        %add3A_41 = arith.addi %while3A_20, %add3A_40 : i32
        %add3A_42 = arith.addi %add3A, %add3A_41 : i32
        %mul3A_43 = arith.constant 128 : i32
        %mul3A_44 = arith.muli %add3A_42, %mul3A_43 : i32
        "tpu.region"() ({
          %run_scoped3A = tpu.sem_alloc : memref<!tpu.dma_semaphore, #tpu.memory_space<semaphore_mem>>
          %dma_start3A_56 = arith.constant 0 : i32
          %dma_start3A_57 = tpu.memref_slice %arg9[%sub3A_22, %dma_start3A_56] : memref<2x128xi32, #tpu.memory_space<vmem>> -> memref<1x128xi32, #tpu.memory_space<vmem>>
          %dma_start3A_58 = tpu.memref_squeeze %dma_start3A_57 : memref<1x128xi32, #tpu.memory_space<vmem>> -> memref<128xi32, #tpu.memory_space<vmem>>
          %dma_start3A_59 = tpu.memref_slice %arg3[%arg0, %mul3A_44] : memref<2x320000xi32, #tpu.memory_space<hbm>> -> memref<1x128xi32, #tpu.memory_space<hbm>>
          %dma_start3A_60 = tpu.memref_squeeze %dma_start3A_59 : memref<1x128xi32, #tpu.memory_space<hbm>> -> memref<128xi32, #tpu.memory_space<hbm>>
          %dma_start3A_61 = arith.constant 0 : i32
          %dma_start3A_62 = tpu.memref_slice %arg9[%sub3A_22, %dma_start3A_61] : memref<2x128xi32, #tpu.memory_space<vmem>> -> memref<1x128xi32, #tpu.memory_space<vmem>>
          %dma_start3A_63 = tpu.memref_squeeze %dma_start3A_62 : memref<1x128xi32, #tpu.memory_space<vmem>> -> memref<128xi32, #tpu.memory_space<vmem>>
          %dma_start3A_64 = tpu.memref_slice %arg3[%arg0, %mul3A_44] : memref<2x320000xi32, #tpu.memory_space<hbm>> -> memref<1x128xi32, #tpu.memory_space<hbm>>
          %dma_start3A_65 = tpu.memref_squeeze %dma_start3A_64 : memref<1x128xi32, #tpu.memory_space<hbm>> -> memref<128xi32, #tpu.memory_space<hbm>>
          tpu.enqueue_dma source(%dma_start3A_65 : memref<128xi32, #tpu.memory_space<hbm>>) target(%dma_start3A_63 : memref<128xi32, #tpu.memory_space<vmem>>) target_semaphore(%run_scoped3A : memref<!tpu.dma_semaphore, #tpu.memory_space<semaphore_mem>>)
          %dma_wait3A_66 = arith.constant 0 : i32
          %dma_wait3A_67 = tpu.memref_slice %arg9[%sub3A_22, %dma_wait3A_66] : memref<2x128xi32, #tpu.memory_space<vmem>> -> memref<1x128xi32, #tpu.memory_space<vmem>>
          %dma_wait3A_68 = tpu.memref_squeeze %dma_wait3A_67 : memref<1x128xi32, #tpu.memory_space<vmem>> -> memref<128xi32, #tpu.memory_space<vmem>>
          %dma_wait3A_69 = tpu.memref_slice %arg3[%arg0, %mul3A_44] : memref<2x320000xi32, #tpu.memory_space<hbm>> -> memref<1x128xi32, #tpu.memory_space<hbm>>
          %dma_wait3A_70 = tpu.memref_squeeze %dma_wait3A_69 : memref<1x128xi32, #tpu.memory_space<hbm>> -> memref<128xi32, #tpu.memory_space<hbm>>
          %dma_wait3A_71 = arith.constant 0 : i32
          %dma_wait3A_72 = tpu.memref_slice %arg9[%sub3A_22, %dma_wait3A_71] : memref<2x128xi32, #tpu.memory_space<vmem>> -> memref<1x128xi32, #tpu.memory_space<vmem>>
          %dma_wait3A_73 = tpu.memref_squeeze %dma_wait3A_72 : memref<1x128xi32, #tpu.memory_space<vmem>> -> memref<128xi32, #tpu.memory_space<vmem>>
          %dma_wait3A_74 = tpu.memref_slice %arg3[%arg0, %mul3A_44] : memref<2x320000xi32, #tpu.memory_space<hbm>> -> memref<1x128xi32, #tpu.memory_space<hbm>>
          %dma_wait3A_75 = tpu.memref_squeeze %dma_wait3A_74 : memref<1x128xi32, #tpu.memory_space<hbm>> -> memref<128xi32, #tpu.memory_space<hbm>>
          tpu.wait_dma2 semaphore(%run_scoped3A : memref<!tpu.dma_semaphore, #tpu.memory_space<semaphore_mem>>) src(%dma_wait3A_75 : memref<128xi32, #tpu.memory_space<hbm>>) dst(%dma_wait3A_73 : memref<128xi32, #tpu.memory_space<vmem>>)
          tpu.yield
        }) : () -> ()
        "tpu.region"() ({
          %run_scoped3A = tpu.sem_alloc : memref<!tpu.dma_semaphore, #tpu.memory_space<semaphore_mem>>
          %dma_start3A_56 = arith.constant 0 : i32
          %dma_start3A_57 = tpu.memref_slice %arg10[%sub3A_22, %dma_start3A_56] : memref<2x128xi32, #tpu.memory_space<vmem>> -> memref<1x128xi32, #tpu.memory_space<vmem>>
          %dma_start3A_58 = tpu.memref_squeeze %dma_start3A_57 : memref<1x128xi32, #tpu.memory_space<vmem>> -> memref<128xi32, #tpu.memory_space<vmem>>
          %dma_start3A_59 = tpu.memref_slice %arg4[%arg0, %mul3A_44] : memref<2x320000xi32, #tpu.memory_space<hbm>> -> memref<1x128xi32, #tpu.memory_space<hbm>>
          %dma_start3A_60 = tpu.memref_squeeze %dma_start3A_59 : memref<1x128xi32, #tpu.memory_space<hbm>> -> memref<128xi32, #tpu.memory_space<hbm>>
          %dma_start3A_61 = arith.constant 0 : i32
          %dma_start3A_62 = tpu.memref_slice %arg10[%sub3A_22, %dma_start3A_61] : memref<2x128xi32, #tpu.memory_space<vmem>> -> memref<1x128xi32, #tpu.memory_space<vmem>>
          %dma_start3A_63 = tpu.memref_squeeze %dma_start3A_62 : memref<1x128xi32, #tpu.memory_space<vmem>> -> memref<128xi32, #tpu.memory_space<vmem>>
          %dma_start3A_64 = tpu.memref_slice %arg4[%arg0, %mul3A_44] : memref<2x320000xi32, #tpu.memory_space<hbm>> -> memref<1x128xi32, #tpu.memory_space<hbm>>
          %dma_start3A_65 = tpu.memref_squeeze %dma_start3A_64 : memref<1x128xi32, #tpu.memory_space<hbm>> -> memref<128xi32, #tpu.memory_space<hbm>>
          tpu.enqueue_dma source(%dma_start3A_65 : memref<128xi32, #tpu.memory_space<hbm>>) target(%dma_start3A_63 : memref<128xi32, #tpu.memory_space<vmem>>) target_semaphore(%run_scoped3A : memref<!tpu.dma_semaphore, #tpu.memory_space<semaphore_mem>>)
          %dma_wait3A_66 = arith.constant 0 : i32
          %dma_wait3A_67 = tpu.memref_slice %arg10[%sub3A_22, %dma_wait3A_66] : memref<2x128xi32, #tpu.memory_space<vmem>> -> memref<1x128xi32, #tpu.memory_space<vmem>>
          %dma_wait3A_68 = tpu.memref_squeeze %dma_wait3A_67 : memref<1x128xi32, #tpu.memory_space<vmem>> -> memref<128xi32, #tpu.memory_space<vmem>>
          %dma_wait3A_69 = tpu.memref_slice %arg4[%arg0, %mul3A_44] : memref<2x320000xi32, #tpu.memory_space<hbm>> -> memref<1x128xi32, #tpu.memory_space<hbm>>
          %dma_wait3A_70 = tpu.memref_squeeze %dma_wait3A_69 : memref<1x128xi32, #tpu.memory_space<hbm>> -> memref<128xi32, #tpu.memory_space<hbm>>
          %dma_wait3A_71 = arith.constant 0 : i32
          %dma_wait3A_72 = tpu.memref_slice %arg10[%sub3A_22, %dma_wait3A_71] : memref<2x128xi32, #tpu.memory_space<vmem>> -> memref<1x128xi32, #tpu.memory_space<vmem>>
          %dma_wait3A_73 = tpu.memref_squeeze %dma_wait3A_72 : memref<1x128xi32, #tpu.memory_space<vmem>> -> memref<128xi32, #tpu.memory_space<vmem>>
          %dma_wait3A_74 = tpu.memref_slice %arg4[%arg0, %mul3A_44] : memref<2x320000xi32, #tpu.memory_space<hbm>> -> memref<1x128xi32, #tpu.memory_space<hbm>>
          %dma_wait3A_75 = tpu.memref_squeeze %dma_wait3A_74 : memref<1x128xi32, #tpu.memory_space<hbm>> -> memref<128xi32, #tpu.memory_space<hbm>>
          tpu.wait_dma2 semaphore(%run_scoped3A : memref<!tpu.dma_semaphore, #tpu.memory_space<semaphore_mem>>) src(%dma_wait3A_75 : memref<128xi32, #tpu.memory_space<hbm>>) dst(%dma_wait3A_73 : memref<128xi32, #tpu.memory_space<vmem>>)
          tpu.yield
        }) : () -> ()
        %dma_start3A = arith.constant 0 : i32
        %dma_start3A_45 = arith.constant 0 : i32
        %dma_start3A_46 = tpu.memref_slice %arg8[%sub3A_22, %dma_start3A, %dma_start3A_45] : memref<2x128x128xf32, #tpu.memory_space<vmem>> -> memref<1x128x128xf32, #tpu.memory_space<vmem>>
        %dma_start3A_47 = tpu.memref_squeeze %dma_start3A_46 : memref<1x128x128xf32, #tpu.memory_space<vmem>> -> memref<128x128xf32, #tpu.memory_space<vmem>>
        %dma_start3A_48 = arith.constant 0 : i32
        %dma_start3A_49 = tpu.memref_slice %arg9[%sub3A_22, %dma_start3A_48] : memref<2x128xi32, #tpu.memory_space<vmem>> -> memref<1x128xi32, #tpu.memory_space<vmem>>
        %dma_start3A_50 = tpu.memref_squeeze %dma_start3A_49 : memref<1x128xi32, #tpu.memory_space<vmem>> -> memref<128xi32, #tpu.memory_space<vmem>>
        %dma_start3A_51 = arith.constant 0 : i32
        %dma_start3A_52 = arith.constant 0 : i32
        %dma_start3A_53 = tpu.memref_slice %arg2[%dma_start3A_51, %dma_start3A_52] : memref<20480x128xf32, #tpu.memory_space<hbm>> -> memref<20480x128xf32, #tpu.memory_space<hbm>>
        %dma_start3A_54 = tpu.memref_slice %arg11[%sub3A_22] : memref<2x!tpu.dma_semaphore, #tpu.memory_space<semaphore_mem>> -> memref<1x!tpu.dma_semaphore, #tpu.memory_space<semaphore_mem>>
        %dma_start3A_55 = tpu.memref_squeeze %dma_start3A_54 : memref<1x!tpu.dma_semaphore, #tpu.memory_space<semaphore_mem>> -> memref<!tpu.dma_semaphore, #tpu.memory_space<semaphore_mem>>
        tpu.enqueue_indirect_dma source(%dma_start3A_53 : memref<20480x128xf32, #tpu.memory_space<hbm>>) target(%dma_start3A_47 : memref<128x128xf32, #tpu.memory_space<vmem>>) offsets(%dma_start3A_50 : memref<128xi32, #tpu.memory_space<vmem>>) semaphore(%dma_start3A_55 : memref<!tpu.dma_semaphore, #tpu.memory_space<semaphore_mem>>)
      } else {
      }
      %dma_wait3A = arith.constant 0 : i32
      %dma_wait3A_29 = arith.constant 0 : i32
      %dma_wait3A_30 = tpu.memref_slice %arg8[%rem3A_21, %dma_wait3A, %dma_wait3A_29] : memref<2x128x128xf32, #tpu.memory_space<vmem>> -> memref<1x128x128xf32, #tpu.memory_space<vmem>>
      %dma_wait3A_31 = tpu.memref_squeeze %dma_wait3A_30 : memref<1x128x128xf32, #tpu.memory_space<vmem>> -> memref<128x128xf32, #tpu.memory_space<vmem>>
      %dma_wait3A_32 = arith.constant 0 : i32
      %dma_wait3A_33 = tpu.memref_slice %arg9[%rem3A_21, %dma_wait3A_32] : memref<2x128xi32, #tpu.memory_space<vmem>> -> memref<1x128xi32, #tpu.memory_space<vmem>>
      %dma_wait3A_34 = tpu.memref_squeeze %dma_wait3A_33 : memref<1x128xi32, #tpu.memory_space<vmem>> -> memref<128xi32, #tpu.memory_space<vmem>>
      %dma_wait3A_35 = arith.constant 0 : i32
      %dma_wait3A_36 = arith.constant 0 : i32
      %dma_wait3A_37 = tpu.memref_slice %arg2[%dma_wait3A_35, %dma_wait3A_36] : memref<20480x128xf32, #tpu.memory_space<hbm>> -> memref<20480x128xf32, #tpu.memory_space<hbm>>
      %dma_wait3A_38 = tpu.memref_slice %arg11[%rem3A_21] : memref<2x!tpu.dma_semaphore, #tpu.memory_space<semaphore_mem>> -> memref<1x!tpu.dma_semaphore, #tpu.memory_space<semaphore_mem>>
      %dma_wait3A_39 = tpu.memref_squeeze %dma_wait3A_38 : memref<1x!tpu.dma_semaphore, #tpu.memory_space<semaphore_mem>> -> memref<!tpu.dma_semaphore, #tpu.memory_space<semaphore_mem>>
      tpu.wait_indirect_dma semaphore(%dma_wait3A_39 : memref<!tpu.dma_semaphore, #tpu.memory_space<semaphore_mem>>) src(%dma_wait3A_37 : memref<20480x128xf32, #tpu.memory_space<hbm>>) dst(%dma_wait3A_31 : memref<128x128xf32, #tpu.memory_space<vmem>>)
      "tpu.region"() ({
        %run_scoped3A = tpu.sem_alloc : memref<!tpu.dma_semaphore, #tpu.memory_space<semaphore_mem>>
        %dma_start3A = arith.constant 0 : i32
        %dma_start3A_40 = arith.constant 0 : i32
        %dma_start3A_41 = tpu.memref_slice %arg8[%rem3A_21, %dma_start3A, %dma_start3A_40] : memref<2x128x128xf32, #tpu.memory_space<vmem>> -> memref<1x128x128xf32, #tpu.memory_space<vmem>>
        %dma_start3A_42 = tpu.memref_squeeze %dma_start3A_41 : memref<1x128x128xf32, #tpu.memory_space<vmem>> -> memref<128x128xf32, #tpu.memory_space<vmem>>
        %dma_start3A_43 = arith.constant 0 : i32
        %dma_start3A_44 = tpu.memref_slice %arg10[%rem3A_21, %dma_start3A_43] : memref<2x128xi32, #tpu.memory_space<vmem>> -> memref<1x128xi32, #tpu.memory_space<vmem>>
        %dma_start3A_45 = tpu.memref_squeeze %dma_start3A_44 : memref<1x128xi32, #tpu.memory_space<vmem>> -> memref<128xi32, #tpu.memory_space<vmem>>
        %dma_start3A_46 = arith.constant 0 : i32
        %dma_start3A_47 = arith.constant 0 : i32
        %dma_start3A_48 = tpu.memref_slice %arg7[%dma_start3A_46, %dma_start3A_47] : memref<10240x128xf32, #tpu.memory_space<vmem_shared>> -> memref<10240x128xf32, #tpu.memory_space<vmem_shared>>
        tpu.enqueue_indirect_dma source(%dma_start3A_42 : memref<128x128xf32, #tpu.memory_space<vmem>>) target(%dma_start3A_48 : memref<10240x128xf32, #tpu.memory_space<vmem_shared>>) offsets(%dma_start3A_45 : memref<128xi32, #tpu.memory_space<vmem>>) semaphore(%run_scoped3A : memref<!tpu.dma_semaphore, #tpu.memory_space<semaphore_mem>>) {add = true}
        %dma_wait3A_49 = arith.constant 0 : i32
        %dma_wait3A_50 = arith.constant 0 : i32
        %dma_wait3A_51 = tpu.memref_slice %arg8[%rem3A_21, %dma_wait3A_49, %dma_wait3A_50] : memref<2x128x128xf32, #tpu.memory_space<vmem>> -> memref<1x128x128xf32, #tpu.memory_space<vmem>>
        %dma_wait3A_52 = tpu.memref_squeeze %dma_wait3A_51 : memref<1x128x128xf32, #tpu.memory_space<vmem>> -> memref<128x128xf32, #tpu.memory_space<vmem>>
        %dma_wait3A_53 = arith.constant 0 : i32
        %dma_wait3A_54 = tpu.memref_slice %arg10[%rem3A_21, %dma_wait3A_53] : memref<2x128xi32, #tpu.memory_space<vmem>> -> memref<1x128xi32, #tpu.memory_space<vmem>>
        %dma_wait3A_55 = tpu.memref_squeeze %dma_wait3A_54 : memref<1x128xi32, #tpu.memory_space<vmem>> -> memref<128xi32, #tpu.memory_space<vmem>>
        %dma_wait3A_56 = arith.constant 0 : i32
        %dma_wait3A_57 = arith.constant 0 : i32
        %dma_wait3A_58 = tpu.memref_slice %arg7[%dma_wait3A_56, %dma_wait3A_57] : memref<10240x128xf32, #tpu.memory_space<vmem_shared>> -> memref<10240x128xf32, #tpu.memory_space<vmem_shared>>
        tpu.wait_indirect_dma semaphore(%run_scoped3A : memref<!tpu.dma_semaphore, #tpu.memory_space<semaphore_mem>>) src(%dma_wait3A_52 : memref<128x128xf32, #tpu.memory_space<vmem>>) dst(%dma_wait3A_58 : memref<10240x128xf32, #tpu.memory_space<vmem_shared>>)
        tpu.yield
      }) : () -> ()
    }
    %while3A_18 = arith.constant 1 : i32
    scf.for %while3A_20 = %while3A_16 to %while3A_12 step %while3A_18  : i32 {
      %rem3A = arith.constant 2 : i32
      %rem3A_21 = arith.remsi %while3A_20, %rem3A : i32
      %sub3A = arith.constant 1 : i32
      %sub3A_22 = arith.subi %sub3A, %rem3A_21 : i32
      %add3A_23 = arith.constant 1 : i32
      %add3A_24 = arith.addi %while3A_20, %add3A_23 : i32
      %lt3A_25 = arith.cmpi slt, %add3A_24, %add3A_7 : i32
      %convert_element_type3A_26 = arith.extui %lt3A_25 : i1 to i32
      %cond3A_27 = arith.constant 0 : i32
      %cond3A_28 = arith.cmpi ne, %convert_element_type3A_26, %cond3A_27 : i32
      scf.if %cond3A_28 {
        %add3A_40 = arith.constant 1 : i32
        %add3A_41 = arith.addi %while3A_20, %add3A_40 : i32
        %add3A_42 = arith.addi %add3A, %add3A_41 : i32
        %mul3A_43 = arith.constant 128 : i32
        %mul3A_44 = arith.muli %add3A_42, %mul3A_43 : i32
        "tpu.region"() ({
          %run_scoped3A = tpu.sem_alloc : memref<!tpu.dma_semaphore, #tpu.memory_space<semaphore_mem>>
          %dma_start3A_56 = arith.constant 0 : i32
          %dma_start3A_57 = tpu.memref_slice %arg9[%sub3A_22, %dma_start3A_56] : memref<2x128xi32, #tpu.memory_space<vmem>> -> memref<1x128xi32, #tpu.memory_space<vmem>>
          %dma_start3A_58 = tpu.memref_squeeze %dma_start3A_57 : memref<1x128xi32, #tpu.memory_space<vmem>> -> memref<128xi32, #tpu.memory_space<vmem>>
          %dma_start3A_59 = tpu.memref_slice %arg3[%arg0, %mul3A_44] : memref<2x320000xi32, #tpu.memory_space<hbm>> -> memref<1x128xi32, #tpu.memory_space<hbm>>
          %dma_start3A_60 = tpu.memref_squeeze %dma_start3A_59 : memref<1x128xi32, #tpu.memory_space<hbm>> -> memref<128xi32, #tpu.memory_space<hbm>>
          %dma_start3A_61 = arith.constant 0 : i32
          %dma_start3A_62 = tpu.memref_slice %arg9[%sub3A_22, %dma_start3A_61] : memref<2x128xi32, #tpu.memory_space<vmem>> -> memref<1x128xi32, #tpu.memory_space<vmem>>
          %dma_start3A_63 = tpu.memref_squeeze %dma_start3A_62 : memref<1x128xi32, #tpu.memory_space<vmem>> -> memref<128xi32, #tpu.memory_space<vmem>>
          %dma_start3A_64 = tpu.memref_slice %arg3[%arg0, %mul3A_44] : memref<2x320000xi32, #tpu.memory_space<hbm>> -> memref<1x128xi32, #tpu.memory_space<hbm>>
          %dma_start3A_65 = tpu.memref_squeeze %dma_start3A_64 : memref<1x128xi32, #tpu.memory_space<hbm>> -> memref<128xi32, #tpu.memory_space<hbm>>
          tpu.enqueue_dma source(%dma_start3A_65 : memref<128xi32, #tpu.memory_space<hbm>>) target(%dma_start3A_63 : memref<128xi32, #tpu.memory_space<vmem>>) target_semaphore(%run_scoped3A : memref<!tpu.dma_semaphore, #tpu.memory_space<semaphore_mem>>)
          %dma_wait3A_66 = arith.constant 0 : i32
          %dma_wait3A_67 = tpu.memref_slice %arg9[%sub3A_22, %dma_wait3A_66] : memref<2x128xi32, #tpu.memory_space<vmem>> -> memref<1x128xi32, #tpu.memory_space<vmem>>
          %dma_wait3A_68 = tpu.memref_squeeze %dma_wait3A_67 : memref<1x128xi32, #tpu.memory_space<vmem>> -> memref<128xi32, #tpu.memory_space<vmem>>
          %dma_wait3A_69 = tpu.memref_slice %arg3[%arg0, %mul3A_44] : memref<2x320000xi32, #tpu.memory_space<hbm>> -> memref<1x128xi32, #tpu.memory_space<hbm>>
          %dma_wait3A_70 = tpu.memref_squeeze %dma_wait3A_69 : memref<1x128xi32, #tpu.memory_space<hbm>> -> memref<128xi32, #tpu.memory_space<hbm>>
          %dma_wait3A_71 = arith.constant 0 : i32
          %dma_wait3A_72 = tpu.memref_slice %arg9[%sub3A_22, %dma_wait3A_71] : memref<2x128xi32, #tpu.memory_space<vmem>> -> memref<1x128xi32, #tpu.memory_space<vmem>>
          %dma_wait3A_73 = tpu.memref_squeeze %dma_wait3A_72 : memref<1x128xi32, #tpu.memory_space<vmem>> -> memref<128xi32, #tpu.memory_space<vmem>>
          %dma_wait3A_74 = tpu.memref_slice %arg3[%arg0, %mul3A_44] : memref<2x320000xi32, #tpu.memory_space<hbm>> -> memref<1x128xi32, #tpu.memory_space<hbm>>
          %dma_wait3A_75 = tpu.memref_squeeze %dma_wait3A_74 : memref<1x128xi32, #tpu.memory_space<hbm>> -> memref<128xi32, #tpu.memory_space<hbm>>
          tpu.wait_dma2 semaphore(%run_scoped3A : memref<!tpu.dma_semaphore, #tpu.memory_space<semaphore_mem>>) src(%dma_wait3A_75 : memref<128xi32, #tpu.memory_space<hbm>>) dst(%dma_wait3A_73 : memref<128xi32, #tpu.memory_space<vmem>>)
          tpu.yield
        }) : () -> ()
        "tpu.region"() ({
          %run_scoped3A = tpu.sem_alloc : memref<!tpu.dma_semaphore, #tpu.memory_space<semaphore_mem>>
          %dma_start3A_56 = arith.constant 0 : i32
          %dma_start3A_57 = tpu.memref_slice %arg10[%sub3A_22, %dma_start3A_56] : memref<2x128xi32, #tpu.memory_space<vmem>> -> memref<1x128xi32, #tpu.memory_space<vmem>>
          %dma_start3A_58 = tpu.memref_squeeze %dma_start3A_57 : memref<1x128xi32, #tpu.memory_space<vmem>> -> memref<128xi32, #tpu.memory_space<vmem>>
          %dma_start3A_59 = tpu.memref_slice %arg4[%arg0, %mul3A_44] : memref<2x320000xi32, #tpu.memory_space<hbm>> -> memref<1x128xi32, #tpu.memory_space<hbm>>
          %dma_start3A_60 = tpu.memref_squeeze %dma_start3A_59 : memref<1x128xi32, #tpu.memory_space<hbm>> -> memref<128xi32, #tpu.memory_space<hbm>>
          %dma_start3A_61 = arith.constant 0 : i32
          %dma_start3A_62 = tpu.memref_slice %arg10[%sub3A_22, %dma_start3A_61] : memref<2x128xi32, #tpu.memory_space<vmem>> -> memref<1x128xi32, #tpu.memory_space<vmem>>
          %dma_start3A_63 = tpu.memref_squeeze %dma_start3A_62 : memref<1x128xi32, #tpu.memory_space<vmem>> -> memref<128xi32, #tpu.memory_space<vmem>>
          %dma_start3A_64 = tpu.memref_slice %arg4[%arg0, %mul3A_44] : memref<2x320000xi32, #tpu.memory_space<hbm>> -> memref<1x128xi32, #tpu.memory_space<hbm>>
          %dma_start3A_65 = tpu.memref_squeeze %dma_start3A_64 : memref<1x128xi32, #tpu.memory_space<hbm>> -> memref<128xi32, #tpu.memory_space<hbm>>
          tpu.enqueue_dma source(%dma_start3A_65 : memref<128xi32, #tpu.memory_space<hbm>>) target(%dma_start3A_63 : memref<128xi32, #tpu.memory_space<vmem>>) target_semaphore(%run_scoped3A : memref<!tpu.dma_semaphore, #tpu.memory_space<semaphore_mem>>)
          %dma_wait3A_66 = arith.constant 0 : i32
          %dma_wait3A_67 = tpu.memref_slice %arg10[%sub3A_22, %dma_wait3A_66] : memref<2x128xi32, #tpu.memory_space<vmem>> -> memref<1x128xi32, #tpu.memory_space<vmem>>
          %dma_wait3A_68 = tpu.memref_squeeze %dma_wait3A_67 : memref<1x128xi32, #tpu.memory_space<vmem>> -> memref<128xi32, #tpu.memory_space<vmem>>
          %dma_wait3A_69 = tpu.memref_slice %arg4[%arg0, %mul3A_44] : memref<2x320000xi32, #tpu.memory_space<hbm>> -> memref<1x128xi32, #tpu.memory_space<hbm>>
          %dma_wait3A_70 = tpu.memref_squeeze %dma_wait3A_69 : memref<1x128xi32, #tpu.memory_space<hbm>> -> memref<128xi32, #tpu.memory_space<hbm>>
          %dma_wait3A_71 = arith.constant 0 : i32
          %dma_wait3A_72 = tpu.memref_slice %arg10[%sub3A_22, %dma_wait3A_71] : memref<2x128xi32, #tpu.memory_space<vmem>> -> memref<1x128xi32, #tpu.memory_space<vmem>>
          %dma_wait3A_73 = tpu.memref_squeeze %dma_wait3A_72 : memref<1x128xi32, #tpu.memory_space<vmem>> -> memref<128xi32, #tpu.memory_space<vmem>>
          %dma_wait3A_74 = tpu.memref_slice %arg4[%arg0, %mul3A_44] : memref<2x320000xi32, #tpu.memory_space<hbm>> -> memref<1x128xi32, #tpu.memory_space<hbm>>
          %dma_wait3A_75 = tpu.memref_squeeze %dma_wait3A_74 : memref<1x128xi32, #tpu.memory_space<hbm>> -> memref<128xi32, #tpu.memory_space<hbm>>
          tpu.wait_dma2 semaphore(%run_scoped3A : memref<!tpu.dma_semaphore, #tpu.memory_space<semaphore_mem>>) src(%dma_wait3A_75 : memref<128xi32, #tpu.memory_space<hbm>>) dst(%dma_wait3A_73 : memref<128xi32, #tpu.memory_space<vmem>>)
          tpu.yield
        }) : () -> ()
        %dma_start3A = arith.constant 0 : i32
        %dma_start3A_45 = arith.constant 0 : i32
        %dma_start3A_46 = tpu.memref_slice %arg8[%sub3A_22, %dma_start3A, %dma_start3A_45] : memref<2x128x128xf32, #tpu.memory_space<vmem>> -> memref<1x128x128xf32, #tpu.memory_space<vmem>>
        %dma_start3A_47 = tpu.memref_squeeze %dma_start3A_46 : memref<1x128x128xf32, #tpu.memory_space<vmem>> -> memref<128x128xf32, #tpu.memory_space<vmem>>
        %dma_start3A_48 = arith.constant 0 : i32
        %dma_start3A_49 = tpu.memref_slice %arg9[%sub3A_22, %dma_start3A_48] : memref<2x128xi32, #tpu.memory_space<vmem>> -> memref<1x128xi32, #tpu.memory_space<vmem>>
        %dma_start3A_50 = tpu.memref_squeeze %dma_start3A_49 : memref<1x128xi32, #tpu.memory_space<vmem>> -> memref<128xi32, #tpu.memory_space<vmem>>
        %dma_start3A_51 = arith.constant 0 : i32
        %dma_start3A_52 = arith.constant 0 : i32
        %dma_start3A_53 = tpu.memref_slice %arg2[%dma_start3A_51, %dma_start3A_52] : memref<20480x128xf32, #tpu.memory_space<hbm>> -> memref<20480x128xf32, #tpu.memory_space<hbm>>
        %dma_start3A_54 = tpu.memref_slice %arg11[%sub3A_22] : memref<2x!tpu.dma_semaphore, #tpu.memory_space<semaphore_mem>> -> memref<1x!tpu.dma_semaphore, #tpu.memory_space<semaphore_mem>>
        %dma_start3A_55 = tpu.memref_squeeze %dma_start3A_54 : memref<1x!tpu.dma_semaphore, #tpu.memory_space<semaphore_mem>> -> memref<!tpu.dma_semaphore, #tpu.memory_space<semaphore_mem>>
        tpu.enqueue_indirect_dma source(%dma_start3A_53 : memref<20480x128xf32, #tpu.memory_space<hbm>>) target(%dma_start3A_47 : memref<128x128xf32, #tpu.memory_space<vmem>>) offsets(%dma_start3A_50 : memref<128xi32, #tpu.memory_space<vmem>>) semaphore(%dma_start3A_55 : memref<!tpu.dma_semaphore, #tpu.memory_space<semaphore_mem>>)
      } else {
      }
      %dma_wait3A = arith.constant 0 : i32
      %dma_wait3A_29 = arith.constant 0 : i32
      %dma_wait3A_30 = tpu.memref_slice %arg8[%rem3A_21, %dma_wait3A, %dma_wait3A_29] : memref<2x128x128xf32, #tpu.memory_space<vmem>> -> memref<1x128x128xf32, #tpu.memory_space<vmem>>
      %dma_wait3A_31 = tpu.memref_squeeze %dma_wait3A_30 : memref<1x128x128xf32, #tpu.memory_space<vmem>> -> memref<128x128xf32, #tpu.memory_space<vmem>>
      %dma_wait3A_32 = arith.constant 0 : i32
      %dma_wait3A_33 = tpu.memref_slice %arg9[%rem3A_21, %dma_wait3A_32] : memref<2x128xi32, #tpu.memory_space<vmem>> -> memref<1x128xi32, #tpu.memory_space<vmem>>
      %dma_wait3A_34 = tpu.memref_squeeze %dma_wait3A_33 : memref<1x128xi32, #tpu.memory_space<vmem>> -> memref<128xi32, #tpu.memory_space<vmem>>
      %dma_wait3A_35 = arith.constant 0 : i32
      %dma_wait3A_36 = arith.constant 0 : i32
      %dma_wait3A_37 = tpu.memref_slice %arg2[%dma_wait3A_35, %dma_wait3A_36] : memref<20480x128xf32, #tpu.memory_space<hbm>> -> memref<20480x128xf32, #tpu.memory_space<hbm>>
      %dma_wait3A_38 = tpu.memref_slice %arg11[%rem3A_21] : memref<2x!tpu.dma_semaphore, #tpu.memory_space<semaphore_mem>> -> memref<1x!tpu.dma_semaphore, #tpu.memory_space<semaphore_mem>>
      %dma_wait3A_39 = tpu.memref_squeeze %dma_wait3A_38 : memref<1x!tpu.dma_semaphore, #tpu.memory_space<semaphore_mem>> -> memref<!tpu.dma_semaphore, #tpu.memory_space<semaphore_mem>>
      tpu.wait_indirect_dma semaphore(%dma_wait3A_39 : memref<!tpu.dma_semaphore, #tpu.memory_space<semaphore_mem>>) src(%dma_wait3A_37 : memref<20480x128xf32, #tpu.memory_space<hbm>>) dst(%dma_wait3A_31 : memref<128x128xf32, #tpu.memory_space<vmem>>)
      "tpu.region"() ({
        %run_scoped3A = tpu.sem_alloc : memref<!tpu.dma_semaphore, #tpu.memory_space<semaphore_mem>>
        %dma_start3A = arith.constant 0 : i32
        %dma_start3A_40 = arith.constant 0 : i32
        %dma_start3A_41 = tpu.memref_slice %arg8[%rem3A_21, %dma_start3A, %dma_start3A_40] : memref<2x128x128xf32, #tpu.memory_space<vmem>> -> memref<1x128x128xf32, #tpu.memory_space<vmem>>
        %dma_start3A_42 = tpu.memref_squeeze %dma_start3A_41 : memref<1x128x128xf32, #tpu.memory_space<vmem>> -> memref<128x128xf32, #tpu.memory_space<vmem>>
        %dma_start3A_43 = arith.constant 0 : i32
        %dma_start3A_44 = tpu.memref_slice %arg10[%rem3A_21, %dma_start3A_43] : memref<2x128xi32, #tpu.memory_space<vmem>> -> memref<1x128xi32, #tpu.memory_space<vmem>>
        %dma_start3A_45 = tpu.memref_squeeze %dma_start3A_44 : memref<1x128xi32, #tpu.memory_space<vmem>> -> memref<128xi32, #tpu.memory_space<vmem>>
        %dma_start3A_46 = arith.constant 0 : i32
        %dma_start3A_47 = arith.constant 0 : i32
        %dma_start3A_48 = tpu.memref_slice %arg7[%dma_start3A_46, %dma_start3A_47] : memref<10240x128xf32, #tpu.memory_space<vmem_shared>> -> memref<10240x128xf32, #tpu.memory_space<vmem_shared>>
        tpu.enqueue_indirect_dma source(%dma_start3A_42 : memref<128x128xf32, #tpu.memory_space<vmem>>) target(%dma_start3A_48 : memref<10240x128xf32, #tpu.memory_space<vmem_shared>>) offsets(%dma_start3A_45 : memref<128xi32, #tpu.memory_space<vmem>>) semaphore(%run_scoped3A : memref<!tpu.dma_semaphore, #tpu.memory_space<semaphore_mem>>) {add = true}
        %dma_wait3A_49 = arith.constant 0 : i32
        %dma_wait3A_50 = arith.constant 0 : i32
        %dma_wait3A_51 = tpu.memref_slice %arg8[%rem3A_21, %dma_wait3A_49, %dma_wait3A_50] : memref<2x128x128xf32, #tpu.memory_space<vmem>> -> memref<1x128x128xf32, #tpu.memory_space<vmem>>
        %dma_wait3A_52 = tpu.memref_squeeze %dma_wait3A_51 : memref<1x128x128xf32, #tpu.memory_space<vmem>> -> memref<128x128xf32, #tpu.memory_space<vmem>>
        %dma_wait3A_53 = arith.constant 0 : i32
        %dma_wait3A_54 = tpu.memref_slice %arg10[%rem3A_21, %dma_wait3A_53] : memref<2x128xi32, #tpu.memory_space<vmem>> -> memref<1x128xi32, #tpu.memory_space<vmem>>
        %dma_wait3A_55 = tpu.memref_squeeze %dma_wait3A_54 : memref<1x128xi32, #tpu.memory_space<vmem>> -> memref<128xi32, #tpu.memory_space<vmem>>
        %dma_wait3A_56 = arith.constant 0 : i32
        %dma_wait3A_57 = arith.constant 0 : i32
        %dma_wait3A_58 = tpu.memref_slice %arg7[%dma_wait3A_56, %dma_wait3A_57] : memref<10240x128xf32, #tpu.memory_space<vmem_shared>> -> memref<10240x128xf32, #tpu.memory_space<vmem_shared>>
        tpu.wait_indirect_dma semaphore(%run_scoped3A : memref<!tpu.dma_semaphore, #tpu.memory_space<semaphore_mem>>) src(%dma_wait3A_52 : memref<128x128xf32, #tpu.memory_space<vmem>>) dst(%dma_wait3A_58 : memref<10240x128xf32, #tpu.memory_space<vmem_shared>>)
        tpu.yield
      }) : () -> ()
    }
    %barrier3A_19 = arith.constant 0 : index
    tpu.barrier barrier_id(%barrier3A_19)
    "tpu.region"() ({
      %run_scoped3A = tpu.sem_alloc : memref<!tpu.dma_semaphore, #tpu.memory_space<semaphore_mem>>
      %dma_start3A = arith.constant 0 : i32
      %dma_start3A_20 = tpu.memref_slice %arg6[%arg0, %mul3A_0, %dma_start3A] : memref<2x10240x128xf32, #tpu.memory_space<hbm>> -> memref<1x640x128xf32, #tpu.memory_space<hbm>>
      %dma_start3A_21 = tpu.memref_squeeze %dma_start3A_20 : memref<1x640x128xf32, #tpu.memory_space<hbm>> -> memref<640x128xf32, #tpu.memory_space<hbm>>
      %dma_start3A_22 = arith.constant 0 : i32
      %dma_start3A_23 = tpu.memref_slice %arg7[%mul3A_0, %dma_start3A_22] : memref<10240x128xf32, #tpu.memory_space<vmem_shared>> -> memref<640x128xf32, #tpu.memory_space<vmem_shared>>
      tpu.enqueue_dma source(%dma_start3A_23 : memref<640x128xf32, #tpu.memory_space<vmem_shared>>) target(%dma_start3A_21 : memref<640x128xf32, #tpu.memory_space<hbm>>) target_semaphore(%run_scoped3A : memref<!tpu.dma_semaphore, #tpu.memory_space<semaphore_mem>>)
      %dma_wait3A = arith.constant 0 : i32
      %dma_wait3A_24 = tpu.memref_slice %arg6[%arg0, %mul3A_0, %dma_wait3A] : memref<2x10240x128xf32, #tpu.memory_space<hbm>> -> memref<1x640x128xf32, #tpu.memory_space<hbm>>
      %dma_wait3A_25 = tpu.memref_squeeze %dma_wait3A_24 : memref<1x640x128xf32, #tpu.memory_space<hbm>> -> memref<640x128xf32, #tpu.memory_space<hbm>>
      %dma_wait3A_26 = arith.constant 0 : i32
      %dma_wait3A_27 = tpu.memref_slice %arg7[%mul3A_0, %dma_wait3A_26] : memref<10240x128xf32, #tpu.memory_space<vmem_shared>> -> memref<640x128xf32, #tpu.memory_space<vmem_shared>>
      tpu.wait_dma2 semaphore(%run_scoped3A : memref<!tpu.dma_semaphore, #tpu.memory_space<semaphore_mem>>) src(%dma_wait3A_27 : memref<640x128xf32, #tpu.memory_space<vmem_shared>>) dst(%dma_wait3A_25 : memref<640x128xf32, #tpu.memory_space<hbm>>)
      tpu.yield
    }) : () -> ()
    return
  }
}

#map = affine_map<(d0, d1) -> (0, 0)>
#map1 = affine_map<(d0, d1) -> (0, 0, 0)>
module attributes {stable_mosaic.version = 14 : i64} {
  func.func @_deg_body(%arg0: i32, %arg1: i32, %arg2: memref<2x320000xi32, #tpu.memory_space<hbm>>, %arg3: memref<10240x128xf32, #tpu.memory_space<hbm>>, %arg4: memref<128x128xf32, #tpu.memory_space<hbm>>, %arg5: memref<2x10240x128xf32, #tpu.memory_space<hbm>>, %arg6: memref<10240x128xf32, #tpu.memory_space<vmem_shared>>, %arg7: memref<128x128xf32, #tpu.memory_space<vmem>>, %arg8: memref<1x128xi32, #tpu.memory_space<vmem>>) attributes {dimension_semantics = [#tpu.dimension_semantics<core_parallel>, #tpu.dimension_semantics<subcore_parallel>], iteration_bounds = array<i64: 2, 16>, scalar_prefetch = 0 : i64, scratch_operands = 3 : i64, tpu.core_type = #tpu.core_type<sc_vector_subcore>, window_params = [{transform_indices = #map}, {transform_indices = #map}, {transform_indices = #map}, {transform_indices = #map1}]} {
    %mul3A = arith.constant 640 : i32
    %mul3A_0 = arith.muli %arg1, %mul3A : i32
    "tpu.region"() ({
      %run_scoped3A = tpu.sem_alloc : memref<!tpu.dma_semaphore, #tpu.memory_space<semaphore_mem>>
      %dma_start3A = arith.constant 0 : i32
      %dma_start3A_18 = tpu.memref_slice %arg6[%mul3A_0, %dma_start3A] : memref<10240x128xf32, #tpu.memory_space<vmem_shared>> -> memref<640x128xf32, #tpu.memory_space<vmem_shared>>
      %dma_start3A_19 = arith.constant 0 : i32
      %dma_start3A_20 = tpu.memref_slice %arg3[%mul3A_0, %dma_start3A_19] : memref<10240x128xf32, #tpu.memory_space<hbm>> -> memref<640x128xf32, #tpu.memory_space<hbm>>
      tpu.enqueue_dma source(%dma_start3A_20 : memref<640x128xf32, #tpu.memory_space<hbm>>) target(%dma_start3A_18 : memref<640x128xf32, #tpu.memory_space<vmem_shared>>) target_semaphore(%run_scoped3A : memref<!tpu.dma_semaphore, #tpu.memory_space<semaphore_mem>>)
      %dma_wait3A = arith.constant 0 : i32
      %dma_wait3A_21 = tpu.memref_slice %arg6[%mul3A_0, %dma_wait3A] : memref<10240x128xf32, #tpu.memory_space<vmem_shared>> -> memref<640x128xf32, #tpu.memory_space<vmem_shared>>
      %dma_wait3A_22 = arith.constant 0 : i32
      %dma_wait3A_23 = tpu.memref_slice %arg3[%mul3A_0, %dma_wait3A_22] : memref<10240x128xf32, #tpu.memory_space<hbm>> -> memref<640x128xf32, #tpu.memory_space<hbm>>
      tpu.wait_dma2 semaphore(%run_scoped3A : memref<!tpu.dma_semaphore, #tpu.memory_space<semaphore_mem>>) src(%dma_wait3A_23 : memref<640x128xf32, #tpu.memory_space<hbm>>) dst(%dma_wait3A_21 : memref<640x128xf32, #tpu.memory_space<vmem_shared>>)
      tpu.yield
    }) : () -> ()
    "tpu.region"() ({
      %run_scoped3A = tpu.sem_alloc : memref<!tpu.dma_semaphore, #tpu.memory_space<semaphore_mem>>
      tpu.enqueue_dma source(%arg4 : memref<128x128xf32, #tpu.memory_space<hbm>>) target(%arg7 : memref<128x128xf32, #tpu.memory_space<vmem>>) target_semaphore(%run_scoped3A : memref<!tpu.dma_semaphore, #tpu.memory_space<semaphore_mem>>)
      tpu.wait_dma2 semaphore(%run_scoped3A : memref<!tpu.dma_semaphore, #tpu.memory_space<semaphore_mem>>) src(%arg4 : memref<128x128xf32, #tpu.memory_space<hbm>>) dst(%arg7 : memref<128x128xf32, #tpu.memory_space<vmem>>)
      tpu.yield
    }) : () -> ()
    %barrier3A = arith.constant 0 : index
    tpu.barrier barrier_id(%barrier3A)
    %mul3A_1 = arith.constant 156 : i32
    %mul3A_2 = arith.muli %arg1, %mul3A_1 : i32
    %min3A = arith.constant 4 : i32
    %min3A_3 = arith.minsi %arg1, %min3A : i32
    %add3A = arith.addi %mul3A_2, %min3A_3 : i32
    %lt3A = arith.constant 4 : i32
    %lt3A_4 = arith.cmpi slt, %arg1, %lt3A : i32
    %jit3A = arith.constant 1 : i32
    %jit3A_5 = arith.constant 0 : i32
    %select_n3A = arith.select %lt3A_4, %jit3A, %jit3A_5 : i32
    %add3A_6 = arith.constant 156 : i32
    %add3A_7 = arith.addi %add3A_6, %select_n3A : i32
    %while3A = arith.constant 0 : i32
    %while3A_8 = arith.constant 0 : i32
    %while3A_9 = arith.subi %add3A_7, %while3A_8 : i32
    %while3A_10 = arith.addi %while3A_8, %while3A_9 : i32
    %while3A_11 = arith.constant 1 : i32
    %while3A_12 = arith.divsi %while3A_9, %while3A_11 : i32
    %while3A_13 = arith.muli %while3A_12, %while3A_11 : i32
    %while3A_14 = arith.addi %while3A_8, %while3A_13 : i32
    %while3A_15 = arith.constant 1 : i32
    scf.for %while3A_18 = %while3A_8 to %while3A_14 step %while3A_15  : i32 {
      %add3A_19 = arith.addi %add3A, %while3A_18 : i32
      %mul3A_20 = arith.constant 128 : i32
      %mul3A_21 = arith.muli %add3A_19, %mul3A_20 : i32
      %run_scoped3A = arith.constant 0 : i32
      "tpu.region"() ({
        %run_scoped3A_23 = tpu.sem_alloc : memref<!tpu.dma_semaphore, #tpu.memory_space<semaphore_mem>>
        %dma_start3A = arith.constant 0 : i32
        %dma_start3A_24 = tpu.memref_slice %arg8[%run_scoped3A, %dma_start3A] : memref<1x128xi32, #tpu.memory_space<vmem>> -> memref<1x128xi32, #tpu.memory_space<vmem>>
        %dma_start3A_25 = tpu.memref_squeeze %dma_start3A_24 : memref<1x128xi32, #tpu.memory_space<vmem>> -> memref<128xi32, #tpu.memory_space<vmem>>
        %dma_start3A_26 = tpu.memref_slice %arg2[%arg0, %mul3A_21] : memref<2x320000xi32, #tpu.memory_space<hbm>> -> memref<1x128xi32, #tpu.memory_space<hbm>>
        %dma_start3A_27 = tpu.memref_squeeze %dma_start3A_26 : memref<1x128xi32, #tpu.memory_space<hbm>> -> memref<128xi32, #tpu.memory_space<hbm>>
        %dma_start3A_28 = arith.constant 0 : i32
        %dma_start3A_29 = tpu.memref_slice %arg8[%run_scoped3A, %dma_start3A_28] : memref<1x128xi32, #tpu.memory_space<vmem>> -> memref<1x128xi32, #tpu.memory_space<vmem>>
        %dma_start3A_30 = tpu.memref_squeeze %dma_start3A_29 : memref<1x128xi32, #tpu.memory_space<vmem>> -> memref<128xi32, #tpu.memory_space<vmem>>
        %dma_start3A_31 = tpu.memref_slice %arg2[%arg0, %mul3A_21] : memref<2x320000xi32, #tpu.memory_space<hbm>> -> memref<1x128xi32, #tpu.memory_space<hbm>>
        %dma_start3A_32 = tpu.memref_squeeze %dma_start3A_31 : memref<1x128xi32, #tpu.memory_space<hbm>> -> memref<128xi32, #tpu.memory_space<hbm>>
        tpu.enqueue_dma source(%dma_start3A_32 : memref<128xi32, #tpu.memory_space<hbm>>) target(%dma_start3A_30 : memref<128xi32, #tpu.memory_space<vmem>>) target_semaphore(%run_scoped3A_23 : memref<!tpu.dma_semaphore, #tpu.memory_space<semaphore_mem>>)
        %dma_wait3A = arith.constant 0 : i32
        %dma_wait3A_33 = tpu.memref_slice %arg8[%run_scoped3A, %dma_wait3A] : memref<1x128xi32, #tpu.memory_space<vmem>> -> memref<1x128xi32, #tpu.memory_space<vmem>>
        %dma_wait3A_34 = tpu.memref_squeeze %dma_wait3A_33 : memref<1x128xi32, #tpu.memory_space<vmem>> -> memref<128xi32, #tpu.memory_space<vmem>>
        %dma_wait3A_35 = tpu.memref_slice %arg2[%arg0, %mul3A_21] : memref<2x320000xi32, #tpu.memory_space<hbm>> -> memref<1x128xi32, #tpu.memory_space<hbm>>
        %dma_wait3A_36 = tpu.memref_squeeze %dma_wait3A_35 : memref<1x128xi32, #tpu.memory_space<hbm>> -> memref<128xi32, #tpu.memory_space<hbm>>
        %dma_wait3A_37 = arith.constant 0 : i32
        %dma_wait3A_38 = tpu.memref_slice %arg8[%run_scoped3A, %dma_wait3A_37] : memref<1x128xi32, #tpu.memory_space<vmem>> -> memref<1x128xi32, #tpu.memory_space<vmem>>
        %dma_wait3A_39 = tpu.memref_squeeze %dma_wait3A_38 : memref<1x128xi32, #tpu.memory_space<vmem>> -> memref<128xi32, #tpu.memory_space<vmem>>
        %dma_wait3A_40 = tpu.memref_slice %arg2[%arg0, %mul3A_21] : memref<2x320000xi32, #tpu.memory_space<hbm>> -> memref<1x128xi32, #tpu.memory_space<hbm>>
        %dma_wait3A_41 = tpu.memref_squeeze %dma_wait3A_40 : memref<1x128xi32, #tpu.memory_space<hbm>> -> memref<128xi32, #tpu.memory_space<hbm>>
        tpu.wait_dma2 semaphore(%run_scoped3A_23 : memref<!tpu.dma_semaphore, #tpu.memory_space<semaphore_mem>>) src(%dma_wait3A_41 : memref<128xi32, #tpu.memory_space<hbm>>) dst(%dma_wait3A_39 : memref<128xi32, #tpu.memory_space<vmem>>)
        tpu.yield
      }) : () -> ()
      %run_scoped3A_22 = arith.constant 0 : i32
      "tpu.region"() ({
        %run_scoped3A_23 = tpu.sem_alloc : memref<!tpu.dma_semaphore, #tpu.memory_space<semaphore_mem>>
        %dma_start3A = arith.constant 0 : i32
        %dma_start3A_24 = tpu.memref_slice %arg8[%run_scoped3A_22, %dma_start3A] : memref<1x128xi32, #tpu.memory_space<vmem>> -> memref<1x128xi32, #tpu.memory_space<vmem>>
        %dma_start3A_25 = tpu.memref_squeeze %dma_start3A_24 : memref<1x128xi32, #tpu.memory_space<vmem>> -> memref<128xi32, #tpu.memory_space<vmem>>
        %dma_start3A_26 = arith.constant 0 : i32
        %dma_start3A_27 = arith.constant 0 : i32
        %dma_start3A_28 = tpu.memref_slice %arg6[%dma_start3A_26, %dma_start3A_27] : memref<10240x128xf32, #tpu.memory_space<vmem_shared>> -> memref<10240x128xf32, #tpu.memory_space<vmem_shared>>
        tpu.enqueue_indirect_dma source(%arg7 : memref<128x128xf32, #tpu.memory_space<vmem>>) target(%dma_start3A_28 : memref<10240x128xf32, #tpu.memory_space<vmem_shared>>) offsets(%dma_start3A_25 : memref<128xi32, #tpu.memory_space<vmem>>) semaphore(%run_scoped3A_23 : memref<!tpu.dma_semaphore, #tpu.memory_space<semaphore_mem>>) {add = true}
        %dma_wait3A = arith.constant 0 : i32
        %dma_wait3A_29 = tpu.memref_slice %arg8[%run_scoped3A_22, %dma_wait3A] : memref<1x128xi32, #tpu.memory_space<vmem>> -> memref<1x128xi32, #tpu.memory_space<vmem>>
        %dma_wait3A_30 = tpu.memref_squeeze %dma_wait3A_29 : memref<1x128xi32, #tpu.memory_space<vmem>> -> memref<128xi32, #tpu.memory_space<vmem>>
        %dma_wait3A_31 = arith.constant 0 : i32
        %dma_wait3A_32 = arith.constant 0 : i32
        %dma_wait3A_33 = tpu.memref_slice %arg6[%dma_wait3A_31, %dma_wait3A_32] : memref<10240x128xf32, #tpu.memory_space<vmem_shared>> -> memref<10240x128xf32, #tpu.memory_space<vmem_shared>>
        tpu.wait_indirect_dma semaphore(%run_scoped3A_23 : memref<!tpu.dma_semaphore, #tpu.memory_space<semaphore_mem>>) src(%arg7 : memref<128x128xf32, #tpu.memory_space<vmem>>) dst(%dma_wait3A_33 : memref<10240x128xf32, #tpu.memory_space<vmem_shared>>)
        tpu.yield
      }) : () -> ()
    }
    %while3A_16 = arith.constant 1 : i32
    scf.for %while3A_18 = %while3A_14 to %while3A_10 step %while3A_16  : i32 {
      %add3A_19 = arith.addi %add3A, %while3A_18 : i32
      %mul3A_20 = arith.constant 128 : i32
      %mul3A_21 = arith.muli %add3A_19, %mul3A_20 : i32
      %run_scoped3A = arith.constant 0 : i32
      "tpu.region"() ({
        %run_scoped3A_23 = tpu.sem_alloc : memref<!tpu.dma_semaphore, #tpu.memory_space<semaphore_mem>>
        %dma_start3A = arith.constant 0 : i32
        %dma_start3A_24 = tpu.memref_slice %arg8[%run_scoped3A, %dma_start3A] : memref<1x128xi32, #tpu.memory_space<vmem>> -> memref<1x128xi32, #tpu.memory_space<vmem>>
        %dma_start3A_25 = tpu.memref_squeeze %dma_start3A_24 : memref<1x128xi32, #tpu.memory_space<vmem>> -> memref<128xi32, #tpu.memory_space<vmem>>
        %dma_start3A_26 = tpu.memref_slice %arg2[%arg0, %mul3A_21] : memref<2x320000xi32, #tpu.memory_space<hbm>> -> memref<1x128xi32, #tpu.memory_space<hbm>>
        %dma_start3A_27 = tpu.memref_squeeze %dma_start3A_26 : memref<1x128xi32, #tpu.memory_space<hbm>> -> memref<128xi32, #tpu.memory_space<hbm>>
        %dma_start3A_28 = arith.constant 0 : i32
        %dma_start3A_29 = tpu.memref_slice %arg8[%run_scoped3A, %dma_start3A_28] : memref<1x128xi32, #tpu.memory_space<vmem>> -> memref<1x128xi32, #tpu.memory_space<vmem>>
        %dma_start3A_30 = tpu.memref_squeeze %dma_start3A_29 : memref<1x128xi32, #tpu.memory_space<vmem>> -> memref<128xi32, #tpu.memory_space<vmem>>
        %dma_start3A_31 = tpu.memref_slice %arg2[%arg0, %mul3A_21] : memref<2x320000xi32, #tpu.memory_space<hbm>> -> memref<1x128xi32, #tpu.memory_space<hbm>>
        %dma_start3A_32 = tpu.memref_squeeze %dma_start3A_31 : memref<1x128xi32, #tpu.memory_space<hbm>> -> memref<128xi32, #tpu.memory_space<hbm>>
        tpu.enqueue_dma source(%dma_start3A_32 : memref<128xi32, #tpu.memory_space<hbm>>) target(%dma_start3A_30 : memref<128xi32, #tpu.memory_space<vmem>>) target_semaphore(%run_scoped3A_23 : memref<!tpu.dma_semaphore, #tpu.memory_space<semaphore_mem>>)
        %dma_wait3A = arith.constant 0 : i32
        %dma_wait3A_33 = tpu.memref_slice %arg8[%run_scoped3A, %dma_wait3A] : memref<1x128xi32, #tpu.memory_space<vmem>> -> memref<1x128xi32, #tpu.memory_space<vmem>>
        %dma_wait3A_34 = tpu.memref_squeeze %dma_wait3A_33 : memref<1x128xi32, #tpu.memory_space<vmem>> -> memref<128xi32, #tpu.memory_space<vmem>>
        %dma_wait3A_35 = tpu.memref_slice %arg2[%arg0, %mul3A_21] : memref<2x320000xi32, #tpu.memory_space<hbm>> -> memref<1x128xi32, #tpu.memory_space<hbm>>
        %dma_wait3A_36 = tpu.memref_squeeze %dma_wait3A_35 : memref<1x128xi32, #tpu.memory_space<hbm>> -> memref<128xi32, #tpu.memory_space<hbm>>
        %dma_wait3A_37 = arith.constant 0 : i32
        %dma_wait3A_38 = tpu.memref_slice %arg8[%run_scoped3A, %dma_wait3A_37] : memref<1x128xi32, #tpu.memory_space<vmem>> -> memref<1x128xi32, #tpu.memory_space<vmem>>
        %dma_wait3A_39 = tpu.memref_squeeze %dma_wait3A_38 : memref<1x128xi32, #tpu.memory_space<vmem>> -> memref<128xi32, #tpu.memory_space<vmem>>
        %dma_wait3A_40 = tpu.memref_slice %arg2[%arg0, %mul3A_21] : memref<2x320000xi32, #tpu.memory_space<hbm>> -> memref<1x128xi32, #tpu.memory_space<hbm>>
        %dma_wait3A_41 = tpu.memref_squeeze %dma_wait3A_40 : memref<1x128xi32, #tpu.memory_space<hbm>> -> memref<128xi32, #tpu.memory_space<hbm>>
        tpu.wait_dma2 semaphore(%run_scoped3A_23 : memref<!tpu.dma_semaphore, #tpu.memory_space<semaphore_mem>>) src(%dma_wait3A_41 : memref<128xi32, #tpu.memory_space<hbm>>) dst(%dma_wait3A_39 : memref<128xi32, #tpu.memory_space<vmem>>)
        tpu.yield
      }) : () -> ()
      %run_scoped3A_22 = arith.constant 0 : i32
      "tpu.region"() ({
        %run_scoped3A_23 = tpu.sem_alloc : memref<!tpu.dma_semaphore, #tpu.memory_space<semaphore_mem>>
        %dma_start3A = arith.constant 0 : i32
        %dma_start3A_24 = tpu.memref_slice %arg8[%run_scoped3A_22, %dma_start3A] : memref<1x128xi32, #tpu.memory_space<vmem>> -> memref<1x128xi32, #tpu.memory_space<vmem>>
        %dma_start3A_25 = tpu.memref_squeeze %dma_start3A_24 : memref<1x128xi32, #tpu.memory_space<vmem>> -> memref<128xi32, #tpu.memory_space<vmem>>
        %dma_start3A_26 = arith.constant 0 : i32
        %dma_start3A_27 = arith.constant 0 : i32
        %dma_start3A_28 = tpu.memref_slice %arg6[%dma_start3A_26, %dma_start3A_27] : memref<10240x128xf32, #tpu.memory_space<vmem_shared>> -> memref<10240x128xf32, #tpu.memory_space<vmem_shared>>
        tpu.enqueue_indirect_dma source(%arg7 : memref<128x128xf32, #tpu.memory_space<vmem>>) target(%dma_start3A_28 : memref<10240x128xf32, #tpu.memory_space<vmem_shared>>) offsets(%dma_start3A_25 : memref<128xi32, #tpu.memory_space<vmem>>) semaphore(%run_scoped3A_23 : memref<!tpu.dma_semaphore, #tpu.memory_space<semaphore_mem>>) {add = true}
        %dma_wait3A = arith.constant 0 : i32
        %dma_wait3A_29 = tpu.memref_slice %arg8[%run_scoped3A_22, %dma_wait3A] : memref<1x128xi32, #tpu.memory_space<vmem>> -> memref<1x128xi32, #tpu.memory_space<vmem>>
        %dma_wait3A_30 = tpu.memref_squeeze %dma_wait3A_29 : memref<1x128xi32, #tpu.memory_space<vmem>> -> memref<128xi32, #tpu.memory_space<vmem>>
        %dma_wait3A_31 = arith.constant 0 : i32
        %dma_wait3A_32 = arith.constant 0 : i32
        %dma_wait3A_33 = tpu.memref_slice %arg6[%dma_wait3A_31, %dma_wait3A_32] : memref<10240x128xf32, #tpu.memory_space<vmem_shared>> -> memref<10240x128xf32, #tpu.memory_space<vmem_shared>>
        tpu.wait_indirect_dma semaphore(%run_scoped3A_23 : memref<!tpu.dma_semaphore, #tpu.memory_space<semaphore_mem>>) src(%arg7 : memref<128x128xf32, #tpu.memory_space<vmem>>) dst(%dma_wait3A_33 : memref<10240x128xf32, #tpu.memory_space<vmem_shared>>)
        tpu.yield
      }) : () -> ()
    }
    %barrier3A_17 = arith.constant 0 : index
    tpu.barrier barrier_id(%barrier3A_17)
    "tpu.region"() ({
      %run_scoped3A = tpu.sem_alloc : memref<!tpu.dma_semaphore, #tpu.memory_space<semaphore_mem>>
      %dma_start3A = arith.constant 0 : i32
      %dma_start3A_18 = tpu.memref_slice %arg5[%arg0, %mul3A_0, %dma_start3A] : memref<2x10240x128xf32, #tpu.memory_space<hbm>> -> memref<1x640x128xf32, #tpu.memory_space<hbm>>
      %dma_start3A_19 = tpu.memref_squeeze %dma_start3A_18 : memref<1x640x128xf32, #tpu.memory_space<hbm>> -> memref<640x128xf32, #tpu.memory_space<hbm>>
      %dma_start3A_20 = arith.constant 0 : i32
      %dma_start3A_21 = tpu.memref_slice %arg6[%mul3A_0, %dma_start3A_20] : memref<10240x128xf32, #tpu.memory_space<vmem_shared>> -> memref<640x128xf32, #tpu.memory_space<vmem_shared>>
      tpu.enqueue_dma source(%dma_start3A_21 : memref<640x128xf32, #tpu.memory_space<vmem_shared>>) target(%dma_start3A_19 : memref<640x128xf32, #tpu.memory_space<hbm>>) target_semaphore(%run_scoped3A : memref<!tpu.dma_semaphore, #tpu.memory_space<semaphore_mem>>)
      %dma_wait3A = arith.constant 0 : i32
      %dma_wait3A_22 = tpu.memref_slice %arg5[%arg0, %mul3A_0, %dma_wait3A] : memref<2x10240x128xf32, #tpu.memory_space<hbm>> -> memref<1x640x128xf32, #tpu.memory_space<hbm>>
      %dma_wait3A_23 = tpu.memref_squeeze %dma_wait3A_22 : memref<1x640x128xf32, #tpu.memory_space<hbm>> -> memref<640x128xf32, #tpu.memory_space<hbm>>
      %dma_wait3A_24 = arith.constant 0 : i32
      %dma_wait3A_25 = tpu.memref_slice %arg6[%mul3A_0, %dma_wait3A_24] : memref<10240x128xf32, #tpu.memory_space<vmem_shared>> -> memref<640x128xf32, #tpu.memory_space<vmem_shared>>
      tpu.wait_dma2 semaphore(%run_scoped3A : memref<!tpu.dma_semaphore, #tpu.memory_space<semaphore_mem>>) src(%dma_wait3A_25 : memref<640x128xf32, #tpu.memory_space<vmem_shared>>) dst(%dma_wait3A_23 : memref<640x128xf32, #tpu.memory_space<hbm>>)
      tpu.yield
    }) : () -> ()
    return
  }
}

#map = affine_map<(d0, d1) -> (0, 0)>
#map1 = affine_map<(d0, d1) -> (0, 0, 0)>
module attributes {stable_mosaic.version = 14 : i64} {
  func.func @_edge_body(%arg0: i32, %arg1: i32, %arg2: memref<20480x128xf32, #tpu.memory_space<hbm>>, %arg3: memref<2x320000xi32, #tpu.memory_space<hbm>>, %arg4: memref<2x320000xi32, #tpu.memory_space<hbm>>, %arg5: memref<10240x128xf32, #tpu.memory_space<hbm>>, %arg6: memref<2x10240x128xf32, #tpu.memory_space<hbm>>, %arg7: memref<10240x128xf32, #tpu.memory_space<vmem_shared>>, %arg8: memref<2x128x128xf32, #tpu.memory_space<vmem>>, %arg9: memref<2x128xi32, #tpu.memory_space<vmem>>, %arg10: memref<2x128xi32, #tpu.memory_space<vmem>>, %arg11: memref<2x!tpu.dma_semaphore, #tpu.memory_space<semaphore_mem>>) attributes {dimension_semantics = [#tpu.dimension_semantics<core_parallel>, #tpu.dimension_semantics<subcore_parallel>], iteration_bounds = array<i64: 2, 16>, scalar_prefetch = 0 : i64, scratch_operands = 5 : i64, tpu.core_type = #tpu.core_type<sc_vector_subcore>, window_params = [{transform_indices = #map}, {transform_indices = #map}, {transform_indices = #map}, {transform_indices = #map}, {transform_indices = #map1}]} {
    %mul3A = arith.constant 640 : i32
    %mul3A_0 = arith.muli %arg1, %mul3A : i32
    "tpu.region"() ({
      %run_scoped3A = tpu.sem_alloc : memref<!tpu.dma_semaphore, #tpu.memory_space<semaphore_mem>>
      %dma_start3A = arith.constant 0 : i32
      %dma_start3A_20 = tpu.memref_slice %arg7[%mul3A_0, %dma_start3A] : memref<10240x128xf32, #tpu.memory_space<vmem_shared>> -> memref<640x128xf32, #tpu.memory_space<vmem_shared>>
      %dma_start3A_21 = arith.constant 0 : i32
      %dma_start3A_22 = tpu.memref_slice %arg5[%mul3A_0, %dma_start3A_21] : memref<10240x128xf32, #tpu.memory_space<hbm>> -> memref<640x128xf32, #tpu.memory_space<hbm>>
      tpu.enqueue_dma source(%dma_start3A_22 : memref<640x128xf32, #tpu.memory_space<hbm>>) target(%dma_start3A_20 : memref<640x128xf32, #tpu.memory_space<vmem_shared>>) target_semaphore(%run_scoped3A : memref<!tpu.dma_semaphore, #tpu.memory_space<semaphore_mem>>)
      %dma_wait3A = arith.constant 0 : i32
      %dma_wait3A_23 = tpu.memref_slice %arg7[%mul3A_0, %dma_wait3A] : memref<10240x128xf32, #tpu.memory_space<vmem_shared>> -> memref<640x128xf32, #tpu.memory_space<vmem_shared>>
      %dma_wait3A_24 = arith.constant 0 : i32
      %dma_wait3A_25 = tpu.memref_slice %arg5[%mul3A_0, %dma_wait3A_24] : memref<10240x128xf32, #tpu.memory_space<hbm>> -> memref<640x128xf32, #tpu.memory_space<hbm>>
      tpu.wait_dma2 semaphore(%run_scoped3A : memref<!tpu.dma_semaphore, #tpu.memory_space<semaphore_mem>>) src(%dma_wait3A_25 : memref<640x128xf32, #tpu.memory_space<hbm>>) dst(%dma_wait3A_23 : memref<640x128xf32, #tpu.memory_space<vmem_shared>>)
      tpu.yield
    }) : () -> ()
    %barrier3A = arith.constant 0 : index
    tpu.barrier barrier_id(%barrier3A)
    %mul3A_1 = arith.constant 156 : i32
    %mul3A_2 = arith.muli %arg1, %mul3A_1 : i32
    %min3A = arith.constant 4 : i32
    %min3A_3 = arith.minsi %arg1, %min3A : i32
    %add3A = arith.addi %mul3A_2, %min3A_3 : i32
    %lt3A = arith.constant 4 : i32
    %lt3A_4 = arith.cmpi slt, %arg1, %lt3A : i32
    %jit3A = arith.constant 1 : i32
    %jit3A_5 = arith.constant 0 : i32
    %select_n3A = arith.select %lt3A_4, %jit3A, %jit3A_5 : i32
    %add3A_6 = arith.constant 156 : i32
    %add3A_7 = arith.addi %add3A_6, %select_n3A : i32
    %gt3A = arith.constant 0 : i32
    %gt3A_8 = arith.cmpi sgt, %add3A_7, %gt3A : i32
    %convert_element_type3A = arith.extui %gt3A_8 : i1 to i32
    %cond3A = arith.constant 0 : i32
    %cond3A_9 = arith.cmpi ne, %convert_element_type3A, %cond3A : i32
    scf.if %cond3A_9 {
      %add3A_20 = arith.constant 0 : i32
      %add3A_21 = arith.addi %add3A, %add3A_20 : i32
      %mul3A_22 = arith.constant 128 : i32
      %mul3A_23 = arith.muli %add3A_21, %mul3A_22 : i32
      %run_scoped3A = arith.constant 0 : i32
      "tpu.region"() ({
        %run_scoped3A_39 = tpu.sem_alloc : memref<!tpu.dma_semaphore, #tpu.memory_space<semaphore_mem>>
        %dma_start3A_40 = arith.constant 0 : i32
        %dma_start3A_41 = tpu.memref_slice %arg9[%run_scoped3A, %dma_start3A_40] : memref<2x128xi32, #tpu.memory_space<vmem>> -> memref<1x128xi32, #tpu.memory_space<vmem>>
        %dma_start3A_42 = tpu.memref_squeeze %dma_start3A_41 : memref<1x128xi32, #tpu.memory_space<vmem>> -> memref<128xi32, #tpu.memory_space<vmem>>
        %dma_start3A_43 = tpu.memref_slice %arg3[%arg0, %mul3A_23] : memref<2x320000xi32, #tpu.memory_space<hbm>> -> memref<1x128xi32, #tpu.memory_space<hbm>>
        %dma_start3A_44 = tpu.memref_squeeze %dma_start3A_43 : memref<1x128xi32, #tpu.memory_space<hbm>> -> memref<128xi32, #tpu.memory_space<hbm>>
        %dma_start3A_45 = arith.constant 0 : i32
        %dma_start3A_46 = tpu.memref_slice %arg9[%run_scoped3A, %dma_start3A_45] : memref<2x128xi32, #tpu.memory_space<vmem>> -> memref<1x128xi32, #tpu.memory_space<vmem>>
        %dma_start3A_47 = tpu.memref_squeeze %dma_start3A_46 : memref<1x128xi32, #tpu.memory_space<vmem>> -> memref<128xi32, #tpu.memory_space<vmem>>
        %dma_start3A_48 = tpu.memref_slice %arg3[%arg0, %mul3A_23] : memref<2x320000xi32, #tpu.memory_space<hbm>> -> memref<1x128xi32, #tpu.memory_space<hbm>>
        %dma_start3A_49 = tpu.memref_squeeze %dma_start3A_48 : memref<1x128xi32, #tpu.memory_space<hbm>> -> memref<128xi32, #tpu.memory_space<hbm>>
        tpu.enqueue_dma source(%dma_start3A_49 : memref<128xi32, #tpu.memory_space<hbm>>) target(%dma_start3A_47 : memref<128xi32, #tpu.memory_space<vmem>>) target_semaphore(%run_scoped3A_39 : memref<!tpu.dma_semaphore, #tpu.memory_space<semaphore_mem>>)
        %dma_wait3A = arith.constant 0 : i32
        %dma_wait3A_50 = tpu.memref_slice %arg9[%run_scoped3A, %dma_wait3A] : memref<2x128xi32, #tpu.memory_space<vmem>> -> memref<1x128xi32, #tpu.memory_space<vmem>>
        %dma_wait3A_51 = tpu.memref_squeeze %dma_wait3A_50 : memref<1x128xi32, #tpu.memory_space<vmem>> -> memref<128xi32, #tpu.memory_space<vmem>>
        %dma_wait3A_52 = tpu.memref_slice %arg3[%arg0, %mul3A_23] : memref<2x320000xi32, #tpu.memory_space<hbm>> -> memref<1x128xi32, #tpu.memory_space<hbm>>
        %dma_wait3A_53 = tpu.memref_squeeze %dma_wait3A_52 : memref<1x128xi32, #tpu.memory_space<hbm>> -> memref<128xi32, #tpu.memory_space<hbm>>
        %dma_wait3A_54 = arith.constant 0 : i32
        %dma_wait3A_55 = tpu.memref_slice %arg9[%run_scoped3A, %dma_wait3A_54] : memref<2x128xi32, #tpu.memory_space<vmem>> -> memref<1x128xi32, #tpu.memory_space<vmem>>
        %dma_wait3A_56 = tpu.memref_squeeze %dma_wait3A_55 : memref<1x128xi32, #tpu.memory_space<vmem>> -> memref<128xi32, #tpu.memory_space<vmem>>
        %dma_wait3A_57 = tpu.memref_slice %arg3[%arg0, %mul3A_23] : memref<2x320000xi32, #tpu.memory_space<hbm>> -> memref<1x128xi32, #tpu.memory_space<hbm>>
        %dma_wait3A_58 = tpu.memref_squeeze %dma_wait3A_57 : memref<1x128xi32, #tpu.memory_space<hbm>> -> memref<128xi32, #tpu.memory_space<hbm>>
        tpu.wait_dma2 semaphore(%run_scoped3A_39 : memref<!tpu.dma_semaphore, #tpu.memory_space<semaphore_mem>>) src(%dma_wait3A_58 : memref<128xi32, #tpu.memory_space<hbm>>) dst(%dma_wait3A_56 : memref<128xi32, #tpu.memory_space<vmem>>)
        tpu.yield
      }) : () -> ()
      %run_scoped3A_24 = arith.constant 0 : i32
      "tpu.region"() ({
        %run_scoped3A_39 = tpu.sem_alloc : memref<!tpu.dma_semaphore, #tpu.memory_space<semaphore_mem>>
        %dma_start3A_40 = arith.constant 0 : i32
        %dma_start3A_41 = tpu.memref_slice %arg10[%run_scoped3A_24, %dma_start3A_40] : memref<2x128xi32, #tpu.memory_space<vmem>> -> memref<1x128xi32, #tpu.memory_space<vmem>>
        %dma_start3A_42 = tpu.memref_squeeze %dma_start3A_41 : memref<1x128xi32, #tpu.memory_space<vmem>> -> memref<128xi32, #tpu.memory_space<vmem>>
        %dma_start3A_43 = tpu.memref_slice %arg4[%arg0, %mul3A_23] : memref<2x320000xi32, #tpu.memory_space<hbm>> -> memref<1x128xi32, #tpu.memory_space<hbm>>
        %dma_start3A_44 = tpu.memref_squeeze %dma_start3A_43 : memref<1x128xi32, #tpu.memory_space<hbm>> -> memref<128xi32, #tpu.memory_space<hbm>>
        %dma_start3A_45 = arith.constant 0 : i32
        %dma_start3A_46 = tpu.memref_slice %arg10[%run_scoped3A_24, %dma_start3A_45] : memref<2x128xi32, #tpu.memory_space<vmem>> -> memref<1x128xi32, #tpu.memory_space<vmem>>
        %dma_start3A_47 = tpu.memref_squeeze %dma_start3A_46 : memref<1x128xi32, #tpu.memory_space<vmem>> -> memref<128xi32, #tpu.memory_space<vmem>>
        %dma_start3A_48 = tpu.memref_slice %arg4[%arg0, %mul3A_23] : memref<2x320000xi32, #tpu.memory_space<hbm>> -> memref<1x128xi32, #tpu.memory_space<hbm>>
        %dma_start3A_49 = tpu.memref_squeeze %dma_start3A_48 : memref<1x128xi32, #tpu.memory_space<hbm>> -> memref<128xi32, #tpu.memory_space<hbm>>
        tpu.enqueue_dma source(%dma_start3A_49 : memref<128xi32, #tpu.memory_space<hbm>>) target(%dma_start3A_47 : memref<128xi32, #tpu.memory_space<vmem>>) target_semaphore(%run_scoped3A_39 : memref<!tpu.dma_semaphore, #tpu.memory_space<semaphore_mem>>)
        %dma_wait3A = arith.constant 0 : i32
        %dma_wait3A_50 = tpu.memref_slice %arg10[%run_scoped3A_24, %dma_wait3A] : memref<2x128xi32, #tpu.memory_space<vmem>> -> memref<1x128xi32, #tpu.memory_space<vmem>>
        %dma_wait3A_51 = tpu.memref_squeeze %dma_wait3A_50 : memref<1x128xi32, #tpu.memory_space<vmem>> -> memref<128xi32, #tpu.memory_space<vmem>>
        %dma_wait3A_52 = tpu.memref_slice %arg4[%arg0, %mul3A_23] : memref<2x320000xi32, #tpu.memory_space<hbm>> -> memref<1x128xi32, #tpu.memory_space<hbm>>
        %dma_wait3A_53 = tpu.memref_squeeze %dma_wait3A_52 : memref<1x128xi32, #tpu.memory_space<hbm>> -> memref<128xi32, #tpu.memory_space<hbm>>
        %dma_wait3A_54 = arith.constant 0 : i32
        %dma_wait3A_55 = tpu.memref_slice %arg10[%run_scoped3A_24, %dma_wait3A_54] : memref<2x128xi32, #tpu.memory_space<vmem>> -> memref<1x128xi32, #tpu.memory_space<vmem>>
        %dma_wait3A_56 = tpu.memref_squeeze %dma_wait3A_55 : memref<1x128xi32, #tpu.memory_space<vmem>> -> memref<128xi32, #tpu.memory_space<vmem>>
        %dma_wait3A_57 = tpu.memref_slice %arg4[%arg0, %mul3A_23] : memref<2x320000xi32, #tpu.memory_space<hbm>> -> memref<1x128xi32, #tpu.memory_space<hbm>>
        %dma_wait3A_58 = tpu.memref_squeeze %dma_wait3A_57 : memref<1x128xi32, #tpu.memory_space<hbm>> -> memref<128xi32, #tpu.memory_space<hbm>>
        tpu.wait_dma2 semaphore(%run_scoped3A_39 : memref<!tpu.dma_semaphore, #tpu.memory_space<semaphore_mem>>) src(%dma_wait3A_58 : memref<128xi32, #tpu.memory_space<hbm>>) dst(%dma_wait3A_56 : memref<128xi32, #tpu.memory_space<vmem>>)
        tpu.yield
      }) : () -> ()
      %dma_start3A = arith.constant 0 : i32
      %dma_start3A_25 = arith.constant 0 : i32
      %dma_start3A_26 = arith.constant 0 : i32
      %dma_start3A_27 = arith.constant 0 : i32
      %dma_start3A_28 = arith.constant 0 : i32
      %dma_start3A_29 = tpu.memref_slice %arg8[%dma_start3A_25, %dma_start3A_27, %dma_start3A_28] : memref<2x128x128xf32, #tpu.memory_space<vmem>> -> memref<1x128x128xf32, #tpu.memory_space<vmem>>
      %dma_start3A_30 = tpu.memref_squeeze %dma_start3A_29 : memref<1x128x128xf32, #tpu.memory_space<vmem>> -> memref<128x128xf32, #tpu.memory_space<vmem>>
      %dma_start3A_31 = arith.constant 0 : i32
      %dma_start3A_32 = tpu.memref_slice %arg9[%dma_start3A, %dma_start3A_31] : memref<2x128xi32, #tpu.memory_space<vmem>> -> memref<1x128xi32, #tpu.memory_space<vmem>>
      %dma_start3A_33 = tpu.memref_squeeze %dma_start3A_32 : memref<1x128xi32, #tpu.memory_space<vmem>> -> memref<128xi32, #tpu.memory_space<vmem>>
      %dma_start3A_34 = arith.constant 0 : i32
      %dma_start3A_35 = arith.constant 0 : i32
      %dma_start3A_36 = tpu.memref_slice %arg2[%dma_start3A_34, %dma_start3A_35] : memref<20480x128xf32, #tpu.memory_space<hbm>> -> memref<20480x128xf32, #tpu.memory_space<hbm>>
      %dma_start3A_37 = tpu.memref_slice %arg11[%dma_start3A_26] : memref<2x!tpu.dma_semaphore, #tpu.memory_space<semaphore_mem>> -> memref<1x!tpu.dma_semaphore, #tpu.memory_space<semaphore_mem>>
      %dma_start3A_38 = tpu.memref_squeeze %dma_start3A_37 : memref<1x!tpu.dma_semaphore, #tpu.memory_space<semaphore_mem>> -> memref<!tpu.dma_semaphore, #tpu.memory_space<semaphore_mem>>
      tpu.enqueue_indirect_dma source(%dma_start3A_36 : memref<20480x128xf32, #tpu.memory_space<hbm>>) target(%dma_start3A_30 : memref<128x128xf32, #tpu.memory_space<vmem>>) offsets(%dma_start3A_33 : memref<128xi32, #tpu.memory_space<vmem>>) semaphore(%dma_start3A_38 : memref<!tpu.dma_semaphore, #tpu.memory_space<semaphore_mem>>)
    } else {
    }
    %while3A = arith.constant 0 : i32
    %while3A_10 = arith.constant 0 : i32
    %while3A_11 = arith.subi %add3A_7, %while3A_10 : i32
    %while3A_12 = arith.addi %while3A_10, %while3A_11 : i32
    %while3A_13 = arith.constant 1 : i32
    %while3A_14 = arith.divsi %while3A_11, %while3A_13 : i32
    %while3A_15 = arith.muli %while3A_14, %while3A_13 : i32
    %while3A_16 = arith.addi %while3A_10, %while3A_15 : i32
    %while3A_17 = arith.constant 1 : i32
    scf.for %while3A_20 = %while3A_10 to %while3A_16 step %while3A_17  : i32 {
      %rem3A = arith.constant 2 : i32
      %rem3A_21 = arith.remsi %while3A_20, %rem3A : i32
      %sub3A = arith.constant 1 : i32
      %sub3A_22 = arith.subi %sub3A, %rem3A_21 : i32
      %add3A_23 = arith.constant 1 : i32
      %add3A_24 = arith.addi %while3A_20, %add3A_23 : i32
      %lt3A_25 = arith.cmpi slt, %add3A_24, %add3A_7 : i32
      %convert_element_type3A_26 = arith.extui %lt3A_25 : i1 to i32
      %cond3A_27 = arith.constant 0 : i32
      %cond3A_28 = arith.cmpi ne, %convert_element_type3A_26, %cond3A_27 : i32
      scf.if %cond3A_28 {
        %add3A_40 = arith.constant 1 : i32
        %add3A_41 = arith.addi %while3A_20, %add3A_40 : i32
        %add3A_42 = arith.addi %add3A, %add3A_41 : i32
        %mul3A_43 = arith.constant 128 : i32
        %mul3A_44 = arith.muli %add3A_42, %mul3A_43 : i32
        "tpu.region"() ({
          %run_scoped3A = tpu.sem_alloc : memref<!tpu.dma_semaphore, #tpu.memory_space<semaphore_mem>>
          %dma_start3A_56 = arith.constant 0 : i32
          %dma_start3A_57 = tpu.memref_slice %arg9[%sub3A_22, %dma_start3A_56] : memref<2x128xi32, #tpu.memory_space<vmem>> -> memref<1x128xi32, #tpu.memory_space<vmem>>
          %dma_start3A_58 = tpu.memref_squeeze %dma_start3A_57 : memref<1x128xi32, #tpu.memory_space<vmem>> -> memref<128xi32, #tpu.memory_space<vmem>>
          %dma_start3A_59 = tpu.memref_slice %arg3[%arg0, %mul3A_44] : memref<2x320000xi32, #tpu.memory_space<hbm>> -> memref<1x128xi32, #tpu.memory_space<hbm>>
          %dma_start3A_60 = tpu.memref_squeeze %dma_start3A_59 : memref<1x128xi32, #tpu.memory_space<hbm>> -> memref<128xi32, #tpu.memory_space<hbm>>
          %dma_start3A_61 = arith.constant 0 : i32
          %dma_start3A_62 = tpu.memref_slice %arg9[%sub3A_22, %dma_start3A_61] : memref<2x128xi32, #tpu.memory_space<vmem>> -> memref<1x128xi32, #tpu.memory_space<vmem>>
          %dma_start3A_63 = tpu.memref_squeeze %dma_start3A_62 : memref<1x128xi32, #tpu.memory_space<vmem>> -> memref<128xi32, #tpu.memory_space<vmem>>
          %dma_start3A_64 = tpu.memref_slice %arg3[%arg0, %mul3A_44] : memref<2x320000xi32, #tpu.memory_space<hbm>> -> memref<1x128xi32, #tpu.memory_space<hbm>>
          %dma_start3A_65 = tpu.memref_squeeze %dma_start3A_64 : memref<1x128xi32, #tpu.memory_space<hbm>> -> memref<128xi32, #tpu.memory_space<hbm>>
          tpu.enqueue_dma source(%dma_start3A_65 : memref<128xi32, #tpu.memory_space<hbm>>) target(%dma_start3A_63 : memref<128xi32, #tpu.memory_space<vmem>>) target_semaphore(%run_scoped3A : memref<!tpu.dma_semaphore, #tpu.memory_space<semaphore_mem>>)
          %dma_wait3A_66 = arith.constant 0 : i32
          %dma_wait3A_67 = tpu.memref_slice %arg9[%sub3A_22, %dma_wait3A_66] : memref<2x128xi32, #tpu.memory_space<vmem>> -> memref<1x128xi32, #tpu.memory_space<vmem>>
          %dma_wait3A_68 = tpu.memref_squeeze %dma_wait3A_67 : memref<1x128xi32, #tpu.memory_space<vmem>> -> memref<128xi32, #tpu.memory_space<vmem>>
          %dma_wait3A_69 = tpu.memref_slice %arg3[%arg0, %mul3A_44] : memref<2x320000xi32, #tpu.memory_space<hbm>> -> memref<1x128xi32, #tpu.memory_space<hbm>>
          %dma_wait3A_70 = tpu.memref_squeeze %dma_wait3A_69 : memref<1x128xi32, #tpu.memory_space<hbm>> -> memref<128xi32, #tpu.memory_space<hbm>>
          %dma_wait3A_71 = arith.constant 0 : i32
          %dma_wait3A_72 = tpu.memref_slice %arg9[%sub3A_22, %dma_wait3A_71] : memref<2x128xi32, #tpu.memory_space<vmem>> -> memref<1x128xi32, #tpu.memory_space<vmem>>
          %dma_wait3A_73 = tpu.memref_squeeze %dma_wait3A_72 : memref<1x128xi32, #tpu.memory_space<vmem>> -> memref<128xi32, #tpu.memory_space<vmem>>
          %dma_wait3A_74 = tpu.memref_slice %arg3[%arg0, %mul3A_44] : memref<2x320000xi32, #tpu.memory_space<hbm>> -> memref<1x128xi32, #tpu.memory_space<hbm>>
          %dma_wait3A_75 = tpu.memref_squeeze %dma_wait3A_74 : memref<1x128xi32, #tpu.memory_space<hbm>> -> memref<128xi32, #tpu.memory_space<hbm>>
          tpu.wait_dma2 semaphore(%run_scoped3A : memref<!tpu.dma_semaphore, #tpu.memory_space<semaphore_mem>>) src(%dma_wait3A_75 : memref<128xi32, #tpu.memory_space<hbm>>) dst(%dma_wait3A_73 : memref<128xi32, #tpu.memory_space<vmem>>)
          tpu.yield
        }) : () -> ()
        "tpu.region"() ({
          %run_scoped3A = tpu.sem_alloc : memref<!tpu.dma_semaphore, #tpu.memory_space<semaphore_mem>>
          %dma_start3A_56 = arith.constant 0 : i32
          %dma_start3A_57 = tpu.memref_slice %arg10[%sub3A_22, %dma_start3A_56] : memref<2x128xi32, #tpu.memory_space<vmem>> -> memref<1x128xi32, #tpu.memory_space<vmem>>
          %dma_start3A_58 = tpu.memref_squeeze %dma_start3A_57 : memref<1x128xi32, #tpu.memory_space<vmem>> -> memref<128xi32, #tpu.memory_space<vmem>>
          %dma_start3A_59 = tpu.memref_slice %arg4[%arg0, %mul3A_44] : memref<2x320000xi32, #tpu.memory_space<hbm>> -> memref<1x128xi32, #tpu.memory_space<hbm>>
          %dma_start3A_60 = tpu.memref_squeeze %dma_start3A_59 : memref<1x128xi32, #tpu.memory_space<hbm>> -> memref<128xi32, #tpu.memory_space<hbm>>
          %dma_start3A_61 = arith.constant 0 : i32
          %dma_start3A_62 = tpu.memref_slice %arg10[%sub3A_22, %dma_start3A_61] : memref<2x128xi32, #tpu.memory_space<vmem>> -> memref<1x128xi32, #tpu.memory_space<vmem>>
          %dma_start3A_63 = tpu.memref_squeeze %dma_start3A_62 : memref<1x128xi32, #tpu.memory_space<vmem>> -> memref<128xi32, #tpu.memory_space<vmem>>
          %dma_start3A_64 = tpu.memref_slice %arg4[%arg0, %mul3A_44] : memref<2x320000xi32, #tpu.memory_space<hbm>> -> memref<1x128xi32, #tpu.memory_space<hbm>>
          %dma_start3A_65 = tpu.memref_squeeze %dma_start3A_64 : memref<1x128xi32, #tpu.memory_space<hbm>> -> memref<128xi32, #tpu.memory_space<hbm>>
          tpu.enqueue_dma source(%dma_start3A_65 : memref<128xi32, #tpu.memory_space<hbm>>) target(%dma_start3A_63 : memref<128xi32, #tpu.memory_space<vmem>>) target_semaphore(%run_scoped3A : memref<!tpu.dma_semaphore, #tpu.memory_space<semaphore_mem>>)
          %dma_wait3A_66 = arith.constant 0 : i32
          %dma_wait3A_67 = tpu.memref_slice %arg10[%sub3A_22, %dma_wait3A_66] : memref<2x128xi32, #tpu.memory_space<vmem>> -> memref<1x128xi32, #tpu.memory_space<vmem>>
          %dma_wait3A_68 = tpu.memref_squeeze %dma_wait3A_67 : memref<1x128xi32, #tpu.memory_space<vmem>> -> memref<128xi32, #tpu.memory_space<vmem>>
          %dma_wait3A_69 = tpu.memref_slice %arg4[%arg0, %mul3A_44] : memref<2x320000xi32, #tpu.memory_space<hbm>> -> memref<1x128xi32, #tpu.memory_space<hbm>>
          %dma_wait3A_70 = tpu.memref_squeeze %dma_wait3A_69 : memref<1x128xi32, #tpu.memory_space<hbm>> -> memref<128xi32, #tpu.memory_space<hbm>>
          %dma_wait3A_71 = arith.constant 0 : i32
          %dma_wait3A_72 = tpu.memref_slice %arg10[%sub3A_22, %dma_wait3A_71] : memref<2x128xi32, #tpu.memory_space<vmem>> -> memref<1x128xi32, #tpu.memory_space<vmem>>
          %dma_wait3A_73 = tpu.memref_squeeze %dma_wait3A_72 : memref<1x128xi32, #tpu.memory_space<vmem>> -> memref<128xi32, #tpu.memory_space<vmem>>
          %dma_wait3A_74 = tpu.memref_slice %arg4[%arg0, %mul3A_44] : memref<2x320000xi32, #tpu.memory_space<hbm>> -> memref<1x128xi32, #tpu.memory_space<hbm>>
          %dma_wait3A_75 = tpu.memref_squeeze %dma_wait3A_74 : memref<1x128xi32, #tpu.memory_space<hbm>> -> memref<128xi32, #tpu.memory_space<hbm>>
          tpu.wait_dma2 semaphore(%run_scoped3A : memref<!tpu.dma_semaphore, #tpu.memory_space<semaphore_mem>>) src(%dma_wait3A_75 : memref<128xi32, #tpu.memory_space<hbm>>) dst(%dma_wait3A_73 : memref<128xi32, #tpu.memory_space<vmem>>)
          tpu.yield
        }) : () -> ()
        %dma_start3A = arith.constant 0 : i32
        %dma_start3A_45 = arith.constant 0 : i32
        %dma_start3A_46 = tpu.memref_slice %arg8[%sub3A_22, %dma_start3A, %dma_start3A_45] : memref<2x128x128xf32, #tpu.memory_space<vmem>> -> memref<1x128x128xf32, #tpu.memory_space<vmem>>
        %dma_start3A_47 = tpu.memref_squeeze %dma_start3A_46 : memref<1x128x128xf32, #tpu.memory_space<vmem>> -> memref<128x128xf32, #tpu.memory_space<vmem>>
        %dma_start3A_48 = arith.constant 0 : i32
        %dma_start3A_49 = tpu.memref_slice %arg9[%sub3A_22, %dma_start3A_48] : memref<2x128xi32, #tpu.memory_space<vmem>> -> memref<1x128xi32, #tpu.memory_space<vmem>>
        %dma_start3A_50 = tpu.memref_squeeze %dma_start3A_49 : memref<1x128xi32, #tpu.memory_space<vmem>> -> memref<128xi32, #tpu.memory_space<vmem>>
        %dma_start3A_51 = arith.constant 0 : i32
        %dma_start3A_52 = arith.constant 0 : i32
        %dma_start3A_53 = tpu.memref_slice %arg2[%dma_start3A_51, %dma_start3A_52] : memref<20480x128xf32, #tpu.memory_space<hbm>> -> memref<20480x128xf32, #tpu.memory_space<hbm>>
        %dma_start3A_54 = tpu.memref_slice %arg11[%sub3A_22] : memref<2x!tpu.dma_semaphore, #tpu.memory_space<semaphore_mem>> -> memref<1x!tpu.dma_semaphore, #tpu.memory_space<semaphore_mem>>
        %dma_start3A_55 = tpu.memref_squeeze %dma_start3A_54 : memref<1x!tpu.dma_semaphore, #tpu.memory_space<semaphore_mem>> -> memref<!tpu.dma_semaphore, #tpu.memory_space<semaphore_mem>>
        tpu.enqueue_indirect_dma source(%dma_start3A_53 : memref<20480x128xf32, #tpu.memory_space<hbm>>) target(%dma_start3A_47 : memref<128x128xf32, #tpu.memory_space<vmem>>) offsets(%dma_start3A_50 : memref<128xi32, #tpu.memory_space<vmem>>) semaphore(%dma_start3A_55 : memref<!tpu.dma_semaphore, #tpu.memory_space<semaphore_mem>>)
      } else {
      }
      %dma_wait3A = arith.constant 0 : i32
      %dma_wait3A_29 = arith.constant 0 : i32
      %dma_wait3A_30 = tpu.memref_slice %arg8[%rem3A_21, %dma_wait3A, %dma_wait3A_29] : memref<2x128x128xf32, #tpu.memory_space<vmem>> -> memref<1x128x128xf32, #tpu.memory_space<vmem>>
      %dma_wait3A_31 = tpu.memref_squeeze %dma_wait3A_30 : memref<1x128x128xf32, #tpu.memory_space<vmem>> -> memref<128x128xf32, #tpu.memory_space<vmem>>
      %dma_wait3A_32 = arith.constant 0 : i32
      %dma_wait3A_33 = tpu.memref_slice %arg9[%rem3A_21, %dma_wait3A_32] : memref<2x128xi32, #tpu.memory_space<vmem>> -> memref<1x128xi32, #tpu.memory_space<vmem>>
      %dma_wait3A_34 = tpu.memref_squeeze %dma_wait3A_33 : memref<1x128xi32, #tpu.memory_space<vmem>> -> memref<128xi32, #tpu.memory_space<vmem>>
      %dma_wait3A_35 = arith.constant 0 : i32
      %dma_wait3A_36 = arith.constant 0 : i32
      %dma_wait3A_37 = tpu.memref_slice %arg2[%dma_wait3A_35, %dma_wait3A_36] : memref<20480x128xf32, #tpu.memory_space<hbm>> -> memref<20480x128xf32, #tpu.memory_space<hbm>>
      %dma_wait3A_38 = tpu.memref_slice %arg11[%rem3A_21] : memref<2x!tpu.dma_semaphore, #tpu.memory_space<semaphore_mem>> -> memref<1x!tpu.dma_semaphore, #tpu.memory_space<semaphore_mem>>
      %dma_wait3A_39 = tpu.memref_squeeze %dma_wait3A_38 : memref<1x!tpu.dma_semaphore, #tpu.memory_space<semaphore_mem>> -> memref<!tpu.dma_semaphore, #tpu.memory_space<semaphore_mem>>
      tpu.wait_indirect_dma semaphore(%dma_wait3A_39 : memref<!tpu.dma_semaphore, #tpu.memory_space<semaphore_mem>>) src(%dma_wait3A_37 : memref<20480x128xf32, #tpu.memory_space<hbm>>) dst(%dma_wait3A_31 : memref<128x128xf32, #tpu.memory_space<vmem>>)
      "tpu.region"() ({
        %run_scoped3A = tpu.sem_alloc : memref<!tpu.dma_semaphore, #tpu.memory_space<semaphore_mem>>
        %dma_start3A = arith.constant 0 : i32
        %dma_start3A_40 = arith.constant 0 : i32
        %dma_start3A_41 = tpu.memref_slice %arg8[%rem3A_21, %dma_start3A, %dma_start3A_40] : memref<2x128x128xf32, #tpu.memory_space<vmem>> -> memref<1x128x128xf32, #tpu.memory_space<vmem>>
        %dma_start3A_42 = tpu.memref_squeeze %dma_start3A_41 : memref<1x128x128xf32, #tpu.memory_space<vmem>> -> memref<128x128xf32, #tpu.memory_space<vmem>>
        %dma_start3A_43 = arith.constant 0 : i32
        %dma_start3A_44 = tpu.memref_slice %arg10[%rem3A_21, %dma_start3A_43] : memref<2x128xi32, #tpu.memory_space<vmem>> -> memref<1x128xi32, #tpu.memory_space<vmem>>
        %dma_start3A_45 = tpu.memref_squeeze %dma_start3A_44 : memref<1x128xi32, #tpu.memory_space<vmem>> -> memref<128xi32, #tpu.memory_space<vmem>>
        %dma_start3A_46 = arith.constant 0 : i32
        %dma_start3A_47 = arith.constant 0 : i32
        %dma_start3A_48 = tpu.memref_slice %arg7[%dma_start3A_46, %dma_start3A_47] : memref<10240x128xf32, #tpu.memory_space<vmem_shared>> -> memref<10240x128xf32, #tpu.memory_space<vmem_shared>>
        tpu.enqueue_indirect_dma source(%dma_start3A_42 : memref<128x128xf32, #tpu.memory_space<vmem>>) target(%dma_start3A_48 : memref<10240x128xf32, #tpu.memory_space<vmem_shared>>) offsets(%dma_start3A_45 : memref<128xi32, #tpu.memory_space<vmem>>) semaphore(%run_scoped3A : memref<!tpu.dma_semaphore, #tpu.memory_space<semaphore_mem>>) {add = true}
        %dma_wait3A_49 = arith.constant 0 : i32
        %dma_wait3A_50 = arith.constant 0 : i32
        %dma_wait3A_51 = tpu.memref_slice %arg8[%rem3A_21, %dma_wait3A_49, %dma_wait3A_50] : memref<2x128x128xf32, #tpu.memory_space<vmem>> -> memref<1x128x128xf32, #tpu.memory_space<vmem>>
        %dma_wait3A_52 = tpu.memref_squeeze %dma_wait3A_51 : memref<1x128x128xf32, #tpu.memory_space<vmem>> -> memref<128x128xf32, #tpu.memory_space<vmem>>
        %dma_wait3A_53 = arith.constant 0 : i32
        %dma_wait3A_54 = tpu.memref_slice %arg10[%rem3A_21, %dma_wait3A_53] : memref<2x128xi32, #tpu.memory_space<vmem>> -> memref<1x128xi32, #tpu.memory_space<vmem>>
        %dma_wait3A_55 = tpu.memref_squeeze %dma_wait3A_54 : memref<1x128xi32, #tpu.memory_space<vmem>> -> memref<128xi32, #tpu.memory_space<vmem>>
        %dma_wait3A_56 = arith.constant 0 : i32
        %dma_wait3A_57 = arith.constant 0 : i32
        %dma_wait3A_58 = tpu.memref_slice %arg7[%dma_wait3A_56, %dma_wait3A_57] : memref<10240x128xf32, #tpu.memory_space<vmem_shared>> -> memref<10240x128xf32, #tpu.memory_space<vmem_shared>>
        tpu.wait_indirect_dma semaphore(%run_scoped3A : memref<!tpu.dma_semaphore, #tpu.memory_space<semaphore_mem>>) src(%dma_wait3A_52 : memref<128x128xf32, #tpu.memory_space<vmem>>) dst(%dma_wait3A_58 : memref<10240x128xf32, #tpu.memory_space<vmem_shared>>)
        tpu.yield
      }) : () -> ()
    }
    %while3A_18 = arith.constant 1 : i32
    scf.for %while3A_20 = %while3A_16 to %while3A_12 step %while3A_18  : i32 {
      %rem3A = arith.constant 2 : i32
      %rem3A_21 = arith.remsi %while3A_20, %rem3A : i32
      %sub3A = arith.constant 1 : i32
      %sub3A_22 = arith.subi %sub3A, %rem3A_21 : i32
      %add3A_23 = arith.constant 1 : i32
      %add3A_24 = arith.addi %while3A_20, %add3A_23 : i32
      %lt3A_25 = arith.cmpi slt, %add3A_24, %add3A_7 : i32
      %convert_element_type3A_26 = arith.extui %lt3A_25 : i1 to i32
      %cond3A_27 = arith.constant 0 : i32
      %cond3A_28 = arith.cmpi ne, %convert_element_type3A_26, %cond3A_27 : i32
      scf.if %cond3A_28 {
        %add3A_40 = arith.constant 1 : i32
        %add3A_41 = arith.addi %while3A_20, %add3A_40 : i32
        %add3A_42 = arith.addi %add3A, %add3A_41 : i32
        %mul3A_43 = arith.constant 128 : i32
        %mul3A_44 = arith.muli %add3A_42, %mul3A_43 : i32
        "tpu.region"() ({
          %run_scoped3A = tpu.sem_alloc : memref<!tpu.dma_semaphore, #tpu.memory_space<semaphore_mem>>
          %dma_start3A_56 = arith.constant 0 : i32
          %dma_start3A_57 = tpu.memref_slice %arg9[%sub3A_22, %dma_start3A_56] : memref<2x128xi32, #tpu.memory_space<vmem>> -> memref<1x128xi32, #tpu.memory_space<vmem>>
          %dma_start3A_58 = tpu.memref_squeeze %dma_start3A_57 : memref<1x128xi32, #tpu.memory_space<vmem>> -> memref<128xi32, #tpu.memory_space<vmem>>
          %dma_start3A_59 = tpu.memref_slice %arg3[%arg0, %mul3A_44] : memref<2x320000xi32, #tpu.memory_space<hbm>> -> memref<1x128xi32, #tpu.memory_space<hbm>>
          %dma_start3A_60 = tpu.memref_squeeze %dma_start3A_59 : memref<1x128xi32, #tpu.memory_space<hbm>> -> memref<128xi32, #tpu.memory_space<hbm>>
          %dma_start3A_61 = arith.constant 0 : i32
          %dma_start3A_62 = tpu.memref_slice %arg9[%sub3A_22, %dma_start3A_61] : memref<2x128xi32, #tpu.memory_space<vmem>> -> memref<1x128xi32, #tpu.memory_space<vmem>>
          %dma_start3A_63 = tpu.memref_squeeze %dma_start3A_62 : memref<1x128xi32, #tpu.memory_space<vmem>> -> memref<128xi32, #tpu.memory_space<vmem>>
          %dma_start3A_64 = tpu.memref_slice %arg3[%arg0, %mul3A_44] : memref<2x320000xi32, #tpu.memory_space<hbm>> -> memref<1x128xi32, #tpu.memory_space<hbm>>
          %dma_start3A_65 = tpu.memref_squeeze %dma_start3A_64 : memref<1x128xi32, #tpu.memory_space<hbm>> -> memref<128xi32, #tpu.memory_space<hbm>>
          tpu.enqueue_dma source(%dma_start3A_65 : memref<128xi32, #tpu.memory_space<hbm>>) target(%dma_start3A_63 : memref<128xi32, #tpu.memory_space<vmem>>) target_semaphore(%run_scoped3A : memref<!tpu.dma_semaphore, #tpu.memory_space<semaphore_mem>>)
          %dma_wait3A_66 = arith.constant 0 : i32
          %dma_wait3A_67 = tpu.memref_slice %arg9[%sub3A_22, %dma_wait3A_66] : memref<2x128xi32, #tpu.memory_space<vmem>> -> memref<1x128xi32, #tpu.memory_space<vmem>>
          %dma_wait3A_68 = tpu.memref_squeeze %dma_wait3A_67 : memref<1x128xi32, #tpu.memory_space<vmem>> -> memref<128xi32, #tpu.memory_space<vmem>>
          %dma_wait3A_69 = tpu.memref_slice %arg3[%arg0, %mul3A_44] : memref<2x320000xi32, #tpu.memory_space<hbm>> -> memref<1x128xi32, #tpu.memory_space<hbm>>
          %dma_wait3A_70 = tpu.memref_squeeze %dma_wait3A_69 : memref<1x128xi32, #tpu.memory_space<hbm>> -> memref<128xi32, #tpu.memory_space<hbm>>
          %dma_wait3A_71 = arith.constant 0 : i32
          %dma_wait3A_72 = tpu.memref_slice %arg9[%sub3A_22, %dma_wait3A_71] : memref<2x128xi32, #tpu.memory_space<vmem>> -> memref<1x128xi32, #tpu.memory_space<vmem>>
          %dma_wait3A_73 = tpu.memref_squeeze %dma_wait3A_72 : memref<1x128xi32, #tpu.memory_space<vmem>> -> memref<128xi32, #tpu.memory_space<vmem>>
          %dma_wait3A_74 = tpu.memref_slice %arg3[%arg0, %mul3A_44] : memref<2x320000xi32, #tpu.memory_space<hbm>> -> memref<1x128xi32, #tpu.memory_space<hbm>>
          %dma_wait3A_75 = tpu.memref_squeeze %dma_wait3A_74 : memref<1x128xi32, #tpu.memory_space<hbm>> -> memref<128xi32, #tpu.memory_space<hbm>>
          tpu.wait_dma2 semaphore(%run_scoped3A : memref<!tpu.dma_semaphore, #tpu.memory_space<semaphore_mem>>) src(%dma_wait3A_75 : memref<128xi32, #tpu.memory_space<hbm>>) dst(%dma_wait3A_73 : memref<128xi32, #tpu.memory_space<vmem>>)
          tpu.yield
        }) : () -> ()
        "tpu.region"() ({
          %run_scoped3A = tpu.sem_alloc : memref<!tpu.dma_semaphore, #tpu.memory_space<semaphore_mem>>
          %dma_start3A_56 = arith.constant 0 : i32
          %dma_start3A_57 = tpu.memref_slice %arg10[%sub3A_22, %dma_start3A_56] : memref<2x128xi32, #tpu.memory_space<vmem>> -> memref<1x128xi32, #tpu.memory_space<vmem>>
          %dma_start3A_58 = tpu.memref_squeeze %dma_start3A_57 : memref<1x128xi32, #tpu.memory_space<vmem>> -> memref<128xi32, #tpu.memory_space<vmem>>
          %dma_start3A_59 = tpu.memref_slice %arg4[%arg0, %mul3A_44] : memref<2x320000xi32, #tpu.memory_space<hbm>> -> memref<1x128xi32, #tpu.memory_space<hbm>>
          %dma_start3A_60 = tpu.memref_squeeze %dma_start3A_59 : memref<1x128xi32, #tpu.memory_space<hbm>> -> memref<128xi32, #tpu.memory_space<hbm>>
          %dma_start3A_61 = arith.constant 0 : i32
          %dma_start3A_62 = tpu.memref_slice %arg10[%sub3A_22, %dma_start3A_61] : memref<2x128xi32, #tpu.memory_space<vmem>> -> memref<1x128xi32, #tpu.memory_space<vmem>>
          %dma_start3A_63 = tpu.memref_squeeze %dma_start3A_62 : memref<1x128xi32, #tpu.memory_space<vmem>> -> memref<128xi32, #tpu.memory_space<vmem>>
          %dma_start3A_64 = tpu.memref_slice %arg4[%arg0, %mul3A_44] : memref<2x320000xi32, #tpu.memory_space<hbm>> -> memref<1x128xi32, #tpu.memory_space<hbm>>
          %dma_start3A_65 = tpu.memref_squeeze %dma_start3A_64 : memref<1x128xi32, #tpu.memory_space<hbm>> -> memref<128xi32, #tpu.memory_space<hbm>>
          tpu.enqueue_dma source(%dma_start3A_65 : memref<128xi32, #tpu.memory_space<hbm>>) target(%dma_start3A_63 : memref<128xi32, #tpu.memory_space<vmem>>) target_semaphore(%run_scoped3A : memref<!tpu.dma_semaphore, #tpu.memory_space<semaphore_mem>>)
          %dma_wait3A_66 = arith.constant 0 : i32
          %dma_wait3A_67 = tpu.memref_slice %arg10[%sub3A_22, %dma_wait3A_66] : memref<2x128xi32, #tpu.memory_space<vmem>> -> memref<1x128xi32, #tpu.memory_space<vmem>>
          %dma_wait3A_68 = tpu.memref_squeeze %dma_wait3A_67 : memref<1x128xi32, #tpu.memory_space<vmem>> -> memref<128xi32, #tpu.memory_space<vmem>>
          %dma_wait3A_69 = tpu.memref_slice %arg4[%arg0, %mul3A_44] : memref<2x320000xi32, #tpu.memory_space<hbm>> -> memref<1x128xi32, #tpu.memory_space<hbm>>
          %dma_wait3A_70 = tpu.memref_squeeze %dma_wait3A_69 : memref<1x128xi32, #tpu.memory_space<hbm>> -> memref<128xi32, #tpu.memory_space<hbm>>
          %dma_wait3A_71 = arith.constant 0 : i32
          %dma_wait3A_72 = tpu.memref_slice %arg10[%sub3A_22, %dma_wait3A_71] : memref<2x128xi32, #tpu.memory_space<vmem>> -> memref<1x128xi32, #tpu.memory_space<vmem>>
          %dma_wait3A_73 = tpu.memref_squeeze %dma_wait3A_72 : memref<1x128xi32, #tpu.memory_space<vmem>> -> memref<128xi32, #tpu.memory_space<vmem>>
          %dma_wait3A_74 = tpu.memref_slice %arg4[%arg0, %mul3A_44] : memref<2x320000xi32, #tpu.memory_space<hbm>> -> memref<1x128xi32, #tpu.memory_space<hbm>>
          %dma_wait3A_75 = tpu.memref_squeeze %dma_wait3A_74 : memref<1x128xi32, #tpu.memory_space<hbm>> -> memref<128xi32, #tpu.memory_space<hbm>>
          tpu.wait_dma2 semaphore(%run_scoped3A : memref<!tpu.dma_semaphore, #tpu.memory_space<semaphore_mem>>) src(%dma_wait3A_75 : memref<128xi32, #tpu.memory_space<hbm>>) dst(%dma_wait3A_73 : memref<128xi32, #tpu.memory_space<vmem>>)
          tpu.yield
        }) : () -> ()
        %dma_start3A = arith.constant 0 : i32
        %dma_start3A_45 = arith.constant 0 : i32
        %dma_start3A_46 = tpu.memref_slice %arg8[%sub3A_22, %dma_start3A, %dma_start3A_45] : memref<2x128x128xf32, #tpu.memory_space<vmem>> -> memref<1x128x128xf32, #tpu.memory_space<vmem>>
        %dma_start3A_47 = tpu.memref_squeeze %dma_start3A_46 : memref<1x128x128xf32, #tpu.memory_space<vmem>> -> memref<128x128xf32, #tpu.memory_space<vmem>>
        %dma_start3A_48 = arith.constant 0 : i32
        %dma_start3A_49 = tpu.memref_slice %arg9[%sub3A_22, %dma_start3A_48] : memref<2x128xi32, #tpu.memory_space<vmem>> -> memref<1x128xi32, #tpu.memory_space<vmem>>
        %dma_start3A_50 = tpu.memref_squeeze %dma_start3A_49 : memref<1x128xi32, #tpu.memory_space<vmem>> -> memref<128xi32, #tpu.memory_space<vmem>>
        %dma_start3A_51 = arith.constant 0 : i32
        %dma_start3A_52 = arith.constant 0 : i32
        %dma_start3A_53 = tpu.memref_slice %arg2[%dma_start3A_51, %dma_start3A_52] : memref<20480x128xf32, #tpu.memory_space<hbm>> -> memref<20480x128xf32, #tpu.memory_space<hbm>>
        %dma_start3A_54 = tpu.memref_slice %arg11[%sub3A_22] : memref<2x!tpu.dma_semaphore, #tpu.memory_space<semaphore_mem>> -> memref<1x!tpu.dma_semaphore, #tpu.memory_space<semaphore_mem>>
        %dma_start3A_55 = tpu.memref_squeeze %dma_start3A_54 : memref<1x!tpu.dma_semaphore, #tpu.memory_space<semaphore_mem>> -> memref<!tpu.dma_semaphore, #tpu.memory_space<semaphore_mem>>
        tpu.enqueue_indirect_dma source(%dma_start3A_53 : memref<20480x128xf32, #tpu.memory_space<hbm>>) target(%dma_start3A_47 : memref<128x128xf32, #tpu.memory_space<vmem>>) offsets(%dma_start3A_50 : memref<128xi32, #tpu.memory_space<vmem>>) semaphore(%dma_start3A_55 : memref<!tpu.dma_semaphore, #tpu.memory_space<semaphore_mem>>)
      } else {
      }
      %dma_wait3A = arith.constant 0 : i32
      %dma_wait3A_29 = arith.constant 0 : i32
      %dma_wait3A_30 = tpu.memref_slice %arg8[%rem3A_21, %dma_wait3A, %dma_wait3A_29] : memref<2x128x128xf32, #tpu.memory_space<vmem>> -> memref<1x128x128xf32, #tpu.memory_space<vmem>>
      %dma_wait3A_31 = tpu.memref_squeeze %dma_wait3A_30 : memref<1x128x128xf32, #tpu.memory_space<vmem>> -> memref<128x128xf32, #tpu.memory_space<vmem>>
      %dma_wait3A_32 = arith.constant 0 : i32
      %dma_wait3A_33 = tpu.memref_slice %arg9[%rem3A_21, %dma_wait3A_32] : memref<2x128xi32, #tpu.memory_space<vmem>> -> memref<1x128xi32, #tpu.memory_space<vmem>>
      %dma_wait3A_34 = tpu.memref_squeeze %dma_wait3A_33 : memref<1x128xi32, #tpu.memory_space<vmem>> -> memref<128xi32, #tpu.memory_space<vmem>>
      %dma_wait3A_35 = arith.constant 0 : i32
      %dma_wait3A_36 = arith.constant 0 : i32
      %dma_wait3A_37 = tpu.memref_slice %arg2[%dma_wait3A_35, %dma_wait3A_36] : memref<20480x128xf32, #tpu.memory_space<hbm>> -> memref<20480x128xf32, #tpu.memory_space<hbm>>
      %dma_wait3A_38 = tpu.memref_slice %arg11[%rem3A_21] : memref<2x!tpu.dma_semaphore, #tpu.memory_space<semaphore_mem>> -> memref<1x!tpu.dma_semaphore, #tpu.memory_space<semaphore_mem>>
      %dma_wait3A_39 = tpu.memref_squeeze %dma_wait3A_38 : memref<1x!tpu.dma_semaphore, #tpu.memory_space<semaphore_mem>> -> memref<!tpu.dma_semaphore, #tpu.memory_space<semaphore_mem>>
      tpu.wait_indirect_dma semaphore(%dma_wait3A_39 : memref<!tpu.dma_semaphore, #tpu.memory_space<semaphore_mem>>) src(%dma_wait3A_37 : memref<20480x128xf32, #tpu.memory_space<hbm>>) dst(%dma_wait3A_31 : memref<128x128xf32, #tpu.memory_space<vmem>>)
      "tpu.region"() ({
        %run_scoped3A = tpu.sem_alloc : memref<!tpu.dma_semaphore, #tpu.memory_space<semaphore_mem>>
        %dma_start3A = arith.constant 0 : i32
        %dma_start3A_40 = arith.constant 0 : i32
        %dma_start3A_41 = tpu.memref_slice %arg8[%rem3A_21, %dma_start3A, %dma_start3A_40] : memref<2x128x128xf32, #tpu.memory_space<vmem>> -> memref<1x128x128xf32, #tpu.memory_space<vmem>>
        %dma_start3A_42 = tpu.memref_squeeze %dma_start3A_41 : memref<1x128x128xf32, #tpu.memory_space<vmem>> -> memref<128x128xf32, #tpu.memory_space<vmem>>
        %dma_start3A_43 = arith.constant 0 : i32
        %dma_start3A_44 = tpu.memref_slice %arg10[%rem3A_21, %dma_start3A_43] : memref<2x128xi32, #tpu.memory_space<vmem>> -> memref<1x128xi32, #tpu.memory_space<vmem>>
        %dma_start3A_45 = tpu.memref_squeeze %dma_start3A_44 : memref<1x128xi32, #tpu.memory_space<vmem>> -> memref<128xi32, #tpu.memory_space<vmem>>
        %dma_start3A_46 = arith.constant 0 : i32
        %dma_start3A_47 = arith.constant 0 : i32
        %dma_start3A_48 = tpu.memref_slice %arg7[%dma_start3A_46, %dma_start3A_47] : memref<10240x128xf32, #tpu.memory_space<vmem_shared>> -> memref<10240x128xf32, #tpu.memory_space<vmem_shared>>
        tpu.enqueue_indirect_dma source(%dma_start3A_42 : memref<128x128xf32, #tpu.memory_space<vmem>>) target(%dma_start3A_48 : memref<10240x128xf32, #tpu.memory_space<vmem_shared>>) offsets(%dma_start3A_45 : memref<128xi32, #tpu.memory_space<vmem>>) semaphore(%run_scoped3A : memref<!tpu.dma_semaphore, #tpu.memory_space<semaphore_mem>>) {add = true}
        %dma_wait3A_49 = arith.constant 0 : i32
        %dma_wait3A_50 = arith.constant 0 : i32
        %dma_wait3A_51 = tpu.memref_slice %arg8[%rem3A_21, %dma_wait3A_49, %dma_wait3A_50] : memref<2x128x128xf32, #tpu.memory_space<vmem>> -> memref<1x128x128xf32, #tpu.memory_space<vmem>>
        %dma_wait3A_52 = tpu.memref_squeeze %dma_wait3A_51 : memref<1x128x128xf32, #tpu.memory_space<vmem>> -> memref<128x128xf32, #tpu.memory_space<vmem>>
        %dma_wait3A_53 = arith.constant 0 : i32
        %dma_wait3A_54 = tpu.memref_slice %arg10[%rem3A_21, %dma_wait3A_53] : memref<2x128xi32, #tpu.memory_space<vmem>> -> memref<1x128xi32, #tpu.memory_space<vmem>>
        %dma_wait3A_55 = tpu.memref_squeeze %dma_wait3A_54 : memref<1x128xi32, #tpu.memory_space<vmem>> -> memref<128xi32, #tpu.memory_space<vmem>>
        %dma_wait3A_56 = arith.constant 0 : i32
        %dma_wait3A_57 = arith.constant 0 : i32
        %dma_wait3A_58 = tpu.memref_slice %arg7[%dma_wait3A_56, %dma_wait3A_57] : memref<10240x128xf32, #tpu.memory_space<vmem_shared>> -> memref<10240x128xf32, #tpu.memory_space<vmem_shared>>
        tpu.wait_indirect_dma semaphore(%run_scoped3A : memref<!tpu.dma_semaphore, #tpu.memory_space<semaphore_mem>>) src(%dma_wait3A_52 : memref<128x128xf32, #tpu.memory_space<vmem>>) dst(%dma_wait3A_58 : memref<10240x128xf32, #tpu.memory_space<vmem_shared>>)
        tpu.yield
      }) : () -> ()
    }
    %barrier3A_19 = arith.constant 0 : index
    tpu.barrier barrier_id(%barrier3A_19)
    "tpu.region"() ({
      %run_scoped3A = tpu.sem_alloc : memref<!tpu.dma_semaphore, #tpu.memory_space<semaphore_mem>>
      %dma_start3A = arith.constant 0 : i32
      %dma_start3A_20 = tpu.memref_slice %arg6[%arg0, %mul3A_0, %dma_start3A] : memref<2x10240x128xf32, #tpu.memory_space<hbm>> -> memref<1x640x128xf32, #tpu.memory_space<hbm>>
      %dma_start3A_21 = tpu.memref_squeeze %dma_start3A_20 : memref<1x640x128xf32, #tpu.memory_space<hbm>> -> memref<640x128xf32, #tpu.memory_space<hbm>>
      %dma_start3A_22 = arith.constant 0 : i32
      %dma_start3A_23 = tpu.memref_slice %arg7[%mul3A_0, %dma_start3A_22] : memref<10240x128xf32, #tpu.memory_space<vmem_shared>> -> memref<640x128xf32, #tpu.memory_space<vmem_shared>>
      tpu.enqueue_dma source(%dma_start3A_23 : memref<640x128xf32, #tpu.memory_space<vmem_shared>>) target(%dma_start3A_21 : memref<640x128xf32, #tpu.memory_space<hbm>>) target_semaphore(%run_scoped3A : memref<!tpu.dma_semaphore, #tpu.memory_space<semaphore_mem>>)
      %dma_wait3A = arith.constant 0 : i32
      %dma_wait3A_24 = tpu.memref_slice %arg6[%arg0, %mul3A_0, %dma_wait3A] : memref<2x10240x128xf32, #tpu.memory_space<hbm>> -> memref<1x640x128xf32, #tpu.memory_space<hbm>>
      %dma_wait3A_25 = tpu.memref_squeeze %dma_wait3A_24 : memref<1x640x128xf32, #tpu.memory_space<hbm>> -> memref<640x128xf32, #tpu.memory_space<hbm>>
      %dma_wait3A_26 = arith.constant 0 : i32
      %dma_wait3A_27 = tpu.memref_slice %arg7[%mul3A_0, %dma_wait3A_26] : memref<10240x128xf32, #tpu.memory_space<vmem_shared>> -> memref<640x128xf32, #tpu.memory_space<vmem_shared>>
      tpu.wait_dma2 semaphore(%run_scoped3A : memref<!tpu.dma_semaphore, #tpu.memory_space<semaphore_mem>>) src(%dma_wait3A_27 : memref<640x128xf32, #tpu.memory_space<vmem_shared>>) dst(%dma_wait3A_25 : memref<640x128xf32, #tpu.memory_space<hbm>>)
      tpu.yield
    }) : () -> ()
    return
  }
}

#map = affine_map<(d0, d1) -> (0, 0)>
#map1 = affine_map<(d0, d1) -> (0, 0, 0)>
module attributes {stable_mosaic.version = 14 : i64} {
  func.func @_edge_body(%arg0: i32, %arg1: i32, %arg2: memref<20480x128xf32, #tpu.memory_space<hbm>>, %arg3: memref<2x320000xi32, #tpu.memory_space<hbm>>, %arg4: memref<2x320000xi32, #tpu.memory_space<hbm>>, %arg5: memref<10240x128xf32, #tpu.memory_space<hbm>>, %arg6: memref<2x10240x128xf32, #tpu.memory_space<hbm>>, %arg7: memref<10240x128xf32, #tpu.memory_space<vmem_shared>>, %arg8: memref<2x128x128xf32, #tpu.memory_space<vmem>>, %arg9: memref<2x128xi32, #tpu.memory_space<vmem>>, %arg10: memref<2x128xi32, #tpu.memory_space<vmem>>, %arg11: memref<2x!tpu.dma_semaphore, #tpu.memory_space<semaphore_mem>>) attributes {dimension_semantics = [#tpu.dimension_semantics<core_parallel>, #tpu.dimension_semantics<subcore_parallel>], iteration_bounds = array<i64: 2, 16>, scalar_prefetch = 0 : i64, scratch_operands = 5 : i64, tpu.core_type = #tpu.core_type<sc_vector_subcore>, window_params = [{transform_indices = #map}, {transform_indices = #map}, {transform_indices = #map}, {transform_indices = #map}, {transform_indices = #map1}]} {
    %mul3A = arith.constant 640 : i32
    %mul3A_0 = arith.muli %arg1, %mul3A : i32
    "tpu.region"() ({
      %run_scoped3A = tpu.sem_alloc : memref<!tpu.dma_semaphore, #tpu.memory_space<semaphore_mem>>
      %dma_start3A = arith.constant 0 : i32
      %dma_start3A_20 = tpu.memref_slice %arg7[%mul3A_0, %dma_start3A] : memref<10240x128xf32, #tpu.memory_space<vmem_shared>> -> memref<640x128xf32, #tpu.memory_space<vmem_shared>>
      %dma_start3A_21 = arith.constant 0 : i32
      %dma_start3A_22 = tpu.memref_slice %arg5[%mul3A_0, %dma_start3A_21] : memref<10240x128xf32, #tpu.memory_space<hbm>> -> memref<640x128xf32, #tpu.memory_space<hbm>>
      tpu.enqueue_dma source(%dma_start3A_22 : memref<640x128xf32, #tpu.memory_space<hbm>>) target(%dma_start3A_20 : memref<640x128xf32, #tpu.memory_space<vmem_shared>>) target_semaphore(%run_scoped3A : memref<!tpu.dma_semaphore, #tpu.memory_space<semaphore_mem>>)
      %dma_wait3A = arith.constant 0 : i32
      %dma_wait3A_23 = tpu.memref_slice %arg7[%mul3A_0, %dma_wait3A] : memref<10240x128xf32, #tpu.memory_space<vmem_shared>> -> memref<640x128xf32, #tpu.memory_space<vmem_shared>>
      %dma_wait3A_24 = arith.constant 0 : i32
      %dma_wait3A_25 = tpu.memref_slice %arg5[%mul3A_0, %dma_wait3A_24] : memref<10240x128xf32, #tpu.memory_space<hbm>> -> memref<640x128xf32, #tpu.memory_space<hbm>>
      tpu.wait_dma2 semaphore(%run_scoped3A : memref<!tpu.dma_semaphore, #tpu.memory_space<semaphore_mem>>) src(%dma_wait3A_25 : memref<640x128xf32, #tpu.memory_space<hbm>>) dst(%dma_wait3A_23 : memref<640x128xf32, #tpu.memory_space<vmem_shared>>)
      tpu.yield
    }) : () -> ()
    %barrier3A = arith.constant 0 : index
    tpu.barrier barrier_id(%barrier3A)
    %mul3A_1 = arith.constant 156 : i32
    %mul3A_2 = arith.muli %arg1, %mul3A_1 : i32
    %min3A = arith.constant 4 : i32
    %min3A_3 = arith.minsi %arg1, %min3A : i32
    %add3A = arith.addi %mul3A_2, %min3A_3 : i32
    %lt3A = arith.constant 4 : i32
    %lt3A_4 = arith.cmpi slt, %arg1, %lt3A : i32
    %jit3A = arith.constant 1 : i32
    %jit3A_5 = arith.constant 0 : i32
    %select_n3A = arith.select %lt3A_4, %jit3A, %jit3A_5 : i32
    %add3A_6 = arith.constant 156 : i32
    %add3A_7 = arith.addi %add3A_6, %select_n3A : i32
    %gt3A = arith.constant 0 : i32
    %gt3A_8 = arith.cmpi sgt, %add3A_7, %gt3A : i32
    %convert_element_type3A = arith.extui %gt3A_8 : i1 to i32
    %cond3A = arith.constant 0 : i32
    %cond3A_9 = arith.cmpi ne, %convert_element_type3A, %cond3A : i32
    scf.if %cond3A_9 {
      %add3A_20 = arith.constant 0 : i32
      %add3A_21 = arith.addi %add3A, %add3A_20 : i32
      %mul3A_22 = arith.constant 128 : i32
      %mul3A_23 = arith.muli %add3A_21, %mul3A_22 : i32
      %run_scoped3A = arith.constant 0 : i32
      "tpu.region"() ({
        %run_scoped3A_39 = tpu.sem_alloc : memref<!tpu.dma_semaphore, #tpu.memory_space<semaphore_mem>>
        %dma_start3A_40 = arith.constant 0 : i32
        %dma_start3A_41 = tpu.memref_slice %arg9[%run_scoped3A, %dma_start3A_40] : memref<2x128xi32, #tpu.memory_space<vmem>> -> memref<1x128xi32, #tpu.memory_space<vmem>>
        %dma_start3A_42 = tpu.memref_squeeze %dma_start3A_41 : memref<1x128xi32, #tpu.memory_space<vmem>> -> memref<128xi32, #tpu.memory_space<vmem>>
        %dma_start3A_43 = tpu.memref_slice %arg3[%arg0, %mul3A_23] : memref<2x320000xi32, #tpu.memory_space<hbm>> -> memref<1x128xi32, #tpu.memory_space<hbm>>
        %dma_start3A_44 = tpu.memref_squeeze %dma_start3A_43 : memref<1x128xi32, #tpu.memory_space<hbm>> -> memref<128xi32, #tpu.memory_space<hbm>>
        %dma_start3A_45 = arith.constant 0 : i32
        %dma_start3A_46 = tpu.memref_slice %arg9[%run_scoped3A, %dma_start3A_45] : memref<2x128xi32, #tpu.memory_space<vmem>> -> memref<1x128xi32, #tpu.memory_space<vmem>>
        %dma_start3A_47 = tpu.memref_squeeze %dma_start3A_46 : memref<1x128xi32, #tpu.memory_space<vmem>> -> memref<128xi32, #tpu.memory_space<vmem>>
        %dma_start3A_48 = tpu.memref_slice %arg3[%arg0, %mul3A_23] : memref<2x320000xi32, #tpu.memory_space<hbm>> -> memref<1x128xi32, #tpu.memory_space<hbm>>
        %dma_start3A_49 = tpu.memref_squeeze %dma_start3A_48 : memref<1x128xi32, #tpu.memory_space<hbm>> -> memref<128xi32, #tpu.memory_space<hbm>>
        tpu.enqueue_dma source(%dma_start3A_49 : memref<128xi32, #tpu.memory_space<hbm>>) target(%dma_start3A_47 : memref<128xi32, #tpu.memory_space<vmem>>) target_semaphore(%run_scoped3A_39 : memref<!tpu.dma_semaphore, #tpu.memory_space<semaphore_mem>>)
        %dma_wait3A = arith.constant 0 : i32
        %dma_wait3A_50 = tpu.memref_slice %arg9[%run_scoped3A, %dma_wait3A] : memref<2x128xi32, #tpu.memory_space<vmem>> -> memref<1x128xi32, #tpu.memory_space<vmem>>
        %dma_wait3A_51 = tpu.memref_squeeze %dma_wait3A_50 : memref<1x128xi32, #tpu.memory_space<vmem>> -> memref<128xi32, #tpu.memory_space<vmem>>
        %dma_wait3A_52 = tpu.memref_slice %arg3[%arg0, %mul3A_23] : memref<2x320000xi32, #tpu.memory_space<hbm>> -> memref<1x128xi32, #tpu.memory_space<hbm>>
        %dma_wait3A_53 = tpu.memref_squeeze %dma_wait3A_52 : memref<1x128xi32, #tpu.memory_space<hbm>> -> memref<128xi32, #tpu.memory_space<hbm>>
        %dma_wait3A_54 = arith.constant 0 : i32
        %dma_wait3A_55 = tpu.memref_slice %arg9[%run_scoped3A, %dma_wait3A_54] : memref<2x128xi32, #tpu.memory_space<vmem>> -> memref<1x128xi32, #tpu.memory_space<vmem>>
        %dma_wait3A_56 = tpu.memref_squeeze %dma_wait3A_55 : memref<1x128xi32, #tpu.memory_space<vmem>> -> memref<128xi32, #tpu.memory_space<vmem>>
        %dma_wait3A_57 = tpu.memref_slice %arg3[%arg0, %mul3A_23] : memref<2x320000xi32, #tpu.memory_space<hbm>> -> memref<1x128xi32, #tpu.memory_space<hbm>>
        %dma_wait3A_58 = tpu.memref_squeeze %dma_wait3A_57 : memref<1x128xi32, #tpu.memory_space<hbm>> -> memref<128xi32, #tpu.memory_space<hbm>>
        tpu.wait_dma2 semaphore(%run_scoped3A_39 : memref<!tpu.dma_semaphore, #tpu.memory_space<semaphore_mem>>) src(%dma_wait3A_58 : memref<128xi32, #tpu.memory_space<hbm>>) dst(%dma_wait3A_56 : memref<128xi32, #tpu.memory_space<vmem>>)
        tpu.yield
      }) : () -> ()
      %run_scoped3A_24 = arith.constant 0 : i32
      "tpu.region"() ({
        %run_scoped3A_39 = tpu.sem_alloc : memref<!tpu.dma_semaphore, #tpu.memory_space<semaphore_mem>>
        %dma_start3A_40 = arith.constant 0 : i32
        %dma_start3A_41 = tpu.memref_slice %arg10[%run_scoped3A_24, %dma_start3A_40] : memref<2x128xi32, #tpu.memory_space<vmem>> -> memref<1x128xi32, #tpu.memory_space<vmem>>
        %dma_start3A_42 = tpu.memref_squeeze %dma_start3A_41 : memref<1x128xi32, #tpu.memory_space<vmem>> -> memref<128xi32, #tpu.memory_space<vmem>>
        %dma_start3A_43 = tpu.memref_slice %arg4[%arg0, %mul3A_23] : memref<2x320000xi32, #tpu.memory_space<hbm>> -> memref<1x128xi32, #tpu.memory_space<hbm>>
        %dma_start3A_44 = tpu.memref_squeeze %dma_start3A_43 : memref<1x128xi32, #tpu.memory_space<hbm>> -> memref<128xi32, #tpu.memory_space<hbm>>
        %dma_start3A_45 = arith.constant 0 : i32
        %dma_start3A_46 = tpu.memref_slice %arg10[%run_scoped3A_24, %dma_start3A_45] : memref<2x128xi32, #tpu.memory_space<vmem>> -> memref<1x128xi32, #tpu.memory_space<vmem>>
        %dma_start3A_47 = tpu.memref_squeeze %dma_start3A_46 : memref<1x128xi32, #tpu.memory_space<vmem>> -> memref<128xi32, #tpu.memory_space<vmem>>
        %dma_start3A_48 = tpu.memref_slice %arg4[%arg0, %mul3A_23] : memref<2x320000xi32, #tpu.memory_space<hbm>> -> memref<1x128xi32, #tpu.memory_space<hbm>>
        %dma_start3A_49 = tpu.memref_squeeze %dma_start3A_48 : memref<1x128xi32, #tpu.memory_space<hbm>> -> memref<128xi32, #tpu.memory_space<hbm>>
        tpu.enqueue_dma source(%dma_start3A_49 : memref<128xi32, #tpu.memory_space<hbm>>) target(%dma_start3A_47 : memref<128xi32, #tpu.memory_space<vmem>>) target_semaphore(%run_scoped3A_39 : memref<!tpu.dma_semaphore, #tpu.memory_space<semaphore_mem>>)
        %dma_wait3A = arith.constant 0 : i32
        %dma_wait3A_50 = tpu.memref_slice %arg10[%run_scoped3A_24, %dma_wait3A] : memref<2x128xi32, #tpu.memory_space<vmem>> -> memref<1x128xi32, #tpu.memory_space<vmem>>
        %dma_wait3A_51 = tpu.memref_squeeze %dma_wait3A_50 : memref<1x128xi32, #tpu.memory_space<vmem>> -> memref<128xi32, #tpu.memory_space<vmem>>
        %dma_wait3A_52 = tpu.memref_slice %arg4[%arg0, %mul3A_23] : memref<2x320000xi32, #tpu.memory_space<hbm>> -> memref<1x128xi32, #tpu.memory_space<hbm>>
        %dma_wait3A_53 = tpu.memref_squeeze %dma_wait3A_52 : memref<1x128xi32, #tpu.memory_space<hbm>> -> memref<128xi32, #tpu.memory_space<hbm>>
        %dma_wait3A_54 = arith.constant 0 : i32
        %dma_wait3A_55 = tpu.memref_slice %arg10[%run_scoped3A_24, %dma_wait3A_54] : memref<2x128xi32, #tpu.memory_space<vmem>> -> memref<1x128xi32, #tpu.memory_space<vmem>>
        %dma_wait3A_56 = tpu.memref_squeeze %dma_wait3A_55 : memref<1x128xi32, #tpu.memory_space<vmem>> -> memref<128xi32, #tpu.memory_space<vmem>>
        %dma_wait3A_57 = tpu.memref_slice %arg4[%arg0, %mul3A_23] : memref<2x320000xi32, #tpu.memory_space<hbm>> -> memref<1x128xi32, #tpu.memory_space<hbm>>
        %dma_wait3A_58 = tpu.memref_squeeze %dma_wait3A_57 : memref<1x128xi32, #tpu.memory_space<hbm>> -> memref<128xi32, #tpu.memory_space<hbm>>
        tpu.wait_dma2 semaphore(%run_scoped3A_39 : memref<!tpu.dma_semaphore, #tpu.memory_space<semaphore_mem>>) src(%dma_wait3A_58 : memref<128xi32, #tpu.memory_space<hbm>>) dst(%dma_wait3A_56 : memref<128xi32, #tpu.memory_space<vmem>>)
        tpu.yield
      }) : () -> ()
      %dma_start3A = arith.constant 0 : i32
      %dma_start3A_25 = arith.constant 0 : i32
      %dma_start3A_26 = arith.constant 0 : i32
      %dma_start3A_27 = arith.constant 0 : i32
      %dma_start3A_28 = arith.constant 0 : i32
      %dma_start3A_29 = tpu.memref_slice %arg8[%dma_start3A_25, %dma_start3A_27, %dma_start3A_28] : memref<2x128x128xf32, #tpu.memory_space<vmem>> -> memref<1x128x128xf32, #tpu.memory_space<vmem>>
      %dma_start3A_30 = tpu.memref_squeeze %dma_start3A_29 : memref<1x128x128xf32, #tpu.memory_space<vmem>> -> memref<128x128xf32, #tpu.memory_space<vmem>>
      %dma_start3A_31 = arith.constant 0 : i32
      %dma_start3A_32 = tpu.memref_slice %arg9[%dma_start3A, %dma_start3A_31] : memref<2x128xi32, #tpu.memory_space<vmem>> -> memref<1x128xi32, #tpu.memory_space<vmem>>
      %dma_start3A_33 = tpu.memref_squeeze %dma_start3A_32 : memref<1x128xi32, #tpu.memory_space<vmem>> -> memref<128xi32, #tpu.memory_space<vmem>>
      %dma_start3A_34 = arith.constant 0 : i32
      %dma_start3A_35 = arith.constant 0 : i32
      %dma_start3A_36 = tpu.memref_slice %arg2[%dma_start3A_34, %dma_start3A_35] : memref<20480x128xf32, #tpu.memory_space<hbm>> -> memref<20480x128xf32, #tpu.memory_space<hbm>>
      %dma_start3A_37 = tpu.memref_slice %arg11[%dma_start3A_26] : memref<2x!tpu.dma_semaphore, #tpu.memory_space<semaphore_mem>> -> memref<1x!tpu.dma_semaphore, #tpu.memory_space<semaphore_mem>>
      %dma_start3A_38 = tpu.memref_squeeze %dma_start3A_37 : memref<1x!tpu.dma_semaphore, #tpu.memory_space<semaphore_mem>> -> memref<!tpu.dma_semaphore, #tpu.memory_space<semaphore_mem>>
      tpu.enqueue_indirect_dma source(%dma_start3A_36 : memref<20480x128xf32, #tpu.memory_space<hbm>>) target(%dma_start3A_30 : memref<128x128xf32, #tpu.memory_space<vmem>>) offsets(%dma_start3A_33 : memref<128xi32, #tpu.memory_space<vmem>>) semaphore(%dma_start3A_38 : memref<!tpu.dma_semaphore, #tpu.memory_space<semaphore_mem>>)
    } else {
    }
    %while3A = arith.constant 0 : i32
    %while3A_10 = arith.constant 0 : i32
    %while3A_11 = arith.subi %add3A_7, %while3A_10 : i32
    %while3A_12 = arith.addi %while3A_10, %while3A_11 : i32
    %while3A_13 = arith.constant 1 : i32
    %while3A_14 = arith.divsi %while3A_11, %while3A_13 : i32
    %while3A_15 = arith.muli %while3A_14, %while3A_13 : i32
    %while3A_16 = arith.addi %while3A_10, %while3A_15 : i32
    %while3A_17 = arith.constant 1 : i32
    scf.for %while3A_20 = %while3A_10 to %while3A_16 step %while3A_17  : i32 {
      %rem3A = arith.constant 2 : i32
      %rem3A_21 = arith.remsi %while3A_20, %rem3A : i32
      %sub3A = arith.constant 1 : i32
      %sub3A_22 = arith.subi %sub3A, %rem3A_21 : i32
      %add3A_23 = arith.constant 1 : i32
      %add3A_24 = arith.addi %while3A_20, %add3A_23 : i32
      %lt3A_25 = arith.cmpi slt, %add3A_24, %add3A_7 : i32
      %convert_element_type3A_26 = arith.extui %lt3A_25 : i1 to i32
      %cond3A_27 = arith.constant 0 : i32
      %cond3A_28 = arith.cmpi ne, %convert_element_type3A_26, %cond3A_27 : i32
      scf.if %cond3A_28 {
        %add3A_40 = arith.constant 1 : i32
        %add3A_41 = arith.addi %while3A_20, %add3A_40 : i32
        %add3A_42 = arith.addi %add3A, %add3A_41 : i32
        %mul3A_43 = arith.constant 128 : i32
        %mul3A_44 = arith.muli %add3A_42, %mul3A_43 : i32
        "tpu.region"() ({
          %run_scoped3A = tpu.sem_alloc : memref<!tpu.dma_semaphore, #tpu.memory_space<semaphore_mem>>
          %dma_start3A_56 = arith.constant 0 : i32
          %dma_start3A_57 = tpu.memref_slice %arg9[%sub3A_22, %dma_start3A_56] : memref<2x128xi32, #tpu.memory_space<vmem>> -> memref<1x128xi32, #tpu.memory_space<vmem>>
          %dma_start3A_58 = tpu.memref_squeeze %dma_start3A_57 : memref<1x128xi32, #tpu.memory_space<vmem>> -> memref<128xi32, #tpu.memory_space<vmem>>
          %dma_start3A_59 = tpu.memref_slice %arg3[%arg0, %mul3A_44] : memref<2x320000xi32, #tpu.memory_space<hbm>> -> memref<1x128xi32, #tpu.memory_space<hbm>>
          %dma_start3A_60 = tpu.memref_squeeze %dma_start3A_59 : memref<1x128xi32, #tpu.memory_space<hbm>> -> memref<128xi32, #tpu.memory_space<hbm>>
          %dma_start3A_61 = arith.constant 0 : i32
          %dma_start3A_62 = tpu.memref_slice %arg9[%sub3A_22, %dma_start3A_61] : memref<2x128xi32, #tpu.memory_space<vmem>> -> memref<1x128xi32, #tpu.memory_space<vmem>>
          %dma_start3A_63 = tpu.memref_squeeze %dma_start3A_62 : memref<1x128xi32, #tpu.memory_space<vmem>> -> memref<128xi32, #tpu.memory_space<vmem>>
          %dma_start3A_64 = tpu.memref_slice %arg3[%arg0, %mul3A_44] : memref<2x320000xi32, #tpu.memory_space<hbm>> -> memref<1x128xi32, #tpu.memory_space<hbm>>
          %dma_start3A_65 = tpu.memref_squeeze %dma_start3A_64 : memref<1x128xi32, #tpu.memory_space<hbm>> -> memref<128xi32, #tpu.memory_space<hbm>>
          tpu.enqueue_dma source(%dma_start3A_65 : memref<128xi32, #tpu.memory_space<hbm>>) target(%dma_start3A_63 : memref<128xi32, #tpu.memory_space<vmem>>) target_semaphore(%run_scoped3A : memref<!tpu.dma_semaphore, #tpu.memory_space<semaphore_mem>>)
          %dma_wait3A_66 = arith.constant 0 : i32
          %dma_wait3A_67 = tpu.memref_slice %arg9[%sub3A_22, %dma_wait3A_66] : memref<2x128xi32, #tpu.memory_space<vmem>> -> memref<1x128xi32, #tpu.memory_space<vmem>>
          %dma_wait3A_68 = tpu.memref_squeeze %dma_wait3A_67 : memref<1x128xi32, #tpu.memory_space<vmem>> -> memref<128xi32, #tpu.memory_space<vmem>>
          %dma_wait3A_69 = tpu.memref_slice %arg3[%arg0, %mul3A_44] : memref<2x320000xi32, #tpu.memory_space<hbm>> -> memref<1x128xi32, #tpu.memory_space<hbm>>
          %dma_wait3A_70 = tpu.memref_squeeze %dma_wait3A_69 : memref<1x128xi32, #tpu.memory_space<hbm>> -> memref<128xi32, #tpu.memory_space<hbm>>
          %dma_wait3A_71 = arith.constant 0 : i32
          %dma_wait3A_72 = tpu.memref_slice %arg9[%sub3A_22, %dma_wait3A_71] : memref<2x128xi32, #tpu.memory_space<vmem>> -> memref<1x128xi32, #tpu.memory_space<vmem>>
          %dma_wait3A_73 = tpu.memref_squeeze %dma_wait3A_72 : memref<1x128xi32, #tpu.memory_space<vmem>> -> memref<128xi32, #tpu.memory_space<vmem>>
          %dma_wait3A_74 = tpu.memref_slice %arg3[%arg0, %mul3A_44] : memref<2x320000xi32, #tpu.memory_space<hbm>> -> memref<1x128xi32, #tpu.memory_space<hbm>>
          %dma_wait3A_75 = tpu.memref_squeeze %dma_wait3A_74 : memref<1x128xi32, #tpu.memory_space<hbm>> -> memref<128xi32, #tpu.memory_space<hbm>>
          tpu.wait_dma2 semaphore(%run_scoped3A : memref<!tpu.dma_semaphore, #tpu.memory_space<semaphore_mem>>) src(%dma_wait3A_75 : memref<128xi32, #tpu.memory_space<hbm>>) dst(%dma_wait3A_73 : memref<128xi32, #tpu.memory_space<vmem>>)
          tpu.yield
        }) : () -> ()
        "tpu.region"() ({
          %run_scoped3A = tpu.sem_alloc : memref<!tpu.dma_semaphore, #tpu.memory_space<semaphore_mem>>
          %dma_start3A_56 = arith.constant 0 : i32
          %dma_start3A_57 = tpu.memref_slice %arg10[%sub3A_22, %dma_start3A_56] : memref<2x128xi32, #tpu.memory_space<vmem>> -> memref<1x128xi32, #tpu.memory_space<vmem>>
          %dma_start3A_58 = tpu.memref_squeeze %dma_start3A_57 : memref<1x128xi32, #tpu.memory_space<vmem>> -> memref<128xi32, #tpu.memory_space<vmem>>
          %dma_start3A_59 = tpu.memref_slice %arg4[%arg0, %mul3A_44] : memref<2x320000xi32, #tpu.memory_space<hbm>> -> memref<1x128xi32, #tpu.memory_space<hbm>>
          %dma_start3A_60 = tpu.memref_squeeze %dma_start3A_59 : memref<1x128xi32, #tpu.memory_space<hbm>> -> memref<128xi32, #tpu.memory_space<hbm>>
          %dma_start3A_61 = arith.constant 0 : i32
          %dma_start3A_62 = tpu.memref_slice %arg10[%sub3A_22, %dma_start3A_61] : memref<2x128xi32, #tpu.memory_space<vmem>> -> memref<1x128xi32, #tpu.memory_space<vmem>>
          %dma_start3A_63 = tpu.memref_squeeze %dma_start3A_62 : memref<1x128xi32, #tpu.memory_space<vmem>> -> memref<128xi32, #tpu.memory_space<vmem>>
          %dma_start3A_64 = tpu.memref_slice %arg4[%arg0, %mul3A_44] : memref<2x320000xi32, #tpu.memory_space<hbm>> -> memref<1x128xi32, #tpu.memory_space<hbm>>
          %dma_start3A_65 = tpu.memref_squeeze %dma_start3A_64 : memref<1x128xi32, #tpu.memory_space<hbm>> -> memref<128xi32, #tpu.memory_space<hbm>>
          tpu.enqueue_dma source(%dma_start3A_65 : memref<128xi32, #tpu.memory_space<hbm>>) target(%dma_start3A_63 : memref<128xi32, #tpu.memory_space<vmem>>) target_semaphore(%run_scoped3A : memref<!tpu.dma_semaphore, #tpu.memory_space<semaphore_mem>>)
          %dma_wait3A_66 = arith.constant 0 : i32
          %dma_wait3A_67 = tpu.memref_slice %arg10[%sub3A_22, %dma_wait3A_66] : memref<2x128xi32, #tpu.memory_space<vmem>> -> memref<1x128xi32, #tpu.memory_space<vmem>>
          %dma_wait3A_68 = tpu.memref_squeeze %dma_wait3A_67 : memref<1x128xi32, #tpu.memory_space<vmem>> -> memref<128xi32, #tpu.memory_space<vmem>>
          %dma_wait3A_69 = tpu.memref_slice %arg4[%arg0, %mul3A_44] : memref<2x320000xi32, #tpu.memory_space<hbm>> -> memref<1x128xi32, #tpu.memory_space<hbm>>
          %dma_wait3A_70 = tpu.memref_squeeze %dma_wait3A_69 : memref<1x128xi32, #tpu.memory_space<hbm>> -> memref<128xi32, #tpu.memory_space<hbm>>
          %dma_wait3A_71 = arith.constant 0 : i32
          %dma_wait3A_72 = tpu.memref_slice %arg10[%sub3A_22, %dma_wait3A_71] : memref<2x128xi32, #tpu.memory_space<vmem>> -> memref<1x128xi32, #tpu.memory_space<vmem>>
          %dma_wait3A_73 = tpu.memref_squeeze %dma_wait3A_72 : memref<1x128xi32, #tpu.memory_space<vmem>> -> memref<128xi32, #tpu.memory_space<vmem>>
          %dma_wait3A_74 = tpu.memref_slice %arg4[%arg0, %mul3A_44] : memref<2x320000xi32, #tpu.memory_space<hbm>> -> memref<1x128xi32, #tpu.memory_space<hbm>>
          %dma_wait3A_75 = tpu.memref_squeeze %dma_wait3A_74 : memref<1x128xi32, #tpu.memory_space<hbm>> -> memref<128xi32, #tpu.memory_space<hbm>>
          tpu.wait_dma2 semaphore(%run_scoped3A : memref<!tpu.dma_semaphore, #tpu.memory_space<semaphore_mem>>) src(%dma_wait3A_75 : memref<128xi32, #tpu.memory_space<hbm>>) dst(%dma_wait3A_73 : memref<128xi32, #tpu.memory_space<vmem>>)
          tpu.yield
        }) : () -> ()
        %dma_start3A = arith.constant 0 : i32
        %dma_start3A_45 = arith.constant 0 : i32
        %dma_start3A_46 = tpu.memref_slice %arg8[%sub3A_22, %dma_start3A, %dma_start3A_45] : memref<2x128x128xf32, #tpu.memory_space<vmem>> -> memref<1x128x128xf32, #tpu.memory_space<vmem>>
        %dma_start3A_47 = tpu.memref_squeeze %dma_start3A_46 : memref<1x128x128xf32, #tpu.memory_space<vmem>> -> memref<128x128xf32, #tpu.memory_space<vmem>>
        %dma_start3A_48 = arith.constant 0 : i32
        %dma_start3A_49 = tpu.memref_slice %arg9[%sub3A_22, %dma_start3A_48] : memref<2x128xi32, #tpu.memory_space<vmem>> -> memref<1x128xi32, #tpu.memory_space<vmem>>
        %dma_start3A_50 = tpu.memref_squeeze %dma_start3A_49 : memref<1x128xi32, #tpu.memory_space<vmem>> -> memref<128xi32, #tpu.memory_space<vmem>>
        %dma_start3A_51 = arith.constant 0 : i32
        %dma_start3A_52 = arith.constant 0 : i32
        %dma_start3A_53 = tpu.memref_slice %arg2[%dma_start3A_51, %dma_start3A_52] : memref<20480x128xf32, #tpu.memory_space<hbm>> -> memref<20480x128xf32, #tpu.memory_space<hbm>>
        %dma_start3A_54 = tpu.memref_slice %arg11[%sub3A_22] : memref<2x!tpu.dma_semaphore, #tpu.memory_space<semaphore_mem>> -> memref<1x!tpu.dma_semaphore, #tpu.memory_space<semaphore_mem>>
        %dma_start3A_55 = tpu.memref_squeeze %dma_start3A_54 : memref<1x!tpu.dma_semaphore, #tpu.memory_space<semaphore_mem>> -> memref<!tpu.dma_semaphore, #tpu.memory_space<semaphore_mem>>
        tpu.enqueue_indirect_dma source(%dma_start3A_53 : memref<20480x128xf32, #tpu.memory_space<hbm>>) target(%dma_start3A_47 : memref<128x128xf32, #tpu.memory_space<vmem>>) offsets(%dma_start3A_50 : memref<128xi32, #tpu.memory_space<vmem>>) semaphore(%dma_start3A_55 : memref<!tpu.dma_semaphore, #tpu.memory_space<semaphore_mem>>)
      } else {
      }
      %dma_wait3A = arith.constant 0 : i32
      %dma_wait3A_29 = arith.constant 0 : i32
      %dma_wait3A_30 = tpu.memref_slice %arg8[%rem3A_21, %dma_wait3A, %dma_wait3A_29] : memref<2x128x128xf32, #tpu.memory_space<vmem>> -> memref<1x128x128xf32, #tpu.memory_space<vmem>>
      %dma_wait3A_31 = tpu.memref_squeeze %dma_wait3A_30 : memref<1x128x128xf32, #tpu.memory_space<vmem>> -> memref<128x128xf32, #tpu.memory_space<vmem>>
      %dma_wait3A_32 = arith.constant 0 : i32
      %dma_wait3A_33 = tpu.memref_slice %arg9[%rem3A_21, %dma_wait3A_32] : memref<2x128xi32, #tpu.memory_space<vmem>> -> memref<1x128xi32, #tpu.memory_space<vmem>>
      %dma_wait3A_34 = tpu.memref_squeeze %dma_wait3A_33 : memref<1x128xi32, #tpu.memory_space<vmem>> -> memref<128xi32, #tpu.memory_space<vmem>>
      %dma_wait3A_35 = arith.constant 0 : i32
      %dma_wait3A_36 = arith.constant 0 : i32
      %dma_wait3A_37 = tpu.memref_slice %arg2[%dma_wait3A_35, %dma_wait3A_36] : memref<20480x128xf32, #tpu.memory_space<hbm>> -> memref<20480x128xf32, #tpu.memory_space<hbm>>
      %dma_wait3A_38 = tpu.memref_slice %arg11[%rem3A_21] : memref<2x!tpu.dma_semaphore, #tpu.memory_space<semaphore_mem>> -> memref<1x!tpu.dma_semaphore, #tpu.memory_space<semaphore_mem>>
      %dma_wait3A_39 = tpu.memref_squeeze %dma_wait3A_38 : memref<1x!tpu.dma_semaphore, #tpu.memory_space<semaphore_mem>> -> memref<!tpu.dma_semaphore, #tpu.memory_space<semaphore_mem>>
      tpu.wait_indirect_dma semaphore(%dma_wait3A_39 : memref<!tpu.dma_semaphore, #tpu.memory_space<semaphore_mem>>) src(%dma_wait3A_37 : memref<20480x128xf32, #tpu.memory_space<hbm>>) dst(%dma_wait3A_31 : memref<128x128xf32, #tpu.memory_space<vmem>>)
      "tpu.region"() ({
        %run_scoped3A = tpu.sem_alloc : memref<!tpu.dma_semaphore, #tpu.memory_space<semaphore_mem>>
        %dma_start3A = arith.constant 0 : i32
        %dma_start3A_40 = arith.constant 0 : i32
        %dma_start3A_41 = tpu.memref_slice %arg8[%rem3A_21, %dma_start3A, %dma_start3A_40] : memref<2x128x128xf32, #tpu.memory_space<vmem>> -> memref<1x128x128xf32, #tpu.memory_space<vmem>>
        %dma_start3A_42 = tpu.memref_squeeze %dma_start3A_41 : memref<1x128x128xf32, #tpu.memory_space<vmem>> -> memref<128x128xf32, #tpu.memory_space<vmem>>
        %dma_start3A_43 = arith.constant 0 : i32
        %dma_start3A_44 = tpu.memref_slice %arg10[%rem3A_21, %dma_start3A_43] : memref<2x128xi32, #tpu.memory_space<vmem>> -> memref<1x128xi32, #tpu.memory_space<vmem>>
        %dma_start3A_45 = tpu.memref_squeeze %dma_start3A_44 : memref<1x128xi32, #tpu.memory_space<vmem>> -> memref<128xi32, #tpu.memory_space<vmem>>
        %dma_start3A_46 = arith.constant 0 : i32
        %dma_start3A_47 = arith.constant 0 : i32
        %dma_start3A_48 = tpu.memref_slice %arg7[%dma_start3A_46, %dma_start3A_47] : memref<10240x128xf32, #tpu.memory_space<vmem_shared>> -> memref<10240x128xf32, #tpu.memory_space<vmem_shared>>
        tpu.enqueue_indirect_dma source(%dma_start3A_42 : memref<128x128xf32, #tpu.memory_space<vmem>>) target(%dma_start3A_48 : memref<10240x128xf32, #tpu.memory_space<vmem_shared>>) offsets(%dma_start3A_45 : memref<128xi32, #tpu.memory_space<vmem>>) semaphore(%run_scoped3A : memref<!tpu.dma_semaphore, #tpu.memory_space<semaphore_mem>>) {add = true}
        %dma_wait3A_49 = arith.constant 0 : i32
        %dma_wait3A_50 = arith.constant 0 : i32
        %dma_wait3A_51 = tpu.memref_slice %arg8[%rem3A_21, %dma_wait3A_49, %dma_wait3A_50] : memref<2x128x128xf32, #tpu.memory_space<vmem>> -> memref<1x128x128xf32, #tpu.memory_space<vmem>>
        %dma_wait3A_52 = tpu.memref_squeeze %dma_wait3A_51 : memref<1x128x128xf32, #tpu.memory_space<vmem>> -> memref<128x128xf32, #tpu.memory_space<vmem>>
        %dma_wait3A_53 = arith.constant 0 : i32
        %dma_wait3A_54 = tpu.memref_slice %arg10[%rem3A_21, %dma_wait3A_53] : memref<2x128xi32, #tpu.memory_space<vmem>> -> memref<1x128xi32, #tpu.memory_space<vmem>>
        %dma_wait3A_55 = tpu.memref_squeeze %dma_wait3A_54 : memref<1x128xi32, #tpu.memory_space<vmem>> -> memref<128xi32, #tpu.memory_space<vmem>>
        %dma_wait3A_56 = arith.constant 0 : i32
        %dma_wait3A_57 = arith.constant 0 : i32
        %dma_wait3A_58 = tpu.memref_slice %arg7[%dma_wait3A_56, %dma_wait3A_57] : memref<10240x128xf32, #tpu.memory_space<vmem_shared>> -> memref<10240x128xf32, #tpu.memory_space<vmem_shared>>
        tpu.wait_indirect_dma semaphore(%run_scoped3A : memref<!tpu.dma_semaphore, #tpu.memory_space<semaphore_mem>>) src(%dma_wait3A_52 : memref<128x128xf32, #tpu.memory_space<vmem>>) dst(%dma_wait3A_58 : memref<10240x128xf32, #tpu.memory_space<vmem_shared>>)
        tpu.yield
      }) : () -> ()
    }
    %while3A_18 = arith.constant 1 : i32
    scf.for %while3A_20 = %while3A_16 to %while3A_12 step %while3A_18  : i32 {
      %rem3A = arith.constant 2 : i32
      %rem3A_21 = arith.remsi %while3A_20, %rem3A : i32
      %sub3A = arith.constant 1 : i32
      %sub3A_22 = arith.subi %sub3A, %rem3A_21 : i32
      %add3A_23 = arith.constant 1 : i32
      %add3A_24 = arith.addi %while3A_20, %add3A_23 : i32
      %lt3A_25 = arith.cmpi slt, %add3A_24, %add3A_7 : i32
      %convert_element_type3A_26 = arith.extui %lt3A_25 : i1 to i32
      %cond3A_27 = arith.constant 0 : i32
      %cond3A_28 = arith.cmpi ne, %convert_element_type3A_26, %cond3A_27 : i32
      scf.if %cond3A_28 {
        %add3A_40 = arith.constant 1 : i32
        %add3A_41 = arith.addi %while3A_20, %add3A_40 : i32
        %add3A_42 = arith.addi %add3A, %add3A_41 : i32
        %mul3A_43 = arith.constant 128 : i32
        %mul3A_44 = arith.muli %add3A_42, %mul3A_43 : i32
        "tpu.region"() ({
          %run_scoped3A = tpu.sem_alloc : memref<!tpu.dma_semaphore, #tpu.memory_space<semaphore_mem>>
          %dma_start3A_56 = arith.constant 0 : i32
          %dma_start3A_57 = tpu.memref_slice %arg9[%sub3A_22, %dma_start3A_56] : memref<2x128xi32, #tpu.memory_space<vmem>> -> memref<1x128xi32, #tpu.memory_space<vmem>>
          %dma_start3A_58 = tpu.memref_squeeze %dma_start3A_57 : memref<1x128xi32, #tpu.memory_space<vmem>> -> memref<128xi32, #tpu.memory_space<vmem>>
          %dma_start3A_59 = tpu.memref_slice %arg3[%arg0, %mul3A_44] : memref<2x320000xi32, #tpu.memory_space<hbm>> -> memref<1x128xi32, #tpu.memory_space<hbm>>
          %dma_start3A_60 = tpu.memref_squeeze %dma_start3A_59 : memref<1x128xi32, #tpu.memory_space<hbm>> -> memref<128xi32, #tpu.memory_space<hbm>>
          %dma_start3A_61 = arith.constant 0 : i32
          %dma_start3A_62 = tpu.memref_slice %arg9[%sub3A_22, %dma_start3A_61] : memref<2x128xi32, #tpu.memory_space<vmem>> -> memref<1x128xi32, #tpu.memory_space<vmem>>
          %dma_start3A_63 = tpu.memref_squeeze %dma_start3A_62 : memref<1x128xi32, #tpu.memory_space<vmem>> -> memref<128xi32, #tpu.memory_space<vmem>>
          %dma_start3A_64 = tpu.memref_slice %arg3[%arg0, %mul3A_44] : memref<2x320000xi32, #tpu.memory_space<hbm>> -> memref<1x128xi32, #tpu.memory_space<hbm>>
          %dma_start3A_65 = tpu.memref_squeeze %dma_start3A_64 : memref<1x128xi32, #tpu.memory_space<hbm>> -> memref<128xi32, #tpu.memory_space<hbm>>
          tpu.enqueue_dma source(%dma_start3A_65 : memref<128xi32, #tpu.memory_space<hbm>>) target(%dma_start3A_63 : memref<128xi32, #tpu.memory_space<vmem>>) target_semaphore(%run_scoped3A : memref<!tpu.dma_semaphore, #tpu.memory_space<semaphore_mem>>)
          %dma_wait3A_66 = arith.constant 0 : i32
          %dma_wait3A_67 = tpu.memref_slice %arg9[%sub3A_22, %dma_wait3A_66] : memref<2x128xi32, #tpu.memory_space<vmem>> -> memref<1x128xi32, #tpu.memory_space<vmem>>
          %dma_wait3A_68 = tpu.memref_squeeze %dma_wait3A_67 : memref<1x128xi32, #tpu.memory_space<vmem>> -> memref<128xi32, #tpu.memory_space<vmem>>
          %dma_wait3A_69 = tpu.memref_slice %arg3[%arg0, %mul3A_44] : memref<2x320000xi32, #tpu.memory_space<hbm>> -> memref<1x128xi32, #tpu.memory_space<hbm>>
          %dma_wait3A_70 = tpu.memref_squeeze %dma_wait3A_69 : memref<1x128xi32, #tpu.memory_space<hbm>> -> memref<128xi32, #tpu.memory_space<hbm>>
          %dma_wait3A_71 = arith.constant 0 : i32
          %dma_wait3A_72 = tpu.memref_slice %arg9[%sub3A_22, %dma_wait3A_71] : memref<2x128xi32, #tpu.memory_space<vmem>> -> memref<1x128xi32, #tpu.memory_space<vmem>>
          %dma_wait3A_73 = tpu.memref_squeeze %dma_wait3A_72 : memref<1x128xi32, #tpu.memory_space<vmem>> -> memref<128xi32, #tpu.memory_space<vmem>>
          %dma_wait3A_74 = tpu.memref_slice %arg3[%arg0, %mul3A_44] : memref<2x320000xi32, #tpu.memory_space<hbm>> -> memref<1x128xi32, #tpu.memory_space<hbm>>
          %dma_wait3A_75 = tpu.memref_squeeze %dma_wait3A_74 : memref<1x128xi32, #tpu.memory_space<hbm>> -> memref<128xi32, #tpu.memory_space<hbm>>
          tpu.wait_dma2 semaphore(%run_scoped3A : memref<!tpu.dma_semaphore, #tpu.memory_space<semaphore_mem>>) src(%dma_wait3A_75 : memref<128xi32, #tpu.memory_space<hbm>>) dst(%dma_wait3A_73 : memref<128xi32, #tpu.memory_space<vmem>>)
          tpu.yield
        }) : () -> ()
        "tpu.region"() ({
          %run_scoped3A = tpu.sem_alloc : memref<!tpu.dma_semaphore, #tpu.memory_space<semaphore_mem>>
          %dma_start3A_56 = arith.constant 0 : i32
          %dma_start3A_57 = tpu.memref_slice %arg10[%sub3A_22, %dma_start3A_56] : memref<2x128xi32, #tpu.memory_space<vmem>> -> memref<1x128xi32, #tpu.memory_space<vmem>>
          %dma_start3A_58 = tpu.memref_squeeze %dma_start3A_57 : memref<1x128xi32, #tpu.memory_space<vmem>> -> memref<128xi32, #tpu.memory_space<vmem>>
          %dma_start3A_59 = tpu.memref_slice %arg4[%arg0, %mul3A_44] : memref<2x320000xi32, #tpu.memory_space<hbm>> -> memref<1x128xi32, #tpu.memory_space<hbm>>
          %dma_start3A_60 = tpu.memref_squeeze %dma_start3A_59 : memref<1x128xi32, #tpu.memory_space<hbm>> -> memref<128xi32, #tpu.memory_space<hbm>>
          %dma_start3A_61 = arith.constant 0 : i32
          %dma_start3A_62 = tpu.memref_slice %arg10[%sub3A_22, %dma_start3A_61] : memref<2x128xi32, #tpu.memory_space<vmem>> -> memref<1x128xi32, #tpu.memory_space<vmem>>
          %dma_start3A_63 = tpu.memref_squeeze %dma_start3A_62 : memref<1x128xi32, #tpu.memory_space<vmem>> -> memref<128xi32, #tpu.memory_space<vmem>>
          %dma_start3A_64 = tpu.memref_slice %arg4[%arg0, %mul3A_44] : memref<2x320000xi32, #tpu.memory_space<hbm>> -> memref<1x128xi32, #tpu.memory_space<hbm>>
          %dma_start3A_65 = tpu.memref_squeeze %dma_start3A_64 : memref<1x128xi32, #tpu.memory_space<hbm>> -> memref<128xi32, #tpu.memory_space<hbm>>
          tpu.enqueue_dma source(%dma_start3A_65 : memref<128xi32, #tpu.memory_space<hbm>>) target(%dma_start3A_63 : memref<128xi32, #tpu.memory_space<vmem>>) target_semaphore(%run_scoped3A : memref<!tpu.dma_semaphore, #tpu.memory_space<semaphore_mem>>)
          %dma_wait3A_66 = arith.constant 0 : i32
          %dma_wait3A_67 = tpu.memref_slice %arg10[%sub3A_22, %dma_wait3A_66] : memref<2x128xi32, #tpu.memory_space<vmem>> -> memref<1x128xi32, #tpu.memory_space<vmem>>
          %dma_wait3A_68 = tpu.memref_squeeze %dma_wait3A_67 : memref<1x128xi32, #tpu.memory_space<vmem>> -> memref<128xi32, #tpu.memory_space<vmem>>
          %dma_wait3A_69 = tpu.memref_slice %arg4[%arg0, %mul3A_44] : memref<2x320000xi32, #tpu.memory_space<hbm>> -> memref<1x128xi32, #tpu.memory_space<hbm>>
          %dma_wait3A_70 = tpu.memref_squeeze %dma_wait3A_69 : memref<1x128xi32, #tpu.memory_space<hbm>> -> memref<128xi32, #tpu.memory_space<hbm>>
          %dma_wait3A_71 = arith.constant 0 : i32
          %dma_wait3A_72 = tpu.memref_slice %arg10[%sub3A_22, %dma_wait3A_71] : memref<2x128xi32, #tpu.memory_space<vmem>> -> memref<1x128xi32, #tpu.memory_space<vmem>>
          %dma_wait3A_73 = tpu.memref_squeeze %dma_wait3A_72 : memref<1x128xi32, #tpu.memory_space<vmem>> -> memref<128xi32, #tpu.memory_space<vmem>>
          %dma_wait3A_74 = tpu.memref_slice %arg4[%arg0, %mul3A_44] : memref<2x320000xi32, #tpu.memory_space<hbm>> -> memref<1x128xi32, #tpu.memory_space<hbm>>
          %dma_wait3A_75 = tpu.memref_squeeze %dma_wait3A_74 : memref<1x128xi32, #tpu.memory_space<hbm>> -> memref<128xi32, #tpu.memory_space<hbm>>
          tpu.wait_dma2 semaphore(%run_scoped3A : memref<!tpu.dma_semaphore, #tpu.memory_space<semaphore_mem>>) src(%dma_wait3A_75 : memref<128xi32, #tpu.memory_space<hbm>>) dst(%dma_wait3A_73 : memref<128xi32, #tpu.memory_space<vmem>>)
          tpu.yield
        }) : () -> ()
        %dma_start3A = arith.constant 0 : i32
        %dma_start3A_45 = arith.constant 0 : i32
        %dma_start3A_46 = tpu.memref_slice %arg8[%sub3A_22, %dma_start3A, %dma_start3A_45] : memref<2x128x128xf32, #tpu.memory_space<vmem>> -> memref<1x128x128xf32, #tpu.memory_space<vmem>>
        %dma_start3A_47 = tpu.memref_squeeze %dma_start3A_46 : memref<1x128x128xf32, #tpu.memory_space<vmem>> -> memref<128x128xf32, #tpu.memory_space<vmem>>
        %dma_start3A_48 = arith.constant 0 : i32
        %dma_start3A_49 = tpu.memref_slice %arg9[%sub3A_22, %dma_start3A_48] : memref<2x128xi32, #tpu.memory_space<vmem>> -> memref<1x128xi32, #tpu.memory_space<vmem>>
        %dma_start3A_50 = tpu.memref_squeeze %dma_start3A_49 : memref<1x128xi32, #tpu.memory_space<vmem>> -> memref<128xi32, #tpu.memory_space<vmem>>
        %dma_start3A_51 = arith.constant 0 : i32
        %dma_start3A_52 = arith.constant 0 : i32
        %dma_start3A_53 = tpu.memref_slice %arg2[%dma_start3A_51, %dma_start3A_52] : memref<20480x128xf32, #tpu.memory_space<hbm>> -> memref<20480x128xf32, #tpu.memory_space<hbm>>
        %dma_start3A_54 = tpu.memref_slice %arg11[%sub3A_22] : memref<2x!tpu.dma_semaphore, #tpu.memory_space<semaphore_mem>> -> memref<1x!tpu.dma_semaphore, #tpu.memory_space<semaphore_mem>>
        %dma_start3A_55 = tpu.memref_squeeze %dma_start3A_54 : memref<1x!tpu.dma_semaphore, #tpu.memory_space<semaphore_mem>> -> memref<!tpu.dma_semaphore, #tpu.memory_space<semaphore_mem>>
        tpu.enqueue_indirect_dma source(%dma_start3A_53 : memref<20480x128xf32, #tpu.memory_space<hbm>>) target(%dma_start3A_47 : memref<128x128xf32, #tpu.memory_space<vmem>>) offsets(%dma_start3A_50 : memref<128xi32, #tpu.memory_space<vmem>>) semaphore(%dma_start3A_55 : memref<!tpu.dma_semaphore, #tpu.memory_space<semaphore_mem>>)
      } else {
      }
      %dma_wait3A = arith.constant 0 : i32
      %dma_wait3A_29 = arith.constant 0 : i32
      %dma_wait3A_30 = tpu.memref_slice %arg8[%rem3A_21, %dma_wait3A, %dma_wait3A_29] : memref<2x128x128xf32, #tpu.memory_space<vmem>> -> memref<1x128x128xf32, #tpu.memory_space<vmem>>
      %dma_wait3A_31 = tpu.memref_squeeze %dma_wait3A_30 : memref<1x128x128xf32, #tpu.memory_space<vmem>> -> memref<128x128xf32, #tpu.memory_space<vmem>>
      %dma_wait3A_32 = arith.constant 0 : i32
      %dma_wait3A_33 = tpu.memref_slice %arg9[%rem3A_21, %dma_wait3A_32] : memref<2x128xi32, #tpu.memory_space<vmem>> -> memref<1x128xi32, #tpu.memory_space<vmem>>
      %dma_wait3A_34 = tpu.memref_squeeze %dma_wait3A_33 : memref<1x128xi32, #tpu.memory_space<vmem>> -> memref<128xi32, #tpu.memory_space<vmem>>
      %dma_wait3A_35 = arith.constant 0 : i32
      %dma_wait3A_36 = arith.constant 0 : i32
      %dma_wait3A_37 = tpu.memref_slice %arg2[%dma_wait3A_35, %dma_wait3A_36] : memref<20480x128xf32, #tpu.memory_space<hbm>> -> memref<20480x128xf32, #tpu.memory_space<hbm>>
      %dma_wait3A_38 = tpu.memref_slice %arg11[%rem3A_21] : memref<2x!tpu.dma_semaphore, #tpu.memory_space<semaphore_mem>> -> memref<1x!tpu.dma_semaphore, #tpu.memory_space<semaphore_mem>>
      %dma_wait3A_39 = tpu.memref_squeeze %dma_wait3A_38 : memref<1x!tpu.dma_semaphore, #tpu.memory_space<semaphore_mem>> -> memref<!tpu.dma_semaphore, #tpu.memory_space<semaphore_mem>>
      tpu.wait_indirect_dma semaphore(%dma_wait3A_39 : memref<!tpu.dma_semaphore, #tpu.memory_space<semaphore_mem>>) src(%dma_wait3A_37 : memref<20480x128xf32, #tpu.memory_space<hbm>>) dst(%dma_wait3A_31 : memref<128x128xf32, #tpu.memory_space<vmem>>)
      "tpu.region"() ({
        %run_scoped3A = tpu.sem_alloc : memref<!tpu.dma_semaphore, #tpu.memory_space<semaphore_mem>>
        %dma_start3A = arith.constant 0 : i32
        %dma_start3A_40 = arith.constant 0 : i32
        %dma_start3A_41 = tpu.memref_slice %arg8[%rem3A_21, %dma_start3A, %dma_start3A_40] : memref<2x128x128xf32, #tpu.memory_space<vmem>> -> memref<1x128x128xf32, #tpu.memory_space<vmem>>
        %dma_start3A_42 = tpu.memref_squeeze %dma_start3A_41 : memref<1x128x128xf32, #tpu.memory_space<vmem>> -> memref<128x128xf32, #tpu.memory_space<vmem>>
        %dma_start3A_43 = arith.constant 0 : i32
        %dma_start3A_44 = tpu.memref_slice %arg10[%rem3A_21, %dma_start3A_43] : memref<2x128xi32, #tpu.memory_space<vmem>> -> memref<1x128xi32, #tpu.memory_space<vmem>>
        %dma_start3A_45 = tpu.memref_squeeze %dma_start3A_44 : memref<1x128xi32, #tpu.memory_space<vmem>> -> memref<128xi32, #tpu.memory_space<vmem>>
        %dma_start3A_46 = arith.constant 0 : i32
        %dma_start3A_47 = arith.constant 0 : i32
        %dma_start3A_48 = tpu.memref_slice %arg7[%dma_start3A_46, %dma_start3A_47] : memref<10240x128xf32, #tpu.memory_space<vmem_shared>> -> memref<10240x128xf32, #tpu.memory_space<vmem_shared>>
        tpu.enqueue_indirect_dma source(%dma_start3A_42 : memref<128x128xf32, #tpu.memory_space<vmem>>) target(%dma_start3A_48 : memref<10240x128xf32, #tpu.memory_space<vmem_shared>>) offsets(%dma_start3A_45 : memref<128xi32, #tpu.memory_space<vmem>>) semaphore(%run_scoped3A : memref<!tpu.dma_semaphore, #tpu.memory_space<semaphore_mem>>) {add = true}
        %dma_wait3A_49 = arith.constant 0 : i32
        %dma_wait3A_50 = arith.constant 0 : i32
        %dma_wait3A_51 = tpu.memref_slice %arg8[%rem3A_21, %dma_wait3A_49, %dma_wait3A_50] : memref<2x128x128xf32, #tpu.memory_space<vmem>> -> memref<1x128x128xf32, #tpu.memory_space<vmem>>
        %dma_wait3A_52 = tpu.memref_squeeze %dma_wait3A_51 : memref<1x128x128xf32, #tpu.memory_space<vmem>> -> memref<128x128xf32, #tpu.memory_space<vmem>>
        %dma_wait3A_53 = arith.constant 0 : i32
        %dma_wait3A_54 = tpu.memref_slice %arg10[%rem3A_21, %dma_wait3A_53] : memref<2x128xi32, #tpu.memory_space<vmem>> -> memref<1x128xi32, #tpu.memory_space<vmem>>
        %dma_wait3A_55 = tpu.memref_squeeze %dma_wait3A_54 : memref<1x128xi32, #tpu.memory_space<vmem>> -> memref<128xi32, #tpu.memory_space<vmem>>
        %dma_wait3A_56 = arith.constant 0 : i32
        %dma_wait3A_57 = arith.constant 0 : i32
        %dma_wait3A_58 = tpu.memref_slice %arg7[%dma_wait3A_56, %dma_wait3A_57] : memref<10240x128xf32, #tpu.memory_space<vmem_shared>> -> memref<10240x128xf32, #tpu.memory_space<vmem_shared>>
        tpu.wait_indirect_dma semaphore(%run_scoped3A : memref<!tpu.dma_semaphore, #tpu.memory_space<semaphore_mem>>) src(%dma_wait3A_52 : memref<128x128xf32, #tpu.memory_space<vmem>>) dst(%dma_wait3A_58 : memref<10240x128xf32, #tpu.memory_space<vmem_shared>>)
        tpu.yield
      }) : () -> ()
    }
    %barrier3A_19 = arith.constant 0 : index
    tpu.barrier barrier_id(%barrier3A_19)
    "tpu.region"() ({
      %run_scoped3A = tpu.sem_alloc : memref<!tpu.dma_semaphore, #tpu.memory_space<semaphore_mem>>
      %dma_start3A = arith.constant 0 : i32
      %dma_start3A_20 = tpu.memref_slice %arg6[%arg0, %mul3A_0, %dma_start3A] : memref<2x10240x128xf32, #tpu.memory_space<hbm>> -> memref<1x640x128xf32, #tpu.memory_space<hbm>>
      %dma_start3A_21 = tpu.memref_squeeze %dma_start3A_20 : memref<1x640x128xf32, #tpu.memory_space<hbm>> -> memref<640x128xf32, #tpu.memory_space<hbm>>
      %dma_start3A_22 = arith.constant 0 : i32
      %dma_start3A_23 = tpu.memref_slice %arg7[%mul3A_0, %dma_start3A_22] : memref<10240x128xf32, #tpu.memory_space<vmem_shared>> -> memref<640x128xf32, #tpu.memory_space<vmem_shared>>
      tpu.enqueue_dma source(%dma_start3A_23 : memref<640x128xf32, #tpu.memory_space<vmem_shared>>) target(%dma_start3A_21 : memref<640x128xf32, #tpu.memory_space<hbm>>) target_semaphore(%run_scoped3A : memref<!tpu.dma_semaphore, #tpu.memory_space<semaphore_mem>>)
      %dma_wait3A = arith.constant 0 : i32
      %dma_wait3A_24 = tpu.memref_slice %arg6[%arg0, %mul3A_0, %dma_wait3A] : memref<2x10240x128xf32, #tpu.memory_space<hbm>> -> memref<1x640x128xf32, #tpu.memory_space<hbm>>
      %dma_wait3A_25 = tpu.memref_squeeze %dma_wait3A_24 : memref<1x640x128xf32, #tpu.memory_space<hbm>> -> memref<640x128xf32, #tpu.memory_space<hbm>>
      %dma_wait3A_26 = arith.constant 0 : i32
      %dma_wait3A_27 = tpu.memref_slice %arg7[%mul3A_0, %dma_wait3A_26] : memref<10240x128xf32, #tpu.memory_space<vmem_shared>> -> memref<640x128xf32, #tpu.memory_space<vmem_shared>>
      tpu.wait_dma2 semaphore(%run_scoped3A : memref<!tpu.dma_semaphore, #tpu.memory_space<semaphore_mem>>) src(%dma_wait3A_27 : memref<640x128xf32, #tpu.memory_space<vmem_shared>>) dst(%dma_wait3A_25 : memref<640x128xf32, #tpu.memory_space<hbm>>)
      tpu.yield
    }) : () -> ()
    return
  }
}

module attributes {stable_mosaic.version = 14 : i64} {
  func.func @_k0_body(%arg0: i32, %arg1: i32, %arg2: memref<1x512x128xf32, #tpu.memory_space<vmem>>, %arg3: memref<1x512x128xf32, #tpu.memory_space<vmem>>, %arg4: memref<1x128x128xf32, #tpu.memory_space<vmem>>, %arg5: memref<1x1x128xf32, #tpu.memory_space<vmem>>, %arg6: memref<1x128x128xf32, #tpu.memory_space<vmem>>, %arg7: memref<1x1x128xf32, #tpu.memory_space<vmem>>, %arg8: memref<1x512x128xf32, #tpu.memory_space<vmem>>, %arg9: memref<1x512x128xf32, #tpu.memory_space<vmem>>) attributes {dimension_semantics = [#tpu.dimension_semantics<arbitrary>, #tpu.dimension_semantics<arbitrary>], iteration_bounds = array<i64: 2, 20>, scalar_prefetch = 0 : i64, scratch_operands = 0 : i64, tpu.core_type = #tpu.core_type<tc>, window_params = [{transform_indices = @transform_0, window_bounds = array<i64: 1, 512, 128>}, {transform_indices = @transform_1, window_bounds = array<i64: 1, 512, 128>}, {transform_indices = @transform_2, window_bounds = array<i64: 1, 128, 128>}, {transform_indices = @transform_3, window_bounds = array<i64: 1, 1, 128>}, {transform_indices = @transform_4, window_bounds = array<i64: 1, 128, 128>}, {transform_indices = @transform_5, window_bounds = array<i64: 1, 1, 128>}, {transform_indices = @transform_6, window_bounds = array<i64: 1, 512, 128>}, {transform_indices = @transform_7, window_bounds = array<i64: 1, 512, 128>}]} {
    %get3A = arith.constant 0 : index
    %get3A_0 = arith.constant 0 : index
    %get3A_1 = arith.constant 0 : index
    %get3A_2 = vector.load %arg3[%get3A, %get3A_0, %get3A_1] : memref<1x512x128xf32, #tpu.memory_space<vmem>>, vector<1x512x1xf32>
    %get3A_3 = vector.shape_cast %get3A_2 : vector<1x512x1xf32> to vector<512x1xf32>
    %add3A = arith.constant 1.000000e+00 : f32
    %add3A_4 = vector.broadcast %add3A : f32 to vector<512x1xf32>
    %add3A_5 = arith.addf %get3A_3, %add3A_4 : vector<512x1xf32>
    %sqrt3A = math.sqrt %add3A_5 : vector<512x1xf32>
    %div3A = arith.constant 1.000000e+00 : f32
    %div3A_6 = vector.broadcast %div3A : f32 to vector<512x1xf32>
    %div3A_7 = arith.divf %div3A_6, %sqrt3A : vector<512x1xf32>
    %get3A_8 = arith.constant 0 : index
    %get3A_9 = arith.constant 0 : index
    %get3A_10 = arith.constant 0 : index
    %get3A_11 = vector.load %arg2[%get3A_8, %get3A_9, %get3A_10] : memref<1x512x128xf32, #tpu.memory_space<vmem>>, vector<1x512x128xf32>
    %get3A_12 = vector.shape_cast %get3A_11 : vector<1x512x128xf32> to vector<512x128xf32>
    %get3A_13 = arith.constant 0 : index
    %get3A_14 = arith.constant 0 : index
    %get3A_15 = arith.constant 0 : index
    %get3A_16 = vector.load %arg4[%get3A_13, %get3A_14, %get3A_15] : memref<1x128x128xf32, #tpu.memory_space<vmem>>, vector<1x128x128xf32>
    %get3A_17 = vector.shape_cast %get3A_16 : vector<1x128x128xf32> to vector<128x128xf32>
    %convert_element_type3A = arith.truncf %get3A_12 : vector<512x128xf32> to vector<512x128xbf16>
    %convert_element_type3A_18 = arith.truncf %get3A_17 : vector<128x128xf32> to vector<128x128xbf16>
    %dot_general3A = arith.constant dense<0.000000e+00> : vector<512x128xf32>
    %dot_general3A_19 = tpu.matmul %convert_element_type3A, %convert_element_type3A_18, %dot_general3A {dimension_numbers = #tpu.dot_dimension_numbers<[1], [0], [0], [1], [0, 0, 1, 1], [], []>, transpose_lhs_hint = false} : vector<512x128xbf16>, vector<128x128xbf16>, vector<512x128xf32> -> vector<512x128xf32>
    %get3A_20 = arith.constant 0 : index
    %get3A_21 = arith.constant 0 : index
    %get3A_22 = arith.constant 0 : index
    %get3A_23 = vector.load %arg5[%get3A_20, %get3A_21, %get3A_22] : memref<1x1x128xf32, #tpu.memory_space<vmem>>, vector<1x1x128xf32>
    %get3A_24 = vector.shape_cast %get3A_23 : vector<1x1x128xf32> to vector<1x128xf32>
    %add3A_25 = vector.broadcast %get3A_24 : vector<1x128xf32> to vector<512x128xf32>
    %add3A_26 = arith.addf %dot_general3A_19, %add3A_25 : vector<512x128xf32>
    %get3A_27 = arith.constant 0 : index
    %get3A_28 = arith.constant 0 : index
    %get3A_29 = arith.constant 0 : index
    %get3A_30 = vector.load %arg6[%get3A_27, %get3A_28, %get3A_29] : memref<1x128x128xf32, #tpu.memory_space<vmem>>, vector<1x128x128xf32>
    %get3A_31 = vector.shape_cast %get3A_30 : vector<1x128x128xf32> to vector<128x128xf32>
    %convert_element_type3A_32 = arith.truncf %add3A_26 : vector<512x128xf32> to vector<512x128xbf16>
    %convert_element_type3A_33 = arith.truncf %get3A_31 : vector<128x128xf32> to vector<128x128xbf16>
    %dot_general3A_34 = arith.constant dense<0.000000e+00> : vector<512x128xf32>
    %dot_general3A_35 = tpu.matmul %convert_element_type3A_32, %convert_element_type3A_33, %dot_general3A_34 {dimension_numbers = #tpu.dot_dimension_numbers<[1], [0], [0], [1], [0, 0, 1, 1], [], []>, transpose_lhs_hint = false} : vector<512x128xbf16>, vector<128x128xbf16>, vector<512x128xf32> -> vector<512x128xf32>
    %get3A_36 = arith.constant 0 : index
    %get3A_37 = arith.constant 0 : index
    %get3A_38 = arith.constant 0 : index
    %get3A_39 = vector.load %arg7[%get3A_36, %get3A_37, %get3A_38] : memref<1x1x128xf32, #tpu.memory_space<vmem>>, vector<1x1x128xf32>
    %get3A_40 = vector.shape_cast %get3A_39 : vector<1x1x128xf32> to vector<1x128xf32>
    %add3A_41 = vector.broadcast %get3A_40 : vector<1x128xf32> to vector<512x128xf32>
    %add3A_42 = arith.addf %dot_general3A_35, %add3A_41 : vector<512x128xf32>
    %swap3A = arith.constant 0 : index
    %swap3A_43 = arith.constant 0 : index
    %swap3A_44 = arith.constant 0 : index
    %swap3A_45 = vector.load %arg8[%swap3A, %swap3A_43, %swap3A_44] : memref<1x512x128xf32, #tpu.memory_space<vmem>>, vector<1x512x128xf32>
    %swap3A_46 = vector.shape_cast %swap3A_45 : vector<1x512x128xf32> to vector<512x128xf32>
    %swap3A_47 = vector.shape_cast %add3A_26 : vector<512x128xf32> to vector<1x512x128xf32>
    tpu.vector_store %arg8[%swap3A, %swap3A_43, %swap3A_44], %swap3A_47 {strides = array<i32>} : memref<1x512x128xf32, #tpu.memory_space<vmem>>, vector<1x512x128xf32>,
    %mul3A = vector.broadcast %div3A_7 : vector<512x1xf32> to vector<512x128xf32>
    %mul3A_48 = arith.mulf %mul3A, %add3A_42 : vector<512x128xf32>
    %swap3A_49 = arith.constant 0 : index
    %swap3A_50 = arith.constant 0 : index
    %swap3A_51 = arith.constant 0 : index
    %swap3A_52 = vector.load %arg9[%swap3A_49, %swap3A_50, %swap3A_51] : memref<1x512x128xf32, #tpu.memory_space<vmem>>, vector<1x512x128xf32>
    %swap3A_53 = vector.shape_cast %swap3A_52 : vector<1x512x128xf32> to vector<512x128xf32>
    %swap3A_54 = vector.shape_cast %mul3A_48 : vector<512x128xf32> to vector<1x512x128xf32>
    tpu.vector_store %arg9[%swap3A_49, %swap3A_50, %swap3A_51], %swap3A_54 {strides = array<i32>} : memref<1x512x128xf32, #tpu.memory_space<vmem>>, vector<1x512x128xf32>,
    return
  }
  func.func @transform_0(%arg0: i32, %arg1: i32) -> (i32, i32, i32) {
    %c0_i32 = arith.constant 0 : i32
    %c0_i32_0 = arith.constant 0 : i32
    return %arg0, %arg1, %c0_i32 : i32, i32, i32
  }
  func.func @transform_1(%arg0: i32, %arg1: i32) -> (i32, i32, i32) {
    %c0_i32 = arith.constant 0 : i32
    %c0_i32_0 = arith.constant 0 : i32
    return %arg0, %arg1, %c0_i32 : i32, i32, i32
  }
  func.func @transform_2(%arg0: i32, %arg1: i32) -> (i32, i32, i32) {
    %c0_i32 = arith.constant 0 : i32
    %c0_i32_0 = arith.constant 0 : i32
    %c0_i32_1 = arith.constant 0 : i32
    return %arg0, %c0_i32, %c0_i32_0 : i32, i32, i32
  }
  func.func @transform_3(%arg0: i32, %arg1: i32) -> (i32, i32, i32) {
    %c0_i32 = arith.constant 0 : i32
    %c0_i32_0 = arith.constant 0 : i32
    %c0_i32_1 = arith.constant 0 : i32
    return %arg0, %c0_i32, %c0_i32_0 : i32, i32, i32
  }
  func.func @transform_4(%arg0: i32, %arg1: i32) -> (i32, i32, i32) {
    %c0_i32 = arith.constant 0 : i32
    %c0_i32_0 = arith.constant 0 : i32
    %c0_i32_1 = arith.constant 0 : i32
    return %arg0, %c0_i32, %c0_i32_0 : i32, i32, i32
  }
  func.func @transform_5(%arg0: i32, %arg1: i32) -> (i32, i32, i32) {
    %c0_i32 = arith.constant 0 : i32
    %c0_i32_0 = arith.constant 0 : i32
    %c0_i32_1 = arith.constant 0 : i32
    return %arg0, %c0_i32, %c0_i32_0 : i32, i32, i32
  }
  func.func @transform_6(%arg0: i32, %arg1: i32) -> (i32, i32, i32) {
    %c0_i32 = arith.constant 0 : i32
    %c0_i32_0 = arith.constant 0 : i32
    return %arg0, %arg1, %c0_i32 : i32, i32, i32
  }
  func.func @transform_7(%arg0: i32, %arg1: i32) -> (i32, i32, i32) {
    %c0_i32 = arith.constant 0 : i32
    %c0_i32_0 = arith.constant 0 : i32
    return %arg0, %arg1, %c0_i32 : i32, i32, i32
  }
}

module attributes {stable_mosaic.version = 14 : i64} {
  func.func @_k_mid_body(%arg0: i32, %arg1: i32, %arg2: memref<1x512x128xf32, #tpu.memory_space<vmem>>, %arg3: memref<1x512x128xf32, #tpu.memory_space<vmem>>, %arg4: memref<1x512x128xf32, #tpu.memory_space<vmem>>, %arg5: memref<1x512x128xf32, #tpu.memory_space<vmem>>, %arg6: memref<1x128x128xf32, #tpu.memory_space<vmem>>, %arg7: memref<1x1x128xf32, #tpu.memory_space<vmem>>, %arg8: memref<1x512x128xf32, #tpu.memory_space<vmem>>, %arg9: memref<1x512x128xf32, #tpu.memory_space<vmem>>) attributes {dimension_semantics = [#tpu.dimension_semantics<arbitrary>, #tpu.dimension_semantics<arbitrary>], iteration_bounds = array<i64: 2, 20>, scalar_prefetch = 0 : i64, scratch_operands = 0 : i64, tpu.core_type = #tpu.core_type<tc>, window_params = [{transform_indices = @transform_0, window_bounds = array<i64: 1, 512, 128>}, {transform_indices = @transform_1, window_bounds = array<i64: 1, 512, 128>}, {transform_indices = @transform_2, window_bounds = array<i64: 1, 512, 128>}, {transform_indices = @transform_3, window_bounds = array<i64: 1, 512, 128>}, {transform_indices = @transform_4, window_bounds = array<i64: 1, 128, 128>}, {transform_indices = @transform_5, window_bounds = array<i64: 1, 1, 128>}, {transform_indices = @transform_6, window_bounds = array<i64: 1, 512, 128>}, {transform_indices = @transform_7, window_bounds = array<i64: 1, 512, 128>}]} {
    %get3A = arith.constant 0 : index
    %get3A_0 = arith.constant 0 : index
    %get3A_1 = arith.constant 0 : index
    %get3A_2 = vector.load %arg5[%get3A, %get3A_0, %get3A_1] : memref<1x512x128xf32, #tpu.memory_space<vmem>>, vector<1x512x1xf32>
    %get3A_3 = vector.shape_cast %get3A_2 : vector<1x512x1xf32> to vector<512x1xf32>
    %add3A = arith.constant 1.000000e+00 : f32
    %add3A_4 = vector.broadcast %add3A : f32 to vector<512x1xf32>
    %add3A_5 = arith.addf %get3A_3, %add3A_4 : vector<512x1xf32>
    %sqrt3A = math.sqrt %add3A_5 : vector<512x1xf32>
    %div3A = arith.constant 1.000000e+00 : f32
    %div3A_6 = vector.broadcast %div3A : f32 to vector<512x1xf32>
    %div3A_7 = arith.divf %div3A_6, %sqrt3A : vector<512x1xf32>
    %get3A_8 = arith.constant 0 : index
    %get3A_9 = arith.constant 0 : index
    %get3A_10 = arith.constant 0 : index
    %get3A_11 = vector.load %arg2[%get3A_8, %get3A_9, %get3A_10] : memref<1x512x128xf32, #tpu.memory_space<vmem>>, vector<1x512x128xf32>
    %get3A_12 = vector.shape_cast %get3A_11 : vector<1x512x128xf32> to vector<512x128xf32>
    %get3A_13 = arith.constant 0 : index
    %get3A_14 = arith.constant 0 : index
    %get3A_15 = arith.constant 0 : index
    %get3A_16 = vector.load %arg3[%get3A_13, %get3A_14, %get3A_15] : memref<1x512x128xf32, #tpu.memory_space<vmem>>, vector<1x512x128xf32>
    %get3A_17 = vector.shape_cast %get3A_16 : vector<1x512x128xf32> to vector<512x128xf32>
    %add3A_18 = arith.addf %get3A_12, %get3A_17 : vector<512x128xf32>
    %mul3A = vector.broadcast %div3A_7 : vector<512x1xf32> to vector<512x128xf32>
    %mul3A_19 = arith.mulf %mul3A, %add3A_18 : vector<512x128xf32>
    %get3A_20 = arith.constant 0 : index
    %get3A_21 = arith.constant 0 : index
    %get3A_22 = arith.constant 0 : index
    %get3A_23 = vector.load %arg4[%get3A_20, %get3A_21, %get3A_22] : memref<1x512x128xf32, #tpu.memory_space<vmem>>, vector<1x512x128xf32>
    %get3A_24 = vector.shape_cast %get3A_23 : vector<1x512x128xf32> to vector<512x128xf32>
    %add3A_25 = arith.addf %mul3A_19, %get3A_24 : vector<512x128xf32>
    %max3A = arith.constant 0.000000e+00 : f32
    %max3A_26 = vector.broadcast %max3A : f32 to vector<512x128xf32>
    %max3A_27 = arith.maximumf %add3A_25, %max3A_26 : vector<512x128xf32>
    %get3A_28 = arith.constant 0 : index
    %get3A_29 = arith.constant 0 : index
    %get3A_30 = arith.constant 0 : index
    %get3A_31 = vector.load %arg6[%get3A_28, %get3A_29, %get3A_30] : memref<1x128x128xf32, #tpu.memory_space<vmem>>, vector<1x128x128xf32>
    %get3A_32 = vector.shape_cast %get3A_31 : vector<1x128x128xf32> to vector<128x128xf32>
    %convert_element_type3A = arith.truncf %max3A_27 : vector<512x128xf32> to vector<512x128xbf16>
    %convert_element_type3A_33 = arith.truncf %get3A_32 : vector<128x128xf32> to vector<128x128xbf16>
    %dot_general3A = arith.constant dense<0.000000e+00> : vector<512x128xf32>
    %dot_general3A_34 = tpu.matmul %convert_element_type3A, %convert_element_type3A_33, %dot_general3A {dimension_numbers = #tpu.dot_dimension_numbers<[1], [0], [0], [1], [0, 0, 1, 1], [], []>, transpose_lhs_hint = false} : vector<512x128xbf16>, vector<128x128xbf16>, vector<512x128xf32> -> vector<512x128xf32>
    %get3A_35 = arith.constant 0 : index
    %get3A_36 = arith.constant 0 : index
    %get3A_37 = arith.constant 0 : index
    %get3A_38 = vector.load %arg7[%get3A_35, %get3A_36, %get3A_37] : memref<1x1x128xf32, #tpu.memory_space<vmem>>, vector<1x1x128xf32>
    %get3A_39 = vector.shape_cast %get3A_38 : vector<1x1x128xf32> to vector<1x128xf32>
    %add3A_40 = vector.broadcast %get3A_39 : vector<1x128xf32> to vector<512x128xf32>
    %add3A_41 = arith.addf %dot_general3A_34, %add3A_40 : vector<512x128xf32>
    %swap3A = arith.constant 0 : index
    %swap3A_42 = arith.constant 0 : index
    %swap3A_43 = arith.constant 0 : index
    %swap3A_44 = vector.load %arg8[%swap3A, %swap3A_42, %swap3A_43] : memref<1x512x128xf32, #tpu.memory_space<vmem>>, vector<1x512x128xf32>
    %swap3A_45 = vector.shape_cast %swap3A_44 : vector<1x512x128xf32> to vector<512x128xf32>
    %swap3A_46 = vector.shape_cast %max3A_27 : vector<512x128xf32> to vector<1x512x128xf32>
    tpu.vector_store %arg8[%swap3A, %swap3A_42, %swap3A_43], %swap3A_46 {strides = array<i32>} : memref<1x512x128xf32, #tpu.memory_space<vmem>>, vector<1x512x128xf32>,
    %mul3A_47 = vector.broadcast %div3A_7 : vector<512x1xf32> to vector<512x128xf32>
    %mul3A_48 = arith.mulf %mul3A_47, %add3A_41 : vector<512x128xf32>
    %swap3A_49 = arith.constant 0 : index
    %swap3A_50 = arith.constant 0 : index
    %swap3A_51 = arith.constant 0 : index
    %swap3A_52 = vector.load %arg9[%swap3A_49, %swap3A_50, %swap3A_51] : memref<1x512x128xf32, #tpu.memory_space<vmem>>, vector<1x512x128xf32>
    %swap3A_53 = vector.shape_cast %swap3A_52 : vector<1x512x128xf32> to vector<512x128xf32>
    %swap3A_54 = vector.shape_cast %mul3A_48 : vector<512x128xf32> to vector<1x512x128xf32>
    tpu.vector_store %arg9[%swap3A_49, %swap3A_50, %swap3A_51], %swap3A_54 {strides = array<i32>} : memref<1x512x128xf32, #tpu.memory_space<vmem>>, vector<1x512x128xf32>,
    return
  }
  func.func @transform_0(%arg0: i32, %arg1: i32) -> (i32, i32, i32) {
    %c0_i32 = arith.constant 0 : i32
    %c0_i32_0 = arith.constant 0 : i32
    return %arg0, %arg1, %c0_i32 : i32, i32, i32
  }
  func.func @transform_1(%arg0: i32, %arg1: i32) -> (i32, i32, i32) {
    %c0_i32 = arith.constant 0 : i32
    %c0_i32_0 = arith.constant 0 : i32
    return %arg0, %arg1, %c0_i32 : i32, i32, i32
  }
  func.func @transform_2(%arg0: i32, %arg1: i32) -> (i32, i32, i32) {
    %c0_i32 = arith.constant 0 : i32
    %c0_i32_0 = arith.constant 0 : i32
    return %arg0, %arg1, %c0_i32 : i32, i32, i32
  }
  func.func @transform_3(%arg0: i32, %arg1: i32) -> (i32, i32, i32) {
    %c0_i32 = arith.constant 0 : i32
    %c0_i32_0 = arith.constant 0 : i32
    return %arg0, %arg1, %c0_i32 : i32, i32, i32
  }
  func.func @transform_4(%arg0: i32, %arg1: i32) -> (i32, i32, i32) {
    %c0_i32 = arith.constant 0 : i32
    %c0_i32_0 = arith.constant 0 : i32
    %c0_i32_1 = arith.constant 0 : i32
    return %arg0, %c0_i32, %c0_i32_0 : i32, i32, i32
  }
  func.func @transform_5(%arg0: i32, %arg1: i32) -> (i32, i32, i32) {
    %c0_i32 = arith.constant 0 : i32
    %c0_i32_0 = arith.constant 0 : i32
    %c0_i32_1 = arith.constant 0 : i32
    return %arg0, %c0_i32, %c0_i32_0 : i32, i32, i32
  }
  func.func @transform_6(%arg0: i32, %arg1: i32) -> (i32, i32, i32) {
    %c0_i32 = arith.constant 0 : i32
    %c0_i32_0 = arith.constant 0 : i32
    return %arg0, %arg1, %c0_i32 : i32, i32, i32
  }
  func.func @transform_7(%arg0: i32, %arg1: i32) -> (i32, i32, i32) {
    %c0_i32 = arith.constant 0 : i32
    %c0_i32_0 = arith.constant 0 : i32
    return %arg0, %arg1, %c0_i32 : i32, i32, i32
  }
}

module attributes {stable_mosaic.version = 14 : i64} {
  func.func @_k3_body(%arg0: i32, %arg1: i32, %arg2: memref<1x512x128xf32, #tpu.memory_space<vmem>>, %arg3: memref<1x512x128xf32, #tpu.memory_space<vmem>>, %arg4: memref<1x512x128xf32, #tpu.memory_space<vmem>>, %arg5: memref<1x512x128xf32, #tpu.memory_space<vmem>>, %arg6: memref<1x1x1x512xi32, #tpu.memory_space<vmem>>, %arg7: memref<128x128xf32, #tpu.memory_space<vmem>>, %arg8: memref<1x128xf32, #tpu.memory_space<vmem>>, %arg9: memref<128x64xf32, #tpu.memory_space<vmem>>, %arg10: memref<1x64xf32, #tpu.memory_space<vmem>>, %arg11: memref<64x1xf32, #tpu.memory_space<vmem>>, %arg12: memref<1x1xf32, #tpu.memory_space<vmem>>, %arg13: memref<64x1xf32, #tpu.memory_space<vmem>>, %arg14: memref<64x128xf32, #tpu.memory_space<vmem>>) attributes {dimension_semantics = [#tpu.dimension_semantics<arbitrary>, #tpu.dimension_semantics<arbitrary>], iteration_bounds = array<i64: 2, 20>, scalar_prefetch = 0 : i64, scratch_operands = 1 : i64, tpu.core_type = #tpu.core_type<tc>, window_params = [{transform_indices = @transform_0, window_bounds = array<i64: 1, 512, 128>}, {transform_indices = @transform_1, window_bounds = array<i64: 1, 512, 128>}, {transform_indices = @transform_2, window_bounds = array<i64: 1, 512, 128>}, {transform_indices = @transform_3, window_bounds = array<i64: 1, 512, 128>}, {transform_indices = @transform_4, window_bounds = array<i64: 1, 1, 1, 512>}, {pipeline_mode = #tpu.pipeline_mode<synchronous>, transform_indices = @transform_5, window_bounds = array<i64: 128, 128>}, {pipeline_mode = #tpu.pipeline_mode<synchronous>, transform_indices = @transform_6, window_bounds = array<i64: 1, 128>}, {pipeline_mode = #tpu.pipeline_mode<synchronous>, transform_indices = @transform_7, window_bounds = array<i64: 128, 64>}, {pipeline_mode = #tpu.pipeline_mode<synchronous>, transform_indices = @transform_8, window_bounds = array<i64: 1, 64>}, {pipeline_mode = #tpu.pipeline_mode<synchronous>, transform_indices = @transform_9, window_bounds = array<i64: 64, 1>}, {pipeline_mode = #tpu.pipeline_mode<synchronous>, transform_indices = @transform_10, window_bounds = array<i64: 1, 1>}, {pipeline_mode = #tpu.pipeline_mode<synchronous>, transform_indices = @transform_11, window_bounds = array<i64: 64, 1>}]} {
    %eq3A = arith.constant 0 : i32
    %eq3A_0 = arith.cmpi eq, %arg0, %eq3A : i32
    %eq3A_1 = arith.constant 0 : i32
    %eq3A_2 = arith.cmpi eq, %arg1, %eq3A_1 : i32
    %and3A = arith.andi %eq3A_0, %eq3A_2 : i1
    %convert_element_type3A = arith.extui %and3A : i1 to i32
    %cond3A = arith.constant 0 : i32
    %cond3A_3 = arith.cmpi ne, %convert_element_type3A, %cond3A : i32
    scf.if %cond3A_3 {
      %broadcast_in_dim3A_55 = arith.constant 0.000000e+00 : f32
      %broadcast_in_dim3A_56 = vector.broadcast %broadcast_in_dim3A_55 : f32 to vector<64x128xf32>
      %swap3A_57 = arith.constant 0 : index
      %swap3A_58 = arith.constant 0 : index
      %swap3A_59 = vector.load %arg14[%swap3A_57, %swap3A_58] : memref<64x128xf32, #tpu.memory_space<vmem>>, vector<64x128xf32>
      tpu.vector_store %arg14[%swap3A_57, %swap3A_58], %broadcast_in_dim3A_56 {strides = array<i32>} : memref<64x128xf32, #tpu.memory_space<vmem>>, vector<64x128xf32>,
    } else {
    }
    %get3A = arith.constant 0 : index
    %get3A_4 = arith.constant 0 : index
    %get3A_5 = arith.constant 0 : index
    %get3A_6 = vector.load %arg5[%get3A, %get3A_4, %get3A_5] : memref<1x512x128xf32, #tpu.memory_space<vmem>>, vector<1x512x1xf32>
    %get3A_7 = vector.shape_cast %get3A_6 : vector<1x512x1xf32> to vector<512x1xf32>
    %add3A = arith.constant 1.000000e+00 : f32
    %add3A_8 = vector.broadcast %add3A : f32 to vector<512x1xf32>
    %add3A_9 = arith.addf %get3A_7, %add3A_8 : vector<512x1xf32>
    %sqrt3A = math.sqrt %add3A_9 : vector<512x1xf32>
    %div3A = arith.constant 1.000000e+00 : f32
    %div3A_10 = vector.broadcast %div3A : f32 to vector<512x1xf32>
    %div3A_11 = arith.divf %div3A_10, %sqrt3A : vector<512x1xf32>
    %get3A_12 = arith.constant 0 : index
    %get3A_13 = arith.constant 0 : index
    %get3A_14 = arith.constant 0 : index
    %get3A_15 = vector.load %arg2[%get3A_12, %get3A_13, %get3A_14] : memref<1x512x128xf32, #tpu.memory_space<vmem>>, vector<1x512x128xf32>
    %get3A_16 = vector.shape_cast %get3A_15 : vector<1x512x128xf32> to vector<512x128xf32>
    %get3A_17 = arith.constant 0 : index
    %get3A_18 = arith.constant 0 : index
    %get3A_19 = arith.constant 0 : index
    %get3A_20 = vector.load %arg3[%get3A_17, %get3A_18, %get3A_19] : memref<1x512x128xf32, #tpu.memory_space<vmem>>, vector<1x512x128xf32>
    %get3A_21 = vector.shape_cast %get3A_20 : vector<1x512x128xf32> to vector<512x128xf32>
    %add3A_22 = arith.addf %get3A_16, %get3A_21 : vector<512x128xf32>
    %mul3A = vector.broadcast %div3A_11 : vector<512x1xf32> to vector<512x128xf32>
    %mul3A_23 = arith.mulf %mul3A, %add3A_22 : vector<512x128xf32>
    %get3A_24 = arith.constant 0 : index
    %get3A_25 = arith.constant 0 : index
    %get3A_26 = arith.constant 0 : index
    %get3A_27 = vector.load %arg4[%get3A_24, %get3A_25, %get3A_26] : memref<1x512x128xf32, #tpu.memory_space<vmem>>, vector<1x512x128xf32>
    %get3A_28 = vector.shape_cast %get3A_27 : vector<1x512x128xf32> to vector<512x128xf32>
    %add3A_29 = arith.addf %mul3A_23, %get3A_28 : vector<512x128xf32>
    %get3A_30 = arith.constant 0 : index
    %get3A_31 = arith.constant 0 : index
    %get3A_32 = arith.constant 0 : index
    %get3A_33 = arith.constant 0 : index
    %get3A_34 = vector.load %arg6[%get3A_30, %get3A_31, %get3A_32, %get3A_33] : memref<1x1x1x512xi32, #tpu.memory_space<vmem>>, vector<1x1x1x512xi32>
    %get3A_35 = vector.shape_cast %get3A_34 : vector<1x1x1x512xi32> to vector<512xi32>
    %iota3A = tpu.iota {dimensions = array<i32: 0>} : vector<64x512xi32>
    %broadcast_in_dim3A = vector.shape_cast %get3A_35 : vector<512xi32> to vector<1x512xi32>
    %eq3A_36 = vector.broadcast %broadcast_in_dim3A : vector<1x512xi32> to vector<64x512xi32>
    %eq3A_37 = arith.cmpi eq, %eq3A_36, %iota3A : vector<64x512xi32>
    %convert_element_type3A_38 = arith.extui %eq3A_37 : vector<64x512xi1> to vector<64x512xi32>
    %convert_element_type3A_39 = arith.sitofp %convert_element_type3A_38 : vector<64x512xi32> to vector<64x512xf32>
    %get3A_40 = arith.constant 0 : index
    %get3A_41 = arith.constant 0 : index
    %get3A_42 = vector.load %arg14[%get3A_40, %get3A_41] : memref<64x128xf32, #tpu.memory_space<vmem>>, vector<64x128xf32>
    %dot_general3A = arith.constant dense<0.000000e+00> : vector<64x128xf32>
    %dot_general3A_43 = tpu.matmul %convert_element_type3A_39, %add3A_29, %dot_general3A {dimension_numbers = #tpu.dot_dimension_numbers<[1], [0], [0], [1], [0, 0, 1, 1], [], []>, precision = #tpu.contract_precision<fp32>, transpose_lhs_hint = false} : vector<64x512xf32>, vector<512x128xf32>, vector<64x128xf32> -> vector<64x128xf32>
    %add3A_44 = arith.addf %get3A_42, %dot_general3A_43 : vector<64x128xf32>
    %swap3A = arith.constant 0 : index
    %swap3A_45 = arith.constant 0 : index
    %swap3A_46 = vector.load %arg14[%swap3A, %swap3A_45] : memref<64x128xf32, #tpu.memory_space<vmem>>, vector<64x128xf32>
    tpu.vector_store %arg14[%swap3A, %swap3A_45], %add3A_44 {strides = array<i32>} : memref<64x128xf32, #tpu.memory_space<vmem>>, vector<64x128xf32>,
    %eq3A_47 = arith.constant 1 : i32
    %eq3A_48 = arith.cmpi eq, %arg0, %eq3A_47 : i32
    %eq3A_49 = arith.constant 19 : i32
    %eq3A_50 = arith.cmpi eq, %arg1, %eq3A_49 : i32
    %and3A_51 = arith.andi %eq3A_48, %eq3A_50 : i1
    %convert_element_type3A_52 = arith.extui %and3A_51 : i1 to i32
    %cond3A_53 = arith.constant 0 : i32
    %cond3A_54 = arith.cmpi ne, %convert_element_type3A_52, %cond3A_53 : i32
    scf.if %cond3A_54 {
      %get3A_55 = arith.constant 0 : index
      %get3A_56 = arith.constant 0 : index
      %get3A_57 = vector.load %arg14[%get3A_55, %get3A_56] : memref<64x128xf32, #tpu.memory_space<vmem>>, vector<64x128xf32>
      %get3A_58 = arith.constant 0 : index
      %get3A_59 = arith.constant 0 : index
      %get3A_60 = vector.load %arg7[%get3A_58, %get3A_59] : memref<128x128xf32, #tpu.memory_space<vmem>>, vector<128x128xf32>
      %convert_element_type3A_61 = arith.truncf %get3A_57 : vector<64x128xf32> to vector<64x128xbf16>
      %convert_element_type3A_62 = arith.truncf %get3A_60 : vector<128x128xf32> to vector<128x128xbf16>
      %dot_general3A_63 = arith.constant dense<0.000000e+00> : vector<64x128xf32>
      %dot_general3A_64 = tpu.matmul %convert_element_type3A_61, %convert_element_type3A_62, %dot_general3A_63 {dimension_numbers = #tpu.dot_dimension_numbers<[1], [0], [0], [1], [0, 0, 1, 1], [], []>, transpose_lhs_hint = false} : vector<64x128xbf16>, vector<128x128xbf16>, vector<64x128xf32> -> vector<64x128xf32>
      %get3A_65 = arith.constant 0 : index
      %get3A_66 = arith.constant 0 : index
      %get3A_67 = vector.load %arg8[%get3A_65, %get3A_66] : memref<1x128xf32, #tpu.memory_space<vmem>>, vector<1x128xf32>
      %add3A_68 = vector.broadcast %get3A_67 : vector<1x128xf32> to vector<64x128xf32>
      %add3A_69 = arith.addf %dot_general3A_64, %add3A_68 : vector<64x128xf32>
      %max3A = arith.constant 0.000000e+00 : f32
      %max3A_70 = vector.broadcast %max3A : f32 to vector<64x128xf32>
      %max3A_71 = arith.maximumf %add3A_69, %max3A_70 : vector<64x128xf32>
      %get3A_72 = arith.constant 0 : index
      %get3A_73 = arith.constant 0 : index
      %get3A_74 = vector.load %arg9[%get3A_72, %get3A_73] : memref<128x64xf32, #tpu.memory_space<vmem>>, vector<128x64xf32>
      %convert_element_type3A_75 = arith.truncf %max3A_71 : vector<64x128xf32> to vector<64x128xbf16>
      %convert_element_type3A_76 = arith.truncf %get3A_74 : vector<128x64xf32> to vector<128x64xbf16>
      %dot_general3A_77 = arith.constant dense<0.000000e+00> : vector<64x64xf32>
      %dot_general3A_78 = tpu.matmul %convert_element_type3A_75, %convert_element_type3A_76, %dot_general3A_77 {dimension_numbers = #tpu.dot_dimension_numbers<[1], [0], [0], [1], [0, 0, 1, 1], [], []>, transpose_lhs_hint = false} : vector<64x128xbf16>, vector<128x64xbf16>, vector<64x64xf32> -> vector<64x64xf32>
      %get3A_79 = arith.constant 0 : index
      %get3A_80 = arith.constant 0 : index
      %get3A_81 = vector.load %arg10[%get3A_79, %get3A_80] : memref<1x64xf32, #tpu.memory_space<vmem>>, vector<1x64xf32>
      %add3A_82 = vector.broadcast %get3A_81 : vector<1x64xf32> to vector<64x64xf32>
      %add3A_83 = arith.addf %dot_general3A_78, %add3A_82 : vector<64x64xf32>
      %max3A_84 = arith.constant 0.000000e+00 : f32
      %max3A_85 = vector.broadcast %max3A_84 : f32 to vector<64x64xf32>
      %max3A_86 = arith.maximumf %add3A_83, %max3A_85 : vector<64x64xf32>
      %get3A_87 = arith.constant 0 : index
      %get3A_88 = arith.constant 0 : index
      %get3A_89 = vector.load %arg11[%get3A_87, %get3A_88] : memref<64x1xf32, #tpu.memory_space<vmem>>, vector<64x1xf32>
      %convert_element_type3A_90 = arith.truncf %max3A_86 : vector<64x64xf32> to vector<64x64xbf16>
      %convert_element_type3A_91 = arith.truncf %get3A_89 : vector<64x1xf32> to vector<64x1xbf16>
      %dot_general3A_92 = arith.constant dense<0.000000e+00> : vector<64x1xf32>
      %dot_general3A_93 = tpu.matmul %convert_element_type3A_90, %convert_element_type3A_91, %dot_general3A_92 {dimension_numbers = #tpu.dot_dimension_numbers<[1], [0], [0], [1], [0, 0, 1, 1], [], []>, transpose_lhs_hint = false} : vector<64x64xbf16>, vector<64x1xbf16>, vector<64x1xf32> -> vector<64x1xf32>
      %get3A_94 = arith.constant 0 : index
      %get3A_95 = arith.constant 0 : index
      %get3A_96 = vector.load %arg12[%get3A_94, %get3A_95] : memref<1x1xf32, #tpu.memory_space<vmem>>, vector<1x1xf32>
      %add3A_97 = vector.broadcast %get3A_96 : vector<1x1xf32> to vector<64x1xf32>
      %add3A_98 = arith.addf %dot_general3A_93, %add3A_97 : vector<64x1xf32>
      %swap3A_99 = arith.constant 0 : index
      %swap3A_100 = arith.constant 0 : index
      %swap3A_101 = vector.load %arg13[%swap3A_99, %swap3A_100] : memref<64x1xf32, #tpu.memory_space<vmem>>, vector<64x1xf32>
      tpu.vector_store %arg13[%swap3A_99, %swap3A_100], %add3A_98 {strides = array<i32>} : memref<64x1xf32, #tpu.memory_space<vmem>>, vector<64x1xf32>,
    } else {
    }
    return
  }
  func.func @transform_0(%arg0: i32, %arg1: i32) -> (i32, i32, i32) {
    %c0_i32 = arith.constant 0 : i32
    %c0_i32_0 = arith.constant 0 : i32
    return %arg0, %arg1, %c0_i32 : i32, i32, i32
  }
  func.func @transform_1(%arg0: i32, %arg1: i32) -> (i32, i32, i32) {
    %c0_i32 = arith.constant 0 : i32
    %c0_i32_0 = arith.constant 0 : i32
    return %arg0, %arg1, %c0_i32 : i32, i32, i32
  }
  func.func @transform_2(%arg0: i32, %arg1: i32) -> (i32, i32, i32) {
    %c0_i32 = arith.constant 0 : i32
    %c0_i32_0 = arith.constant 0 : i32
    return %arg0, %arg1, %c0_i32 : i32, i32, i32
  }
  func.func @transform_3(%arg0: i32, %arg1: i32) -> (i32, i32, i32) {
    %c0_i32 = arith.constant 0 : i32
    %c0_i32_0 = arith.constant 0 : i32
    return %arg0, %arg1, %c0_i32 : i32, i32, i32
  }
  func.func @transform_4(%arg0: i32, %arg1: i32) -> (i32, i32, i32, i32) {
    %c0_i32 = arith.constant 0 : i32
    %c0_i32_0 = arith.constant 0 : i32
    %c0_i32_1 = arith.constant 0 : i32
    return %arg0, %arg1, %c0_i32, %c0_i32_0 : i32, i32, i32, i32
  }
  func.func @transform_5(%arg0: i32, %arg1: i32) -> (i32, i32) {
    %c0_i32 = arith.constant 0 : i32
    %c0_i32_0 = arith.constant 0 : i32
    %c0_i32_1 = arith.constant 0 : i32
    return %c0_i32, %c0_i32_0 : i32, i32
  }
  func.func @transform_6(%arg0: i32, %arg1: i32) -> (i32, i32) {
    %c0_i32 = arith.constant 0 : i32
    %c0_i32_0 = arith.constant 0 : i32
    %c0_i32_1 = arith.constant 0 : i32
    return %c0_i32, %c0_i32_0 : i32, i32
  }
  func.func @transform_7(%arg0: i32, %arg1: i32) -> (i32, i32) {
    %c0_i32 = arith.constant 0 : i32
    %c0_i32_0 = arith.constant 0 : i32
    %c0_i32_1 = arith.constant 0 : i32
    return %c0_i32, %c0_i32_0 : i32, i32
  }
  func.func @transform_8(%arg0: i32, %arg1: i32) -> (i32, i32) {
    %c0_i32 = arith.constant 0 : i32
    %c0_i32_0 = arith.constant 0 : i32
    %c0_i32_1 = arith.constant 0 : i32
    return %c0_i32, %c0_i32_0 : i32, i32
  }
  func.func @transform_9(%arg0: i32, %arg1: i32) -> (i32, i32) {
    %c0_i32 = arith.constant 0 : i32
    %c0_i32_0 = arith.constant 0 : i32
    %c0_i32_1 = arith.constant 0 : i32
    return %c0_i32, %c0_i32_0 : i32, i32
  }
  func.func @transform_10(%arg0: i32, %arg1: i32) -> (i32, i32) {
    %c0_i32 = arith.constant 0 : i32
    %c0_i32_0 = arith.constant 0 : i32
    %c0_i32_1 = arith.constant 0 : i32
    return %c0_i32, %c0_i32_0 : i32, i32
  }
  func.func @transform_11(%arg0: i32, %arg1: i32) -> (i32, i32) {
    %c0_i32 = arith.constant 0 : i32
    %c0_i32_0 = arith.constant 0 : i32
    %c0_i32_1 = arith.constant 0 : i32
    return %c0_i32, %c0_i32_0 : i32, i32
  }
}

</mosaic_0001>

<sc_bundles>
// kernel: kernel.10.cloned.1.call-start
scs
__scs_entry_jumppad:
0x0: {  	(pc) =	sbr.rel $0x88, $3  }
0x1: {  	(tag) =	ssettag $0x0;
	lr =	simm.s32 $0x1  }
0x2: {  	[smem:$0x3F8D] =	sst lr;
	_ =	strace $0xD0000000  }
0x3: {  	_ = 	snop  }
0x4: {  	_ = 	snop  }
0x5: {  	_ = 	snop  }
0x6: {  	_ = 	snop  }
0x7: {  	_ = 	snop  }
__scs_overlays_trampoline_lowered:
0x8: {  	[smem:$0x3F9C] =	sst s0  }
0x9: {  	[smem:$0x3F9D] =	sst s1  }
0xa: {  	[smem:$0x3F9E] =	sst s2  }
0xb: {  	[smem:$0x3F9F] =	sst s3  }
0xc: {  	[smem:$0x3FA0] =	sst s4  }
0xd: {  	[smem:$0x3FA1] =	sst s5  }
0xe: {  	[smem:$0x3FA2] =	sst s6  }
0xf: {  	[smem:$0x3FA3] =	sst s7  }
0x10: {  	[smem:$0x3FA4] =	sst s8  }
0x11: {  	[smem:$0x3FA5] =	sst s9;
	s0 =	simm.s32 @!p0 $0x0  }
0x12: {  	s1 =	sld [smem:$0x3F8B];
	s0 =	simm.s32 @p0 $0x1  }
0x13: {  	[smem:$0x3FA6] =	sst s0;
	s0 =	simm.s32 @!p1 $0x0  }
0x14: {  	s2 =	sld [smem:$0x3F8A];
	s0 =	simm.s32 @p1 $0x1  }
0x15: {  	[smem:$0x3FA7] =	sst s0;
	s0 =	simm.s32 @!p2 $0x0  }
0x16: {  	s3 =	sld [smem:$0x3FDB];
	s0 =	simm.s32 @p2 $0x1  }
0x17: {  	s4 =	simm.s32 $0x1BF5;
	[smem:$0x3FA9] =	sst s0  }
0x18: {  	s0 =	sld [smem:$0x3F8C];
	_ =	swait.ge [sflag:s4], $0x0  }
0x19: {  	s7 =	sld [smem:$0x3F8D]  }
0x1a: {  	s8 =	sadd.s32 $0xFFFFE003, lr  }
0x1b: {  	s9 =	sadd.s32 $0xFFFFFEF7, lr;
	s5 =	simm.s32 $0xFFFFFFFF;
	p2 =	slt.u32 s8, $0xFFFFF086  }
0x1c: {  	p1 =	slt.u32 s9, $0xF7A;
	s5 =	simm.s32 @!p2 $0x0  }
0x1d: {  	s5 =	simm.s32 @p1 $0x1;
	p0 =	seq.s32 s7, s2  }
0x1e: {  	s7 =	smul.u32 @!p0 $0xF7A, s2;
	p2 =	seq.s32 @!p0 s5, $0x0  }
0x1f: {  	s9 =	smul.u32 $0xF7A, s1;
	s8 =	simm.s32 @!p0 $0x1BF5;
	p2 =	por !p2, p0  }
0x20: {  	[sflag:s8] =	ssyncset.s32 @!p0 $0xFFFFF086;
	s6 =	sadd.s32 @!p0 s3, s7;
	s7 =	simm.s32 @!p0 $0x108  }
0x21: {  	s3 =	sadd.s32 s3, s9;
	s6 =	sadd.s32 @!p0 $0x88, s6;
	s7 =	simm.s32 @p2 $0x1082  }
0x22: {  	[simem:s7], [sflag:s8] =	dma.local @!p0 [hbm:s6], $0xF7A  }
0x23: {  	s9 =	sor.u32 $0xD0000000, s2;
	s6 =	simm.s32 $0x108;
	_ =	swait.ge @!p0 [sflag:s8], $0x0  }
0x24: {  	s3 =	sadd.s32 $0x88, s3;
	s6 =	simm.s32 @!p1 $0x1082;
	[sflag:s4] =	ssyncset.s32 $0xFFFFF086  }
0x25: {  	[simem:s6], [sflag:s4] =	dma.local [hbm:s3], $0xF7A  }
0x26: {  	[smem:$0x3F8D] =	sst s1;
	(tag) =	ssettag s2;
	_ =	strace s9  }
0x27: {  	s1 =	sld [smem:$0x3F9D]  }
0x28: {  	s2 =	sld [smem:$0x3F9E]  }
0x29: {  	s4 =	sld [smem:$0x3FA0]  }
0x2a: {  	p0 =	seq.s32 s5, $0x0;
	s5 =	sld [smem:$0x3FA1]  }
0x2b: {  	s6 =	sld [smem:$0x3FA2]  }
0x2c: {  	s7 =	sld [smem:$0x3FA3]  }
0x2d: {  	s3 =	simm.s32 $0x108;
	s8 =	sld [smem:$0x3FA4]  }
0x2e: {  	s3 =	simm.s32 @!p0 $0x1082;
	s9 =	sld [smem:$0x3FA5]  }
0x2f: {  	lr =	sadd.s32 s0, s3;
	s0 =	sld [smem:$0x3F9C]  }
0x30: {  	s3 =	sld [smem:$0x3F9F]  }
0x31: {  	[smem:$0x3FA8] =	sst s10  }
0x32: {  	s10 =	sld [smem:$0x3FA6];
	_ =	sdelay $0x3  }
0x33: {  	p0 =	seq.s32 s10, $0x1;
	s10 =	sld [smem:$0x3FA8];
	_ =	sdelay $0x3  }
0x34: {  	[smem:$0x3FA8] =	sst s10  }
0x35: {  	s10 =	sld [smem:$0x3FA7];
	_ =	sdelay $0x3  }
0x36: {  	p1 =	seq.s32 s10, $0x1;
	s10 =	sld [smem:$0x3FA8];
	_ =	sdelay $0x3  }
0x37: {  	[smem:$0x3FA8] =	sst s10  }
0x38: {  	s10 =	sld [smem:$0x3FA9]  }
0x39: {  	_ = 	snop;
	(pc) =	sbr.ind lr, $3  }
0x3a: {  	_ = 	snop  }
0x3b: {  	_ = 	snop  }
0x3c: {  	p2 =	seq.s32 s10, $0x1;
	s10 =	sld [smem:$0x3FA8]  }
0x3d: {  	_ =	shalt  }
0x3e: {  	_ =	shalt  }
0x3f: {  	_ =	shalt  }
0x40: {  	_ =	shalt  }
0x41: {  	_ =	shalt  }
0x42: {  	_ =	shalt  }
0x43: {  	_ =	shalt  }
0x44: {  	_ =	shalt  }
0x45: {  	_ =	shalt  }
0x46: {  	_ =	shalt  }
0x47: {  	_ =	shalt  }
0x48: {  	_ =	shalt  }
0x49: {  	_ =	shalt  }
0x4a: {  	_ =	shalt  }
0x4b: {  	_ =	shalt  }
0x4c: {  	_ =	shalt  }
0x4d: {  	_ =	shalt  }
0x4e: {  	_ =	shalt  }
0x4f: {  	_ =	shalt  }
0x50: {  	_ =	shalt  }
0x51: {  	_ =	shalt  }
0x52: {  	_ =	shalt  }
0x53: {  	_ =	shalt  }
0x54: {  	_ =	shalt  }
0x55: {  	_ =	shalt  }
0x56: {  	_ =	shalt  }
0x57: {  	_ =	shalt  }
0x58: {  	_ =	shalt  }
0x59: {  	_ =	shalt  }
0x5a: {  	_ =	shalt  }
0x5b: {  	_ =	shalt  }
0x5c: {  	_ =	shalt  }
0x5d: {  	_ =	shalt  }
0x5e: {  	_ =	shalt  }
0x5f: {  	_ =	shalt  }
0x60: {  	_ =	shalt  }
0x61: {  	_ =	shalt  }
0x62: {  	_ =	shalt  }
0x63: {  	_ =	shalt  }
0x64: {  	_ =	shalt  }
0x65: {  	_ =	shalt  }
0x66: {  	_ =	shalt  }
0x67: {  	_ =	shalt  }
0x68: {  	_ =	shalt  }
0x69: {  	_ =	shalt  }
0x6a: {  	_ =	shalt  }
0x6b: {  	_ =	shalt  }
0x6c: {  	_ =	shalt  }
0x6d: {  	_ =	shalt  }
0x6e: {  	_ =	shalt  }
0x6f: {  	_ =	shalt  }
0x70: {  	_ =	shalt  }
0x71: {  	_ =	shalt  }
0x72: {  	_ =	shalt  }
0x73: {  	_ =	shalt  }
0x74: {  	_ =	shalt  }
0x75: {  	_ =	shalt  }
0x76: {  	_ =	shalt  }
0x77: {  	_ =	shalt  }
0x78: {  	_ =	shalt  }
0x79: {  	_ =	shalt  }
0x7a: {  	_ =	shalt  }
0x7b: {  	_ =	shalt  }
0x7c: {  	_ =	shalt  }
0x7d: {  	_ =	shalt  }
0x7e: {  	_ =	shalt  }
0x7f: {  	_ =	shalt  }
0x80: {  	_ =	shalt  }
0x81: {  	_ =	shalt  }
0x82: {  	_ =	shalt  }
0x83: {  	_ =	shalt  }
0x84: {  	_ =	shalt  }
0x85: {  	_ =	shalt  }
0x86: {  	_ =	shalt  }
0x87: {  	_ =	shalt  }
.Lfunc_end0:
.L_simem_size_0:
called_computation_lowered:
.L_overlay_start_0:
0x88: {  	s2 =	sld [smem:$0x3FD9]  }
0x89: {  	s3 =	sld [smem:$0x3FFE];
	_ =	sdelay $0x1  }
0x8a: {  	s1 =	srdreg.scid  }
0x8b: {  	s0 =	sand.u32 $0x1, s1  }
0x8c: {  	s16 =	sshll.u32 s0, $0xA;
	s2 =	sadd.s32 s3, s2  }
0x8d: {  	s2 =	sadd.s32 s2, s16  }
0x8e: {  	[smem:$0x3FB4] =	sst s2  }
0x8f: {  	_ = 	snop  }
0x90: {  	(tm) =	ssettm $0x1  }
0x91: {  	s17 =	sld [smem:$0x3FFB];
	_ =	sdelay $0x3  }
0x92: {  	_ =	strace s17  }
0x93: {  	s2 =	sld [smem:$0x3FFC];
	_ =	sdelay $0x3  }
0x94: {  	_ =	strace s2  }
0x95: {  	s2 =	sld [smem:$0x3FFD];
	_ =	sdelay $0x3  }
0x96: {  	_ =	strace s2  }
0x97: {  	_ =	strace $0x8FFFFFFF  }
0x98: {  	s18 =	sld [smem:$0x3FDB];
	_ =	sdelay $0x1  }
0x99: {  	s19 =	simm.s32 $_scs_section_size  }
0x9a: {  	s4 =	simm.s32 $_size__tile_overlayer_lowered;
	s5 =	simm.s32 $_tile_overlayer_lowered  }
0x9b: {  	s22 =	simm.s32 $0x1BFF;
	s21 =	sshll.u32 s5, $0x1;
	s2 =	sadd.s32 s19, s18  }
0x9c: {  	s6 =	simm.s32 $0x0;
	s20 =	sshll.u32 s4, $0x1;
	s4 =	sadd.s32 s21, s2  }
0x9d: {  	[timem:s6], [sflag:s22] =	dma.local [hbm:s4], s20  }
0x9e: {  	_ =	swait.ge [sflag:s22], s20  }
0x9f: {  	s3 =	ssub.s32 $0x0, s20;
	[sflag:s22] =	ssyncset.done $0x0  }
0xa0: {  	[sflag:s22] =	ssyncadd.s32 s3;
	_ =	sdelay $0x1  }
0xa1: {  	s23 =	simm.s32 $0x1B8B  }
0xa2: {  	_ =	swait.ge [sflag:s23], $0x1  }
0xa3: {  	[sflag:s23] =	ssyncset.done $0x0  }
0xa4: {  	s25 =	simm.s32 $0x1B8E;
	s24 =	sld [smem:$0x3FFE];
	[sflag:s23] =	ssyncadd.s32 $0xFFFFFFFF  }
0xa5: {  	s26 =	simm.s32 $execute0_lowered;
	[smem:$0x3FD2] =	sst s25  }
0xa6: {  	s4 =	sshll.u32 s26, $0x1;
	_ =	strace $0x80000046;
	[dreg:$0x1] =	wrdreg $0xFFFFFFFF  }
0xa7: {  	s28 =	simm.s32 $_size_execute0_lowered;
	s2 =	sadd.s32 s2, s4;
	[dreg:$0x0] =	wrdreg $0x0  }
0xa8: {  	s4 =	sshll.u32 s28, $0x1;
	[dreg:$0x2] =	wrdreg s2  }
0xa9: {  	[dreg:$0x3] =	wrdreg s4  }
0xaa: {  	[dreg:$0x4] =	wrdreg $0xC0  }
0xab: {  	_ =	task [dreg:s6], $0x5FFFF  }
0xac: {  	[dreg:$0x1] =	wrdreg $0xFFFFFFFF  }
0xad: {  	[dreg:$0x0] =	wrdreg $0x60  }
0xae: {  	[dreg:$0x2] =	wrdreg s24  }
0xaf: {  	[dreg:$0x3] =	wrdreg $0x0  }
0xb0: {  	[dreg:$0x4] =	wrdreg $0x9  }
0xb1: {  	_ =	task.clear_ibuf [dreg:s6], $0x5FFFF;
	_ =	strace $0x90000046  }
0xb2: {  	s29 =	simm.s32 $0x9;
	_ =	strace $0x80000048  }
0xb3: {  	_ =	swait.ge [sflag:s29], $0x1  }
0xb4: {  	[sflag:s29] =	ssyncadd.s32 $0xFFFFFFFF  }
0xb5: {  	_ =	strace $0x90000048  }
0xb6: {  	_ =	sfence  }
0xb7: {  	s30 =	sld [smem:$0x0];
	_ =	sdelay $0x2  }
0xb8: {  	s31 =	sshll.u32 s1, $0xD;
	s1 =	sshrl.u32 s1, $0x2  }
0xb9: {  	s3 =	sand.u32 $0x4000, s31;
	s1 =	sadd.s32 s1, s30  }
0xba: {  	s0 =	sor.u32 s3, s0;
	s1 =	sshll.u32 s1, $0x11  }
0xbb: {  	s0 =	sor.u32 s1, s0  }
0xbc: {  	s0 =	sadd.s32 $0x8F2B, s0  }
0xbd: {  	[sflag:s0] =	ssyncadd.remote.s32 $0x1  }
0xbe: {  	_ =	sfence.sel $0xFFFF  }
0xbf: {  	[dreg:$0x0] =	wrdreg $0xFFFFFFFF;
	(pc) =	sbr.abs _section_cstart, $3  }
0xc0: {  	[dreg:$0x1] =	wrdreg $0xFFFFFFFF  }
0xc1: {  	_ =	task.clear_ibuf [dreg:s6], $0x2FFFF;
	_ =	strace $0x9FFFFFFF  }
0xc2: {  	(tm) =	ssettm $0x7FFFFFFF  }
0xc3: {  	_ =	shalt  }
tec
execute0_lowered:
.L_overlay_start_1:
0x0: {  	(tag) =	ssettag $0x1  }
0x1: {  	s5 =	rddreg [dreg:$0x0]  }
0x2: {  	s2 =	rddreg [dreg:$0x1]  }
0x3: {  	s0 =	rddreg [dreg:$0x2];
	s3 =	simm.s32 $0x0  }
0x4: {  	s1 =	stileid.u32;
	s4 =	srdreg.scid;
	s13 =	simm.s32 $0x14000  }
0x5: {  	s14 =	simm.s32 $0x18000;
	s15 =	simm.s32 $0x80;
	s7 =	smul.u32 $0x9C00, s1  }
0x6: {  	s16 =	simm.s32 $0x0;
	s6 =	smin.u32 s1, $0x4;
	s28 =	smul.u32 $0x14000, s1  }
0x7: {  	[smem:$0x7FF] =	sst s3;
	s8 =	sand.u32 $0x1, s4;
	s11 =	smul.u32 $0x50000, s1  }
0x8: {  	s31 =	sshll.u32 s1, $0x6;
	p0 =	slt.u32 s1, $0x4;
	s25 =	sshll.u32 s6, $0x8  }
0x9: {  	s26 =	sshll.u32 s8, $0x7;
	_ =	strace $0x80000047;
	s9 =	smul.u32 $0x140000, s8  }
0xa: {  	s8 =	ssub.s32 $0x2, s8;
	s4 =	sadd.s32 s25, s7;
	s29 =	sshrl.u32 s28, $0x3  }
0xb: {  	s30 =	sshrl.u32 s8, $0x1;
	s11 =	sshrl.u32 s11, $0x2;
	s4 =	sor.u32 s26, s4  }
0xc: {  	s6 =	sadd.s32 s29, s5;
	s7 =	sadd.s32 s28, s9;
	s9 =	ssub.s32 s8, s30  }
0xd: {  	s11 =	sadd.s32 s11, s2;
	s4 =	sshrl.u32 s4, $0x3;
	s7 =	sshrl.u32 s7, $0x3  }
0xe: {  	s6 =	sadd.s32 $0x2DE00, s6;
	s9 =	smax.u32 s9, $0x1;
	s10 =	sadd.s32 s4, s5  }
0xf: {  	s4 =	sadd.s32 $0x55E00, s5;
	s12 =	sadd.s32 s7, s5;
	s5 =	simm.s32 $0x9D  }
0x10: {  	s11 =	sshrl.u32 s11, $0x3;
	s7 =	sor.u32 $0x1C01, s31;
	s5 =	simm.s32 @!p0 $0x9C  }
0x11: {  	s8 =	sadd.s32 $0x56600, s12;
	s10 =	sadd.s32 $0x6A00, s10;
	s12 =	simm.s32 $0x1  }
.LBB2_1:
0x12: {  	[spmem:s11], [sflag:s7] =	dma.local [hbm:s6], $0x2800  }
0x13: {  	_ =	swait.ge [sflag:s12], $0x2800  }
0x14: {  	[sflag:s12] =	ssyncset.done $0x0  }
0x15: {  	[sflag:s12] =	ssyncadd.s32 $0xFFFFD800  }
0x16: {  	[tilespmem:s13], [sflag:$0x1] =	stream.linear.gather [hbm4b:s4+s3], $0x4000, $0x38;
	[tilespmem:$0x18080] =	vst v63  }
0x17: {  	_ =	swait.ge [sflag:s12], $0x4000  }
0x18: {  	[sflag:s12] =	ssyncset.done $0x0  }
0x19: {  	[sflag:s12] =	ssyncadd.s32 $0xFFFFC000  }
0x1a: {  	[bflag:$0x0] =	sbarrier.arrive $0xFFFF  }
0x1b: {  	[tilespmem:s14], [sflag:$0x1] =	stream.linear.gather [hbm4b:s10+s3], $0x80, $0x38;
	[tilespmem:$0x18080] =	vst v63  }
0x1c: {  	p0 =	sne.s32 s5, $0x1;
	_ =	swait.ge [sflag:s12], $0x80  }
.Ltmp0:
0x1d: {  	[sflag:s12] =	ssyncset.done $0x0;
	(pc) =	sbr.rel @!p0 .LBB2_3-.Ltmp0, $4  }
0x1e: {  	[sflag:s12] =	ssyncadd.s32 $0xFFFFFF80  }
0x1f: {  	[spmem:s2] =	stream.indirect.scatter.add.f32 [tilespmem:s13], [sflag:$0x1], $0x80, s14, s15, $0xb8;
	[tilespmem:$0x18080] =	vst v63  }
0x20: {  	_ =	swait.ge [sflag:s12], $0x4000  }
0x21: {  	s17 =	sadd.s32 $0xFFFFFFFF, s5;
	s18 =	smov.u32 s10;
	[sflag:s12] =	ssyncset.done $0x0  }
.LBB2_2:
0x22: {  	p0 =	sne.s32 s17, $0x1;
	[sflag:s12] =	ssyncadd.s32 $0xFFFFC000;
	s18 =	sadd.s32 $0x20, s18  }
0x23: {  	[tilespmem:s14], [sflag:$0x1] =	stream.linear.gather [hbm4b:s18+s3], $0x80, $0x38;
	[tilespmem:$0x18080] =	vst v63  }
0x24: {  	s17 =	sadd.s32 $0xFFFFFFFF, s17;
	_ =	swait.ge [sflag:s12], $0x80  }
.Ltmp1:
0x25: {  	[sflag:s12] =	ssyncset.done $0x0;
	(pc) =	sbr.rel @p0 .LBB2_2-.Ltmp1, $4  }
0x26: {  	[sflag:s12] =	ssyncadd.s32 $0xFFFFFF80  }
0x27: {  	[spmem:s2] =	stream.indirect.scatter.add.f32 [tilespmem:s13], [sflag:$0x1], $0x80, s14, s15, $0xb8;
	[tilespmem:$0x18080] =	vst v63  }
0x28: {  	_ =	swait.ge [sflag:s12], $0x4000  }
0x29: {  	[sflag:s12] =	ssyncset.done $0x0  }
.LBB2_3:
0x2a: {  	s16 =	sadd.s32 $0x1, s16  }
0x2b: {  	[sflag:s12] =	ssyncadd.s32 $0xFFFFC000;
	p0 =	sne.s32 s16, s9  }
.Ltmp2:
0x2c: {  	[bflag:$0x0] =	sbarrier.arrive $0xFFFF;
	(pc) =	sbr.rel @p0 .LBB2_1-.Ltmp2, $4  }
0x2d: {  	[hbm:s8], [sflag:s7] =	dma.local [spmem:s11], $0x2800  }
0x2e: {  	_ =	swait.ge [sflag:s12], $0x2800  }
0x2f: {  	[sflag:s12] =	ssyncset.done $0x0  }
0x30: {  	[sflag:s12] =	ssyncadd.s32 $0xFFFFD800  }
0x31: {  	_ =	sfence.sel $0x180000  }
0x32: {  	[bflag:$0x0] =	sbarrier.arrive $0xFFFF  }
0x33: {  	p0 =	sne.s32 s1, $0x0;
	_ =	strace $0x90000047  }
0x34: {  	s0 =	sadd.s32 @!p0 $0x100000, s0;
	[bflag:$0x2] =	sbarrier.arrive $0xFFFF  }
0x35: {  	[sflag:s0] =	ssyncadd.tile.s32 @!p0 $0x1;
	_ =	shalt  }
.Lfunc_end2:
_tile_overlayer_lowered:
.L_overlay_start_2:
0x36: {  	(tag) =	ssettag $0x2  }
0x37: {  	s0 =	rddreg [dreg:$0x0];
	s2 =	stileid.u32  }
0x38: {  	s1 =	rddreg [dreg:$0x1];
	p0 =	sne.s32 s2, $0x0  }
0x39: {  	s3 =	rddreg [dreg:$0x2];
	[bflag:$0x3] =	sbarrier.arrive $0xFFFF;
	s2 =	simm.s32 @!p0 $0x1C01  }
0x3a: {  	[timem:s3], [sflag:s2] =	dma.local @!p0 [hbm:s0], s1  }
0x3b: {  	s0 =	simm.s32 @!p0 $0x1  }
0x3c: {  	_ =	swait.ge @!p0 [sflag:s0], s1  }
0x3d: {  	s1 =	ssub.s32 @!p0 $0x0, s1;
	[sflag:s0] =	ssyncset.done @!p0 $0x0  }
0x3e: {  	[sflag:s0] =	ssyncadd.s32 @!p0 s1  }
0x3f: {  	[bflag:$0x3] =	sbarrier.arrive $0xFFFF  }
0x40: {  	_ =	shalt  }

// kernel: kernel.13.cloned.1.call-start
scs
__scs_entry_jumppad:
0x0: {  	(pc) =	sbr.rel $0x88, $3  }
0x1: {  	(tag) =	ssettag $0x0;
	lr =	simm.s32 $0x1  }
0x2: {  	[smem:$0x3F8D] =	sst lr;
	_ =	strace $0xD0000000  }
0x3: {  	_ = 	snop  }
0x4: {  	_ = 	snop  }
0x5: {  	_ = 	snop  }
0x6: {  	_ = 	snop  }
0x7: {  	_ = 	snop  }
__scs_overlays_trampoline_lowered:
0x8: {  	[smem:$0x3F9C] =	sst s0  }
0x9: {  	[smem:$0x3F9D] =	sst s1  }
0xa: {  	[smem:$0x3F9E] =	sst s2  }
0xb: {  	[smem:$0x3F9F] =	sst s3  }
0xc: {  	[smem:$0x3FA0] =	sst s4  }
0xd: {  	[smem:$0x3FA1] =	sst s5  }
0xe: {  	[smem:$0x3FA2] =	sst s6  }
0xf: {  	[smem:$0x3FA3] =	sst s7  }
0x10: {  	[smem:$0x3FA4] =	sst s8  }
0x11: {  	[smem:$0x3FA5] =	sst s9;
	s0 =	simm.s32 @!p0 $0x0  }
0x12: {  	s1 =	sld [smem:$0x3F8B];
	s0 =	simm.s32 @p0 $0x1  }
0x13: {  	[smem:$0x3FA6] =	sst s0;
	s0 =	simm.s32 @!p1 $0x0  }
0x14: {  	s2 =	sld [smem:$0x3F8A];
	s0 =	simm.s32 @p1 $0x1  }
0x15: {  	[smem:$0x3FA7] =	sst s0;
	s0 =	simm.s32 @!p2 $0x0  }
0x16: {  	s3 =	sld [smem:$0x3FDB];
	s0 =	simm.s32 @p2 $0x1  }
0x17: {  	s4 =	simm.s32 $0x1BF5;
	[smem:$0x3FA9] =	sst s0  }
0x18: {  	s0 =	sld [smem:$0x3F8C];
	_ =	swait.ge [sflag:s4], $0x0  }
0x19: {  	s7 =	sld [smem:$0x3F8D]  }
0x1a: {  	s8 =	sadd.s32 $0xFFFFE003, lr  }
0x1b: {  	s9 =	sadd.s32 $0xFFFFFEF7, lr;
	s5 =	simm.s32 $0xFFFFFFFF;
	p2 =	slt.u32 s8, $0xFFFFF086  }
0x1c: {  	p1 =	slt.u32 s9, $0xF7A;
	s5 =	simm.s32 @!p2 $0x0  }
0x1d: {  	s5 =	simm.s32 @p1 $0x1;
	p0 =	seq.s32 s7, s2  }
0x1e: {  	s7 =	smul.u32 @!p0 $0xF7A, s2;
	p2 =	seq.s32 @!p0 s5, $0x0  }
0x1f: {  	s9 =	smul.u32 $0xF7A, s1;
	s8 =	simm.s32 @!p0 $0x1BF5;
	p2 =	por !p2, p0  }
0x20: {  	[sflag:s8] =	ssyncset.s32 @!p0 $0xFFFFF086;
	s6 =	sadd.s32 @!p0 s3, s7;
	s7 =	simm.s32 @!p0 $0x108  }
0x21: {  	s3 =	sadd.s32 s3, s9;
	s6 =	sadd.s32 @!p0 $0x88, s6;
	s7 =	simm.s32 @p2 $0x1082  }
0x22: {  	[simem:s7], [sflag:s8] =	dma.local @!p0 [hbm:s6], $0xF7A  }
0x23: {  	s9 =	sor.u32 $0xD0000000, s2;
	s6 =	simm.s32 $0x108;
	_ =	swait.ge @!p0 [sflag:s8], $0x0  }
0x24: {  	s3 =	sadd.s32 $0x88, s3;
	s6 =	simm.s32 @!p1 $0x1082;
	[sflag:s4] =	ssyncset.s32 $0xFFFFF086  }
0x25: {  	[simem:s6], [sflag:s4] =	dma.local [hbm:s3], $0xF7A  }
0x26: {  	[smem:$0x3F8D] =	sst s1;
	(tag) =	ssettag s2;
	_ =	strace s9  }
0x27: {  	s1 =	sld [smem:$0x3F9D]  }
0x28: {  	s2 =	sld [smem:$0x3F9E]  }
0x29: {  	s4 =	sld [smem:$0x3FA0]  }
0x2a: {  	p0 =	seq.s32 s5, $0x0;
	s5 =	sld [smem:$0x3FA1]  }
0x2b: {  	s6 =	sld [smem:$0x3FA2]  }
0x2c: {  	s7 =	sld [smem:$0x3FA3]  }
0x2d: {  	s3 =	simm.s32 $0x108;
	s8 =	sld [smem:$0x3FA4]  }
0x2e: {  	s3 =	simm.s32 @!p0 $0x1082;
	s9 =	sld [smem:$0x3FA5]  }
0x2f: {  	lr =	sadd.s32 s0, s3;
	s0 =	sld [smem:$0x3F9C]  }
0x30: {  	s3 =	sld [smem:$0x3F9F]  }
0x31: {  	[smem:$0x3FA8] =	sst s10  }
0x32: {  	s10 =	sld [smem:$0x3FA6];
	_ =	sdelay $0x3  }
0x33: {  	p0 =	seq.s32 s10, $0x1;
	s10 =	sld [smem:$0x3FA8];
	_ =	sdelay $0x3  }
0x34: {  	[smem:$0x3FA8] =	sst s10  }
0x35: {  	s10 =	sld [smem:$0x3FA7];
	_ =	sdelay $0x3  }
0x36: {  	p1 =	seq.s32 s10, $0x1;
	s10 =	sld [smem:$0x3FA8];
	_ =	sdelay $0x3  }
0x37: {  	[smem:$0x3FA8] =	sst s10  }
0x38: {  	s10 =	sld [smem:$0x3FA9]  }
0x39: {  	_ = 	snop;
	(pc) =	sbr.ind lr, $3  }
0x3a: {  	_ = 	snop  }
0x3b: {  	_ = 	snop  }
0x3c: {  	p2 =	seq.s32 s10, $0x1;
	s10 =	sld [smem:$0x3FA8]  }
0x3d: {  	_ =	shalt  }
0x3e: {  	_ =	shalt  }
0x3f: {  	_ =	shalt  }
0x40: {  	_ =	shalt  }
0x41: {  	_ =	shalt  }
0x42: {  	_ =	shalt  }
0x43: {  	_ =	shalt  }
0x44: {  	_ =	shalt  }
0x45: {  	_ =	shalt  }
0x46: {  	_ =	shalt  }
0x47: {  	_ =	shalt  }
0x48: {  	_ =	shalt  }
0x49: {  	_ =	shalt  }
0x4a: {  	_ =	shalt  }
0x4b: {  	_ =	shalt  }
0x4c: {  	_ =	shalt  }
0x4d: {  	_ =	shalt  }
0x4e: {  	_ =	shalt  }
0x4f: {  	_ =	shalt  }
0x50: {  	_ =	shalt  }
0x51: {  	_ =	shalt  }
0x52: {  	_ =	shalt  }
0x53: {  	_ =	shalt  }
0x54: {  	_ =	shalt  }
0x55: {  	_ =	shalt  }
0x56: {  	_ =	shalt  }
0x57: {  	_ =	shalt  }
0x58: {  	_ =	shalt  }
0x59: {  	_ =	shalt  }
0x5a: {  	_ =	shalt  }
0x5b: {  	_ =	shalt  }
0x5c: {  	_ =	shalt  }
0x5d: {  	_ =	shalt  }
0x5e: {  	_ =	shalt  }
0x5f: {  	_ =	shalt  }
0x60: {  	_ =	shalt  }
0x61: {  	_ =	shalt  }
0x62: {  	_ =	shalt  }
0x63: {  	_ =	shalt  }
0x64: {  	_ =	shalt  }
0x65: {  	_ =	shalt  }
0x66: {  	_ =	shalt  }
0x67: {  	_ =	shalt  }
0x68: {  	_ =	shalt  }
0x69: {  	_ =	shalt  }
0x6a: {  	_ =	shalt  }
0x6b: {  	_ =	shalt  }
0x6c: {  	_ =	shalt  }
0x6d: {  	_ =	shalt  }
0x6e: {  	_ =	shalt  }
0x6f: {  	_ =	shalt  }
0x70: {  	_ =	shalt  }
0x71: {  	_ =	shalt  }
0x72: {  	_ =	shalt  }
0x73: {  	_ =	shalt  }
0x74: {  	_ =	shalt  }
0x75: {  	_ =	shalt  }
0x76: {  	_ =	shalt  }
0x77: {  	_ =	shalt  }
0x78: {  	_ =	shalt  }
0x79: {  	_ =	shalt  }
0x7a: {  	_ =	shalt  }
0x7b: {  	_ =	shalt  }
0x7c: {  	_ =	shalt  }
0x7d: {  	_ =	shalt  }
0x7e: {  	_ =	shalt  }
0x7f: {  	_ =	shalt  }
0x80: {  	_ =	shalt  }
0x81: {  	_ =	shalt  }
0x82: {  	_ =	shalt  }
0x83: {  	_ =	shalt  }
0x84: {  	_ =	shalt  }
0x85: {  	_ =	shalt  }
0x86: {  	_ =	shalt  }
0x87: {  	_ =	shalt  }
.Lfunc_end0:
.L_simem_size_0:
called_computation.1_lowered:
.L_overlay_start_0:
0x88: {  	s2 =	sld [smem:$0x3FD9]  }
0x89: {  	s3 =	sld [smem:$0x3FFE];
	_ =	sdelay $0x1  }
0x8a: {  	s1 =	srdreg.scid  }
0x8b: {  	s0 =	sand.u32 $0x1, s1  }
0x8c: {  	s16 =	sshll.u32 s0, $0xA;
	s2 =	sadd.s32 s3, s2  }
0x8d: {  	s2 =	sadd.s32 s2, s16  }
0x8e: {  	[smem:$0x3FB4] =	sst s2  }
0x8f: {  	_ = 	snop  }
0x90: {  	(tm) =	ssettm $0x1  }
0x91: {  	s17 =	sld [smem:$0x3FFB];
	_ =	sdelay $0x3  }
0x92: {  	_ =	strace s17  }
0x93: {  	s2 =	sld [smem:$0x3FFC];
	_ =	sdelay $0x3  }
0x94: {  	_ =	strace s2  }
0x95: {  	s2 =	sld [smem:$0x3FFD];
	_ =	sdelay $0x3  }
0x96: {  	_ =	strace s2  }
0x97: {  	_ =	strace $0x8FFFFFFF  }
0x98: {  	s18 =	sld [smem:$0x3FDB];
	_ =	sdelay $0x1  }
0x99: {  	s19 =	simm.s32 $_scs_section_size  }
0x9a: {  	s4 =	simm.s32 $_size__tile_overlayer_lowered;
	s5 =	simm.s32 $_tile_overlayer_lowered  }
0x9b: {  	s22 =	simm.s32 $0x1BFF;
	s21 =	sshll.u32 s5, $0x1;
	s2 =	sadd.s32 s19, s18  }
0x9c: {  	s6 =	simm.s32 $0x0;
	s20 =	sshll.u32 s4, $0x1;
	s4 =	sadd.s32 s21, s2  }
0x9d: {  	[timem:s6], [sflag:s22] =	dma.local [hbm:s4], s20  }
0x9e: {  	_ =	swait.ge [sflag:s22], s20  }
0x9f: {  	s3 =	ssub.s32 $0x0, s20;
	[sflag:s22] =	ssyncset.done $0x0  }
0xa0: {  	[sflag:s22] =	ssyncadd.s32 s3;
	_ =	sdelay $0x1  }
0xa1: {  	s23 =	simm.s32 $0x1B8B  }
0xa2: {  	_ =	swait.ge [sflag:s23], $0x1  }
0xa3: {  	[sflag:s23] =	ssyncset.done $0x0  }
0xa4: {  	s25 =	simm.s32 $0x1B8E;
	s24 =	sld [smem:$0x3FFE];
	[sflag:s23] =	ssyncadd.s32 $0xFFFFFFFF  }
0xa5: {  	s26 =	simm.s32 $execute0_lowered;
	[smem:$0x3FD2] =	sst s25  }
0xa6: {  	s4 =	sshll.u32 s26, $0x1;
	_ =	strace $0x80000049;
	[dreg:$0x1] =	wrdreg $0xFFFFFFFF  }
0xa7: {  	s28 =	simm.s32 $_size_execute0_lowered;
	s2 =	sadd.s32 s2, s4;
	[dreg:$0x0] =	wrdreg $0x0  }
0xa8: {  	s4 =	sshll.u32 s28, $0x1;
	[dreg:$0x2] =	wrdreg s2  }
0xa9: {  	[dreg:$0x3] =	wrdreg s4  }
0xaa: {  	[dreg:$0x4] =	wrdreg $0xC0  }
0xab: {  	_ =	task [dreg:s6], $0x5FFFF  }
0xac: {  	[dreg:$0x1] =	wrdreg $0xFFFFFFFF  }
0xad: {  	[dreg:$0x0] =	wrdreg $0x60  }
0xae: {  	[dreg:$0x2] =	wrdreg s24  }
0xaf: {  	[dreg:$0x3] =	wrdreg $0x0  }
0xb0: {  	[dreg:$0x4] =	wrdreg $0x9  }
0xb1: {  	_ =	task.clear_ibuf [dreg:s6], $0x5FFFF;
	_ =	strace $0x90000049  }
0xb2: {  	s29 =	simm.s32 $0x9;
	_ =	strace $0x8000004B  }
0xb3: {  	_ =	swait.ge [sflag:s29], $0x1  }
0xb4: {  	[sflag:s29] =	ssyncadd.s32 $0xFFFFFFFF  }
0xb5: {  	_ =	strace $0x9000004B  }
0xb6: {  	_ =	sfence  }
0xb7: {  	s30 =	sld [smem:$0x0];
	_ =	sdelay $0x2  }
0xb8: {  	s31 =	sshll.u32 s1, $0xD;
	s1 =	sshrl.u32 s1, $0x2  }
0xb9: {  	s3 =	sand.u32 $0x4000, s31;
	s1 =	sadd.s32 s1, s30  }
0xba: {  	s0 =	sor.u32 s3, s0;
	s1 =	sshll.u32 s1, $0x11  }
0xbb: {  	s0 =	sor.u32 s1, s0  }
0xbc: {  	s0 =	sadd.s32 $0x8F2B, s0  }
0xbd: {  	[sflag:s0] =	ssyncadd.remote.s32 $0x1  }
0xbe: {  	_ =	sfence.sel $0xFFFF  }
0xbf: {  	[dreg:$0x0] =	wrdreg $0xFFFFFFFF;
	(pc) =	sbr.abs _section_cstart, $3  }
0xc0: {  	[dreg:$0x1] =	wrdreg $0xFFFFFFFF  }
0xc1: {  	_ =	task.clear_ibuf [dreg:s6], $0x2FFFF;
	_ =	strace $0x9FFFFFFF  }
0xc2: {  	(tm) =	ssettm $0x7FFFFFFF  }
0xc3: {  	_ =	shalt  }
tec
execute0_lowered:
.L_overlay_start_1:
0x0: {  	(tag) =	ssettag $0x1  }
0x1: {  	s7 =	rddreg [dreg:$0x0]  }
0x2: {  	s2 =	rddreg [dreg:$0x1]  }
0x3: {  	s3 =	simm.s32 $0x0;
	s0 =	stileid.u32;
	s4 =	srdreg.scid  }
0x4: {  	s18 =	simm.s32 $0x1C100;
	s19 =	simm.s32 $0x80;
	s20 =	simm.s32 $0x14000  }
0x5: {  	s21 =	simm.s32 $0x0;
	[smem:$0x7FF] =	sst s3;
	s8 =	smul.u32 $0x14000, s0  }
0x6: {  	s9 =	sand.u32 $0x1, s4;
	s4 =	sadd.s32 $0xA6600, s7;
	s23 =	smul.u32 $0x50000, s0  }
0x7: {  	s5 =	sadd.s32 $0x1A400, s7;
	s6 =	sadd.s32 $0x6A00, s7;
	s13 =	smul.u32 $0x9C, s0  }
0x8: {  	s15 =	smin.u32 s0, $0x4;
	s28 =	sshll.u32 s0, $0x6;
	s30 =	smul.u32 $0x9C00, s0  }
0x9: {  	p0 =	slt.u32 s0, $0x4;
	_ =	strace $0x8000004A;
	s10 =	smul.u32 $0x140000, s9  }
0xa: {  	s12 =	ssub.s32 $0x2, s9;
	s17 =	sshll.u32 s9, $0x7;
	s11 =	sshrl.u32 s8, $0x3  }
0xb: {  	s24 =	sshrl.u32 s12, $0x1;
	s25 =	sshrl.u32 s23, $0x2;
	s26 =	sadd.s32 s15, s13  }
0xc: {  	s15 =	sshll.u32 s15, $0x8;
	s13 =	simm.s32 $0x9C;
	s11 =	sadd.s32 s11, s7  }
0xd: {  	s8 =	sadd.s32 s8, s10;
	s12 =	ssub.s32 s12, s24;
	s16 =	sadd.s32 s25, s2  }
0xe: {  	s31 =	sadd.s32 s15, s30;
	s13 =	simm.s32 @!p0 $0x9B;
	s8 =	sshrl.u32 s8, $0x3  }
0xf: {  	s12 =	smax.u32 s12, $0x1;
	s15 =	sshrl.u32 s16, $0x3;
	s16 =	simm.s32 $0x3  }
0x10: {  	s14 =	sadd.s32 s8, s7;
	s8 =	sshll.u32 s26, $0x8;
	s7 =	sadd.s32 $0x2DE00, s11  }
0x11: {  	s29 =	sor.u32 s17, s8;
	s8 =	sor.u32 $0x1C03, s28;
	s11 =	sadd.s32 $0x146600, s14  }
0x12: {  	s14 =	sor.u32 s17, s31;
	s17 =	simm.s32 $0x1C000;
	s10 =	sshrl.u32 s29, $0x3  }
0x13: {  	s14 =	sadd.s32 $0x100, s14;
	s9 =	sadd.s32 s5, s10;
	s10 =	sadd.s32 s6, s10  }
.LBB2_1:
0x14: {  	[spmem:s15], [sflag:s8] =	dma.local [hbm:s7], $0x2800  }
0x15: {  	_ =	swait.ge [sflag:s16], $0x2800  }
0x16: {  	[sflag:s16] =	ssyncset.done $0x0  }
0x17: {  	[sflag:s16] =	ssyncadd.s32 $0xFFFFD800  }
0x18: {  	[bflag:$0x0] =	sbarrier.arrive $0xFFFF  }
0x19: {  	[tilespmem:s17], [sflag:$0x3] =	stream.linear.gather [hbm4b:s9+s3], $0x80, $0x38;
	[tilespmem:$0x1C200] =	vst v63  }
0x1a: {  	_ =	swait.ge [sflag:s16], $0x80  }
0x1b: {  	[sflag:s16] =	ssyncset.done $0x0  }
0x1c: {  	p1 =	sne.s32 s13, $0x1;
	[sflag:s16] =	ssyncadd.s32 $0xFFFFFF80  }
0x1d: {  	[tilespmem:s18], [sflag:$0x3] =	stream.linear.gather [hbm4b:s10+s3], $0x80, $0x38;
	[tilespmem:$0x1C200] =	vst v63  }
.Ltmp0:
0x1e: {  	s26 =	simm.s32 $0x1;
	(pc) =	sbr.rel @!p1 .LBB2_6-.Ltmp0, $4  }
0x1f: {  	s22 =	sand.u32 $0x1, s3;
	s28 =	sshrl.u32 s14, $0x3;
	_ =	swait.ge [sflag:s16], $0x80  }
0x20: {  	p0 =	por $0x0, $0x0;
	s23 =	sxor.u32 $0x1, s22;
	[sflag:s16] =	ssyncset.done $0x0  }
0x21: {  	s29 =	sshll.u32 s23, $0x7;
	s24 =	sshll.u32 s23, $0xE;
	[sflag:s16] =	ssyncadd.s32 $0xFFFFFF80  }
0x22: {  	[tilespmem:s20], [sflag:$0x1] =	stream.indirect.gather [hbm4b:s4+s19], $0x80, s17, s19, $0xb8;
	[tilespmem:$0x1C200] =	vst v63  }
0x23: {  	s25 =	sor.u32 $0x1C000, s29;
	s30 =	sadd.s32 s5, s28  }
0x24: {  	[tilespmem:s25], [sflag:$0x3] =	stream.linear.gather [hbm4b:s30+s3], $0x80, $0x38;
	[tilespmem:$0x1C200] =	vst v63  }
0x25: {  	_ =	swait.ge [sflag:s16], $0x80  }
0x26: {  	s29 =	sor.u32 $0x1C100, s29;
	[sflag:s16] =	ssyncset.done $0x0  }
0x27: {  	s28 =	sadd.s32 s6, s28;
	s24 =	sadd.s32 $0x14000, s24;
	[sflag:s16] =	ssyncadd.s32 $0xFFFFFF80  }
0x28: {  	[tilespmem:s29], [sflag:$0x3] =	stream.linear.gather [hbm4b:s28+s3], $0x80, $0x38;
	[tilespmem:$0x1C200] =	vst v63  }
0x29: {  	s23 =	sadd.s32 $0x1, s23;
	p1 =	sne.s32 s13, $0x2;
	_ =	swait.ge [sflag:s16], $0x80  }
0x2a: {  	p0 =	por $0x1, $0x1;
	s30 =	sshll.u32 s22, $0x7;
	[sflag:s16] =	ssyncset.done $0x0  }
0x2b: {  	s31 =	sor.u32 $0x1C100, s30;
	s28 =	sadd.s32 $0x1, s22;
	[sflag:s16] =	ssyncadd.s32 $0xFFFFFF80  }
0x2c: {  	[tilespmem:s24], [sflag:s23] =	stream.indirect.gather [hbm4b:s4+s19], $0x80, s25, s19, $0xb8;
	[tilespmem:$0x1C200] =	vst v63  }
0x2d: {  	s24 =	sshll.u32 s22, $0xE;
	s25 =	simm.s32 $0x2;
	_ =	swait.ge [sflag:s28], $0x4000  }
.Ltmp1:
0x2e: {  	s22 =	sand.u32 $0x1, s26;
	[sflag:s28] =	ssyncset.done $0x0;
	(pc) =	sbr.rel @!p1 .LBB2_3-.Ltmp1, $4  }
0x2f: {  	s26 =	sadd.s32 $0x100, s14;
	s23 =	sadd.s32 $0x14000, s24;
	[sflag:s28] =	ssyncadd.s32 $0xFFFFC000  }
0x30: {  	[spmem:s2] =	stream.indirect.scatter.add.f32 [tilespmem:s23], [sflag:$0x3], $0x80, s31, s19, $0xb8;
	[tilespmem:$0x1C200] =	vst v63  }
0x31: {  	s28 =	sshrl.u32 s26, $0x3;
	s23 =	sxor.u32 $0x1, s22;
	_ =	swait.ge [sflag:s16], $0x4000  }
0x32: {  	s29 =	sshll.u32 s23, $0x7;
	s24 =	sshll.u32 s23, $0xE;
	[sflag:s16] =	ssyncset.done $0x0  }
.LBB2_4:
0x33: {  	s30 =	sor.u32 $0x1C000, s29;
	s31 =	sadd.s32 s5, s28;
	[sflag:s16] =	ssyncadd.s32 $0xFFFFC000  }
0x34: {  	[tilespmem:s30], [sflag:$0x3] =	stream.linear.gather [hbm4b:s31+s3], $0x80, $0x38;
	[tilespmem:$0x1C200] =	vst v63  }
0x35: {  	s0 =	sshll.u32 s22, $0x7;
	s31 =	sshll.u32 s22, $0xE;
	_ =	swait.ge [sflag:s16], $0x80  }
0x36: {  	s1 =	smov.u32 s25;
	s25 =	sadd.s32 $0x1, s25;
	[sflag:s16] =	ssyncset.done $0x0  }
0x37: {  	s29 =	sor.u32 $0x1C100, s29;
	s28 =	sadd.s32 s6, s28;
	[sflag:s16] =	ssyncadd.s32 $0xFFFFFF80  }
0x38: {  	[tilespmem:s29], [sflag:$0x3] =	stream.linear.gather [hbm4b:s28+s3], $0x80, $0x38;
	[tilespmem:$0x1C200] =	vst v63  }
0x39: {  	p1 =	sne.s32 s13, s25;
	_ =	swait.ge [sflag:s16], $0x80  }
0x3a: {  	s28 =	sadd.s32 $0x1, s22;
	[sflag:s16] =	ssyncset.done $0x0  }
0x3b: {  	s23 =	sadd.s32 $0x1, s23;
	s22 =	sadd.s32 $0x14000, s24;
	[sflag:s16] =	ssyncadd.s32 $0xFFFFFF80  }
0x3c: {  	[tilespmem:s22], [sflag:s23] =	stream.indirect.gather [hbm4b:s4+s19], $0x80, s30, s19, $0xb8;
	[tilespmem:$0x1C200] =	vst v63  }
0x3d: {  	s26 =	sadd.s32 $0x100, s26;
	_ =	swait.ge [sflag:s28], $0x4000  }
.Ltmp2:
0x3e: {  	s0 =	sor.u32 $0x1C100, s0;
	[sflag:s28] =	ssyncset.done $0x0;
	(pc) =	sbr.rel @p1 .LBB2_4-.Ltmp2, $4  }
0x3f: {  	s22 =	sand.u32 $0x1, s1;
	s1 =	sadd.s32 $0x14000, s31;
	[sflag:s28] =	ssyncadd.s32 $0xFFFFC000  }
0x40: {  	[spmem:s2] =	stream.indirect.scatter.add.f32 [tilespmem:s1], [sflag:$0x3], $0x80, s0, s19, $0xb8;
	[tilespmem:$0x1C200] =	vst v63  }
0x41: {  	s23 =	sxor.u32 $0x1, s22;
	s28 =	sshrl.u32 s26, $0x3;
	_ =	swait.ge [sflag:s16], $0x4000  }
0x42: {  	s29 =	sshll.u32 s23, $0x7;
	s24 =	sshll.u32 s23, $0xE;
	[sflag:s16] =	ssyncset.done $0x0  }
0x43: {  	s26 =	smov.u32 s25  }
.LBB2_6:
0x44: {  	s0 =	sor.u32 $0x1C000, s29;
	s1 =	sadd.s32 s5, s28;
	[sflag:s16] =	ssyncadd.s32 @p0 $0xFFFFC000  }
0x45: {  	[tilespmem:s0], [sflag:$0x3] =	stream.linear.gather [hbm4b:s1+s3], $0x80, $0x38;
	[tilespmem:$0x1C200] =	vst v63  }
0x46: {  	_ =	swait.ge [sflag:s16], $0x80  }
0x47: {  	[sflag:s16] =	ssyncset.done $0x0  }
0x48: {  	s30 =	sor.u32 $0x1C100, s29;
	s25 =	sadd.s32 s6, s28;
	[sflag:s16] =	ssyncadd.s32 $0xFFFFFF80  }
0x49: {  	[tilespmem:s30], [sflag:$0x3] =	stream.linear.gather [hbm4b:s25+s3], $0x80, $0x38;
	[tilespmem:$0x1C200] =	vst v63  }
0x4a: {  	_ =	swait.ge [sflag:s16], $0x80  }
0x4b: {  	s31 =	sadd.s32 $0x1, s22;
	[sflag:s16] =	ssyncset.done $0x0  }
0x4c: {  	s24 =	sadd.s32 $0x14000, s24;
	s23 =	sadd.s32 $0x1, s23;
	[sflag:s16] =	ssyncadd.s32 $0xFFFFFF80  }
0x4d: {  	[tilespmem:s24], [sflag:s23] =	stream.indirect.gather [hbm4b:s4+s19], $0x80, s0, s19, $0xb8;
	[tilespmem:$0x1C200] =	vst v63  }
0x4e: {  	_ =	swait.ge [sflag:s31], $0x4000  }
0x4f: {  	s28 =	sshll.u32 s22, $0x7;
	s25 =	sshll.u32 s22, $0xE;
	[sflag:s31] =	ssyncset.done $0x0  }
0x50: {  	s22 =	sor.u32 $0x1C100, s28;
	s0 =	sadd.s32 $0x14000, s25;
	[sflag:s31] =	ssyncadd.s32 $0xFFFFC000  }
0x51: {  	[spmem:s2] =	stream.indirect.scatter.add.f32 [tilespmem:s0], [sflag:$0x3], $0x80, s22, s19, $0xb8;
	[tilespmem:$0x1C200] =	vst v63  }
0x52: {  	_ =	swait.ge [sflag:s16], $0x4000  }
0x53: {  	s29 =	sand.u32 $0x1, s26;
	[sflag:s16] =	ssyncset.done $0x0  }
0x54: {  	s30 =	sadd.s32 $0x1, s29;
	[sflag:s16] =	ssyncadd.s32 $0xFFFFC000  }
0x55: {  	_ =	swait.ge [sflag:s30], $0x4000  }
0x56: {  	s31 =	sshll.u32 s29, $0xE;
	s0 =	sshll.u32 s29, $0x7;
	[sflag:s30] =	ssyncset.done $0x0  }
0x57: {  	s22 =	sadd.s32 $0x14000, s31;
	s0 =	sor.u32 $0x1C100, s0;
	[sflag:s30] =	ssyncadd.s32 $0xFFFFC000  }
0x58: {  	[spmem:s2] =	stream.indirect.scatter.add.f32 [tilespmem:s22], [sflag:$0x3], $0x80, s0, s19, $0xb8;
	[tilespmem:$0x1C200] =	vst v63  }
0x59: {  	_ =	swait.ge [sflag:s16], $0x4000  }
0x5a: {  	[sflag:s16] =	ssyncset.done $0x0  }
0x5b: {  	s21 =	sadd.s32 $0x1, s21;
	[sflag:s16] =	ssyncadd.s32 $0xFFFFC000  }
0x5c: {  	p0 =	sne.s32 s21, s12;
	[bflag:$0x0] =	sbarrier.arrive $0xFFFF  }
0x5d: {  	[hbm:s11], [sflag:s8] =	dma.local [spmem:s15], $0x2800  }
.Ltmp3:
0x5e: {  	_ = 	snop;
	(pc) =	sbr.rel @p0 .LBB2_1-.Ltmp3, $4  }
.Ltmp4:
0x5f: {  	_ = 	snop;
	(pc) =	sbr.rel @!p0 .LBB2_7-.Ltmp4, $4  }
0x60: {  	_ =	swait.ge [sflag:s16], $0x2800  }
0x61: {  	[sflag:s16] =	ssyncset.done $0x0  }
0x62: {  	[sflag:s16] =	ssyncadd.s32 $0xFFFFD800  }
0x63: {  	_ = 	snop  }
.LBB2_3:
.Ltmp5:
0x64: {  	(pc) =	sbr.rel .LBB2_6-.Ltmp5, $2  }
0x65: {  	_ =	sdelay $0x2  }
0x66: {  	s26 =	simm.s32 $0x2  }
.LBB2_7:
0x67: {  	_ =	sfence.sel $0x180000  }
0x68: {  	[bflag:$0x0] =	sbarrier.arrive $0xFFFF  }
0x69: {  	_ =	strace $0x9000004A  }
0x6a: {  	s0 =	stileid.u32;
	[bflag:$0x2] =	sbarrier.arrive $0xFFFF  }
0x6b: {  	p0 =	sne.s32 s0, $0x0;
	s0 =	rddreg [dreg:$0x2]  }
0x6c: {  	s0 =	sadd.s32 @!p0 $0x100000, s0  }
0x6d: {  	[sflag:s0] =	ssyncadd.tile.s32 @!p0 $0x1;
	_ =	shalt  }
.Lfunc_end2:
_tile_overlayer_lowered:
.L_overlay_start_2:
0x6e: {  	(tag) =	ssettag $0x2  }
0x6f: {  	s0 =	rddreg [dreg:$0x0];
	s2 =	stileid.u32  }
0x70: {  	s1 =	rddreg [dreg:$0x1];
	p0 =	sne.s32 s2, $0x0  }
0x71: {  	s3 =	rddreg [dreg:$0x2];
	[bflag:$0x3] =	sbarrier.arrive $0xFFFF;
	s2 =	simm.s32 @!p0 $0x1C03  }
0x72: {  	[timem:s3], [sflag:s2] =	dma.local @!p0 [hbm:s0], s1  }
0x73: {  	s0 =	simm.s32 @!p0 $0x3  }
0x74: {  	_ =	swait.ge @!p0 [sflag:s0], s1  }
0x75: {  	s1 =	ssub.s32 @!p0 $0x0, s1;
	[sflag:s0] =	ssyncset.done @!p0 $0x0  }
0x76: {  	[sflag:s0] =	ssyncadd.s32 @!p0 s1  }
0x77: {  	[bflag:$0x3] =	sbarrier.arrive $0xFFFF  }
0x78: {  	_ =	shalt  }

// kernel: kernel.16.cloned.1.call-start
scs
__scs_entry_jumppad:
0x0: {  	(pc) =	sbr.rel $0x88, $3  }
0x1: {  	(tag) =	ssettag $0x0;
	lr =	simm.s32 $0x1  }
0x2: {  	[smem:$0x3F8D] =	sst lr;
	_ =	strace $0xD0000000  }
0x3: {  	_ = 	snop  }
0x4: {  	_ = 	snop  }
0x5: {  	_ = 	snop  }
0x6: {  	_ = 	snop  }
0x7: {  	_ = 	snop  }
__scs_overlays_trampoline_lowered:
0x8: {  	[smem:$0x3F9C] =	sst s0  }
0x9: {  	[smem:$0x3F9D] =	sst s1  }
0xa: {  	[smem:$0x3F9E] =	sst s2  }
0xb: {  	[smem:$0x3F9F] =	sst s3  }
0xc: {  	[smem:$0x3FA0] =	sst s4  }
0xd: {  	[smem:$0x3FA1] =	sst s5  }
0xe: {  	[smem:$0x3FA2] =	sst s6  }
0xf: {  	[smem:$0x3FA3] =	sst s7  }
0x10: {  	[smem:$0x3FA4] =	sst s8  }
0x11: {  	[smem:$0x3FA5] =	sst s9;
	s0 =	simm.s32 @!p0 $0x0  }
0x12: {  	s1 =	sld [smem:$0x3F8B];
	s0 =	simm.s32 @p0 $0x1  }
0x13: {  	[smem:$0x3FA6] =	sst s0;
	s0 =	simm.s32 @!p1 $0x0  }
0x14: {  	s2 =	sld [smem:$0x3F8A];
	s0 =	simm.s32 @p1 $0x1  }
0x15: {  	[smem:$0x3FA7] =	sst s0;
	s0 =	simm.s32 @!p2 $0x0  }
0x16: {  	s3 =	sld [smem:$0x3FDB];
	s0 =	simm.s32 @p2 $0x1  }
0x17: {  	s4 =	simm.s32 $0x1BF5;
	[smem:$0x3FA9] =	sst s0  }
0x18: {  	s0 =	sld [smem:$0x3F8C];
	_ =	swait.ge [sflag:s4], $0x0  }
0x19: {  	s7 =	sld [smem:$0x3F8D]  }
0x1a: {  	s8 =	sadd.s32 $0xFFFFE003, lr  }
0x1b: {  	s9 =	sadd.s32 $0xFFFFFEF7, lr;
	s5 =	simm.s32 $0xFFFFFFFF;
	p2 =	slt.u32 s8, $0xFFFFF086  }
0x1c: {  	p1 =	slt.u32 s9, $0xF7A;
	s5 =	simm.s32 @!p2 $0x0  }
0x1d: {  	s5 =	simm.s32 @p1 $0x1;
	p0 =	seq.s32 s7, s2  }
0x1e: {  	s7 =	smul.u32 @!p0 $0xF7A, s2;
	p2 =	seq.s32 @!p0 s5, $0x0  }
0x1f: {  	s9 =	smul.u32 $0xF7A, s1;
	s8 =	simm.s32 @!p0 $0x1BF5;
	p2 =	por !p2, p0  }
0x20: {  	[sflag:s8] =	ssyncset.s32 @!p0 $0xFFFFF086;
	s6 =	sadd.s32 @!p0 s3, s7;
	s7 =	simm.s32 @!p0 $0x108  }
0x21: {  	s3 =	sadd.s32 s3, s9;
	s6 =	sadd.s32 @!p0 $0x88, s6;
	s7 =	simm.s32 @p2 $0x1082  }
0x22: {  	[simem:s7], [sflag:s8] =	dma.local @!p0 [hbm:s6], $0xF7A  }
0x23: {  	s9 =	sor.u32 $0xD0000000, s2;
	s6 =	simm.s32 $0x108;
	_ =	swait.ge @!p0 [sflag:s8], $0x0  }
0x24: {  	s3 =	sadd.s32 $0x88, s3;
	s6 =	simm.s32 @!p1 $0x1082;
	[sflag:s4] =	ssyncset.s32 $0xFFFFF086  }
0x25: {  	[simem:s6], [sflag:s4] =	dma.local [hbm:s3], $0xF7A  }
0x26: {  	[smem:$0x3F8D] =	sst s1;
	(tag) =	ssettag s2;
	_ =	strace s9  }
0x27: {  	s1 =	sld [smem:$0x3F9D]  }
0x28: {  	s2 =	sld [smem:$0x3F9E]  }
0x29: {  	s4 =	sld [smem:$0x3FA0]  }
0x2a: {  	p0 =	seq.s32 s5, $0x0;
	s5 =	sld [smem:$0x3FA1]  }
0x2b: {  	s6 =	sld [smem:$0x3FA2]  }
0x2c: {  	s7 =	sld [smem:$0x3FA3]  }
0x2d: {  	s3 =	simm.s32 $0x108;
	s8 =	sld [smem:$0x3FA4]  }
0x2e: {  	s3 =	simm.s32 @!p0 $0x1082;
	s9 =	sld [smem:$0x3FA5]  }
0x2f: {  	lr =	sadd.s32 s0, s3;
	s0 =	sld [smem:$0x3F9C]  }
0x30: {  	s3 =	sld [smem:$0x3F9F]  }
0x31: {  	[smem:$0x3FA8] =	sst s10  }
0x32: {  	s10 =	sld [smem:$0x3FA6];
	_ =	sdelay $0x3  }
0x33: {  	p0 =	seq.s32 s10, $0x1;
	s10 =	sld [smem:$0x3FA8];
	_ =	sdelay $0x3  }
0x34: {  	[smem:$0x3FA8] =	sst s10  }
0x35: {  	s10 =	sld [smem:$0x3FA7];
	_ =	sdelay $0x3  }
0x36: {  	p1 =	seq.s32 s10, $0x1;
	s10 =	sld [smem:$0x3FA8];
	_ =	sdelay $0x3  }
0x37: {  	[smem:$0x3FA8] =	sst s10  }
0x38: {  	s10 =	sld [smem:$0x3FA9]  }
0x39: {  	_ = 	snop;
	(pc) =	sbr.ind lr, $3  }
0x3a: {  	_ = 	snop  }
0x3b: {  	_ = 	snop  }
0x3c: {  	p2 =	seq.s32 s10, $0x1;
	s10 =	sld [smem:$0x3FA8]  }
0x3d: {  	_ =	shalt  }
0x3e: {  	_ =	shalt  }
0x3f: {  	_ =	shalt  }
0x40: {  	_ =	shalt  }
0x41: {  	_ =	shalt  }
0x42: {  	_ =	shalt  }
0x43: {  	_ =	shalt  }
0x44: {  	_ =	shalt  }
0x45: {  	_ =	shalt  }
0x46: {  	_ =	shalt  }
0x47: {  	_ =	shalt  }
0x48: {  	_ =	shalt  }
0x49: {  	_ =	shalt  }
0x4a: {  	_ =	shalt  }
0x4b: {  	_ =	shalt  }
0x4c: {  	_ =	shalt  }
0x4d: {  	_ =	shalt  }
0x4e: {  	_ =	shalt  }
0x4f: {  	_ =	shalt  }
0x50: {  	_ =	shalt  }
0x51: {  	_ =	shalt  }
0x52: {  	_ =	shalt  }
0x53: {  	_ =	shalt  }
0x54: {  	_ =	shalt  }
0x55: {  	_ =	shalt  }
0x56: {  	_ =	shalt  }
0x57: {  	_ =	shalt  }
0x58: {  	_ =	shalt  }
0x59: {  	_ =	shalt  }
0x5a: {  	_ =	shalt  }
0x5b: {  	_ =	shalt  }
0x5c: {  	_ =	shalt  }
0x5d: {  	_ =	shalt  }
0x5e: {  	_ =	shalt  }
0x5f: {  	_ =	shalt  }
0x60: {  	_ =	shalt  }
0x61: {  	_ =	shalt  }
0x62: {  	_ =	shalt  }
0x63: {  	_ =	shalt  }
0x64: {  	_ =	shalt  }
0x65: {  	_ =	shalt  }
0x66: {  	_ =	shalt  }
0x67: {  	_ =	shalt  }
0x68: {  	_ =	shalt  }
0x69: {  	_ =	shalt  }
0x6a: {  	_ =	shalt  }
0x6b: {  	_ =	shalt  }
0x6c: {  	_ =	shalt  }
0x6d: {  	_ =	shalt  }
0x6e: {  	_ =	shalt  }
0x6f: {  	_ =	shalt  }
0x70: {  	_ =	shalt  }
0x71: {  	_ =	shalt  }
0x72: {  	_ =	shalt  }
0x73: {  	_ =	shalt  }
0x74: {  	_ =	shalt  }
0x75: {  	_ =	shalt  }
0x76: {  	_ =	shalt  }
0x77: {  	_ =	shalt  }
0x78: {  	_ =	shalt  }
0x79: {  	_ =	shalt  }
0x7a: {  	_ =	shalt  }
0x7b: {  	_ =	shalt  }
0x7c: {  	_ =	shalt  }
0x7d: {  	_ =	shalt  }
0x7e: {  	_ =	shalt  }
0x7f: {  	_ =	shalt  }
0x80: {  	_ =	shalt  }
0x81: {  	_ =	shalt  }
0x82: {  	_ =	shalt  }
0x83: {  	_ =	shalt  }
0x84: {  	_ =	shalt  }
0x85: {  	_ =	shalt  }
0x86: {  	_ =	shalt  }
0x87: {  	_ =	shalt  }
.Lfunc_end0:
.L_simem_size_0:
called_computation.2_lowered:
.L_overlay_start_0:
0x88: {  	s2 =	sld [smem:$0x3FD9]  }
0x89: {  	s3 =	sld [smem:$0x3FFE];
	_ =	sdelay $0x1  }
0x8a: {  	s1 =	srdreg.scid  }
0x8b: {  	s0 =	sand.u32 $0x1, s1  }
0x8c: {  	s16 =	sshll.u32 s0, $0xA;
	s2 =	sadd.s32 s3, s2  }
0x8d: {  	s2 =	sadd.s32 s2, s16  }
0x8e: {  	[smem:$0x3FB4] =	sst s2  }
0x8f: {  	_ = 	snop  }
0x90: {  	(tm) =	ssettm $0x1  }
0x91: {  	s17 =	sld [smem:$0x3FFB];
	_ =	sdelay $0x3  }
0x92: {  	_ =	strace s17  }
0x93: {  	s2 =	sld [smem:$0x3FFC];
	_ =	sdelay $0x3  }
0x94: {  	_ =	strace s2  }
0x95: {  	s2 =	sld [smem:$0x3FFD];
	_ =	sdelay $0x3  }
0x96: {  	_ =	strace s2  }
0x97: {  	_ =	strace $0x8FFFFFFF  }
0x98: {  	s18 =	sld [smem:$0x3FDB];
	_ =	sdelay $0x1  }
0x99: {  	s19 =	simm.s32 $_scs_section_size  }
0x9a: {  	s4 =	simm.s32 $_size__tile_overlayer_lowered;
	s5 =	simm.s32 $_tile_overlayer_lowered  }
0x9b: {  	s22 =	simm.s32 $0x1BFF;
	s21 =	sshll.u32 s5, $0x1;
	s2 =	sadd.s32 s19, s18  }
0x9c: {  	s6 =	simm.s32 $0x0;
	s20 =	sshll.u32 s4, $0x1;
	s4 =	sadd.s32 s21, s2  }
0x9d: {  	[timem:s6], [sflag:s22] =	dma.local [hbm:s4], s20  }
0x9e: {  	_ =	swait.ge [sflag:s22], s20  }
0x9f: {  	s3 =	ssub.s32 $0x0, s20;
	[sflag:s22] =	ssyncset.done $0x0  }
0xa0: {  	[sflag:s22] =	ssyncadd.s32 s3;
	_ =	sdelay $0x1  }
0xa1: {  	s23 =	simm.s32 $0x1B8B  }
0xa2: {  	_ =	swait.ge [sflag:s23], $0x1  }
0xa3: {  	[sflag:s23] =	ssyncset.done $0x0  }
0xa4: {  	s25 =	simm.s32 $0x1B8E;
	s24 =	sld [smem:$0x3FFE];
	[sflag:s23] =	ssyncadd.s32 $0xFFFFFFFF  }
0xa5: {  	s26 =	simm.s32 $execute0_lowered;
	[smem:$0x3FD2] =	sst s25  }
0xa6: {  	s4 =	sshll.u32 s26, $0x1;
	_ =	strace $0x8000004C;
	[dreg:$0x1] =	wrdreg $0xFFFFFFFF  }
0xa7: {  	s28 =	simm.s32 $_size_execute0_lowered;
	s2 =	sadd.s32 s2, s4;
	[dreg:$0x0] =	wrdreg $0x0  }
0xa8: {  	s4 =	sshll.u32 s28, $0x1;
	[dreg:$0x2] =	wrdreg s2  }
0xa9: {  	[dreg:$0x3] =	wrdreg s4  }
0xaa: {  	[dreg:$0x4] =	wrdreg $0xC0  }
0xab: {  	_ =	task [dreg:s6], $0x5FFFF  }
0xac: {  	[dreg:$0x1] =	wrdreg $0xFFFFFFFF  }
0xad: {  	[dreg:$0x0] =	wrdreg $0x60  }
0xae: {  	[dreg:$0x2] =	wrdreg s24  }
0xaf: {  	[dreg:$0x3] =	wrdreg $0x0  }
0xb0: {  	[dreg:$0x4] =	wrdreg $0x9  }
0xb1: {  	_ =	task.clear_ibuf [dreg:s6], $0x5FFFF;
	_ =	strace $0x9000004C  }
0xb2: {  	s29 =	simm.s32 $0x9;
	_ =	strace $0x8000004E  }
0xb3: {  	_ =	swait.ge [sflag:s29], $0x1  }
0xb4: {  	[sflag:s29] =	ssyncadd.s32 $0xFFFFFFFF  }
0xb5: {  	_ =	strace $0x9000004E  }
0xb6: {  	_ =	sfence  }
0xb7: {  	s30 =	sld [smem:$0x0];
	_ =	sdelay $0x2  }
0xb8: {  	s31 =	sshll.u32 s1, $0xD;
	s1 =	sshrl.u32 s1, $0x2  }
0xb9: {  	s3 =	sand.u32 $0x4000, s31;
	s1 =	sadd.s32 s1, s30  }
0xba: {  	s0 =	sor.u32 s3, s0;
	s1 =	sshll.u32 s1, $0x11  }
0xbb: {  	s0 =	sor.u32 s1, s0  }
0xbc: {  	s0 =	sadd.s32 $0x8F2B, s0  }
0xbd: {  	[sflag:s0] =	ssyncadd.remote.s32 $0x1  }
0xbe: {  	_ =	sfence.sel $0xFFFF  }
0xbf: {  	[dreg:$0x0] =	wrdreg $0xFFFFFFFF;
	(pc) =	sbr.abs _section_cstart, $3  }
0xc0: {  	[dreg:$0x1] =	wrdreg $0xFFFFFFFF  }
0xc1: {  	_ =	task.clear_ibuf [dreg:s6], $0x2FFFF;
	_ =	strace $0x9FFFFFFF  }
0xc2: {  	(tm) =	ssettm $0x7FFFFFFF  }
0xc3: {  	_ =	shalt  }
tec
execute0_lowered:
.L_overlay_start_1:
0x0: {  	(tag) =	ssettag $0x1  }
0x1: {  	s7 =	rddreg [dreg:$0x0]  }
0x2: {  	s2 =	rddreg [dreg:$0x1]  }
0x3: {  	s3 =	simm.s32 $0x0;
	s0 =	stileid.u32;
	s4 =	srdreg.scid  }
0x4: {  	s18 =	simm.s32 $0x1C100;
	s19 =	simm.s32 $0x80;
	s20 =	simm.s32 $0x14000  }
0x5: {  	s21 =	simm.s32 $0x0;
	[smem:$0x7FF] =	sst s3;
	s8 =	smul.u32 $0x14000, s0  }
0x6: {  	s9 =	sand.u32 $0x1, s4;
	s4 =	sadd.s32 $0xA6600, s7;
	s23 =	smul.u32 $0x50000, s0  }
0x7: {  	s5 =	sadd.s32 $0x1A400, s7;
	s6 =	sadd.s32 $0x6A00, s7;
	s13 =	smul.u32 $0x9C, s0  }
0x8: {  	s15 =	smin.u32 s0, $0x4;
	s28 =	sshll.u32 s0, $0x6;
	s30 =	smul.u32 $0x9C00, s0  }
0x9: {  	p0 =	slt.u32 s0, $0x4;
	_ =	strace $0x8000004D;
	s10 =	smul.u32 $0x140000, s9  }
0xa: {  	s12 =	ssub.s32 $0x2, s9;
	s17 =	sshll.u32 s9, $0x7;
	s11 =	sshrl.u32 s8, $0x3  }
0xb: {  	s24 =	sshrl.u32 s12, $0x1;
	s25 =	sshrl.u32 s23, $0x2;
	s26 =	sadd.s32 s15, s13  }
0xc: {  	s15 =	sshll.u32 s15, $0x8;
	s13 =	simm.s32 $0x9C;
	s11 =	sadd.s32 s11, s7  }
0xd: {  	s8 =	sadd.s32 s8, s10;
	s12 =	ssub.s32 s12, s24;
	s16 =	sadd.s32 s25, s2  }
0xe: {  	s31 =	sadd.s32 s15, s30;
	s13 =	simm.s32 @!p0 $0x9B;
	s8 =	sshrl.u32 s8, $0x3  }
0xf: {  	s12 =	smax.u32 s12, $0x1;
	s15 =	sshrl.u32 s16, $0x3;
	s16 =	simm.s32 $0x3  }
0x10: {  	s14 =	sadd.s32 s8, s7;
	s8 =	sshll.u32 s26, $0x8;
	s7 =	sadd.s32 $0x2DE00, s11  }
0x11: {  	s29 =	sor.u32 s17, s8;
	s8 =	sor.u32 $0x1C03, s28;
	s11 =	sadd.s32 $0x146600, s14  }
0x12: {  	s14 =	sor.u32 s17, s31;
	s17 =	simm.s32 $0x1C000;
	s10 =	sshrl.u32 s29, $0x3  }
0x13: {  	s14 =	sadd.s32 $0x100, s14;
	s9 =	sadd.s32 s5, s10;
	s10 =	sadd.s32 s6, s10  }
.LBB2_1:
0x14: {  	[spmem:s15], [sflag:s8] =	dma.local [hbm:s7], $0x2800  }
0x15: {  	_ =	swait.ge [sflag:s16], $0x2800  }
0x16: {  	[sflag:s16] =	ssyncset.done $0x0  }
0x17: {  	[sflag:s16] =	ssyncadd.s32 $0xFFFFD800  }
0x18: {  	[bflag:$0x0] =	sbarrier.arrive $0xFFFF  }
0x19: {  	[tilespmem:s17], [sflag:$0x3] =	stream.linear.gather [hbm4b:s9+s3], $0x80, $0x38;
	[tilespmem:$0x1C200] =	vst v63  }
0x1a: {  	_ =	swait.ge [sflag:s16], $0x80  }
0x1b: {  	[sflag:s16] =	ssyncset.done $0x0  }
0x1c: {  	p1 =	sne.s32 s13, $0x1;
	[sflag:s16] =	ssyncadd.s32 $0xFFFFFF80  }
0x1d: {  	[tilespmem:s18], [sflag:$0x3] =	stream.linear.gather [hbm4b:s10+s3], $0x80, $0x38;
	[tilespmem:$0x1C200] =	vst v63  }
.Ltmp0:
0x1e: {  	s26 =	simm.s32 $0x1;
	(pc) =	sbr.rel @!p1 .LBB2_6-.Ltmp0, $4  }
0x1f: {  	s22 =	sand.u32 $0x1, s3;
	s28 =	sshrl.u32 s14, $0x3;
	_ =	swait.ge [sflag:s16], $0x80  }
0x20: {  	p0 =	por $0x0, $0x0;
	s23 =	sxor.u32 $0x1, s22;
	[sflag:s16] =	ssyncset.done $0x0  }
0x21: {  	s29 =	sshll.u32 s23, $0x7;
	s24 =	sshll.u32 s23, $0xE;
	[sflag:s16] =	ssyncadd.s32 $0xFFFFFF80  }
0x22: {  	[tilespmem:s20], [sflag:$0x1] =	stream.indirect.gather [hbm4b:s4+s19], $0x80, s17, s19, $0xb8;
	[tilespmem:$0x1C200] =	vst v63  }
0x23: {  	s25 =	sor.u32 $0x1C000, s29;
	s30 =	sadd.s32 s5, s28  }
0x24: {  	[tilespmem:s25], [sflag:$0x3] =	stream.linear.gather [hbm4b:s30+s3], $0x80, $0x38;
	[tilespmem:$0x1C200] =	vst v63  }
0x25: {  	_ =	swait.ge [sflag:s16], $0x80  }
0x26: {  	s29 =	sor.u32 $0x1C100, s29;
	[sflag:s16] =	ssyncset.done $0x0  }
0x27: {  	s28 =	sadd.s32 s6, s28;
	s24 =	sadd.s32 $0x14000, s24;
	[sflag:s16] =	ssyncadd.s32 $0xFFFFFF80  }
0x28: {  	[tilespmem:s29], [sflag:$0x3] =	stream.linear.gather [hbm4b:s28+s3], $0x80, $0x38;
	[tilespmem:$0x1C200] =	vst v63  }
0x29: {  	s23 =	sadd.s32 $0x1, s23;
	p1 =	sne.s32 s13, $0x2;
	_ =	swait.ge [sflag:s16], $0x80  }
0x2a: {  	p0 =	por $0x1, $0x1;
	s30 =	sshll.u32 s22, $0x7;
	[sflag:s16] =	ssyncset.done $0x0  }
0x2b: {  	s31 =	sor.u32 $0x1C100, s30;
	s28 =	sadd.s32 $0x1, s22;
	[sflag:s16] =	ssyncadd.s32 $0xFFFFFF80  }
0x2c: {  	[tilespmem:s24], [sflag:s23] =	stream.indirect.gather [hbm4b:s4+s19], $0x80, s25, s19, $0xb8;
	[tilespmem:$0x1C200] =	vst v63  }
0x2d: {  	s24 =	sshll.u32 s22, $0xE;
	s25 =	simm.s32 $0x2;
	_ =	swait.ge [sflag:s28], $0x4000  }
.Ltmp1:
0x2e: {  	s22 =	sand.u32 $0x1, s26;
	[sflag:s28] =	ssyncset.done $0x0;
	(pc) =	sbr.rel @!p1 .LBB2_3-.Ltmp1, $4  }
0x2f: {  	s26 =	sadd.s32 $0x100, s14;
	s23 =	sadd.s32 $0x14000, s24;
	[sflag:s28] =	ssyncadd.s32 $0xFFFFC000  }
0x30: {  	[spmem:s2] =	stream.indirect.scatter.add.f32 [tilespmem:s23], [sflag:$0x3], $0x80, s31, s19, $0xb8;
	[tilespmem:$0x1C200] =	vst v63  }
0x31: {  	s28 =	sshrl.u32 s26, $0x3;
	s23 =	sxor.u32 $0x1, s22;
	_ =	swait.ge [sflag:s16], $0x4000  }
0x32: {  	s29 =	sshll.u32 s23, $0x7;
	s24 =	sshll.u32 s23, $0xE;
	[sflag:s16] =	ssyncset.done $0x0  }
.LBB2_4:
0x33: {  	s30 =	sor.u32 $0x1C000, s29;
	s31 =	sadd.s32 s5, s28;
	[sflag:s16] =	ssyncadd.s32 $0xFFFFC000  }
0x34: {  	[tilespmem:s30], [sflag:$0x3] =	stream.linear.gather [hbm4b:s31+s3], $0x80, $0x38;
	[tilespmem:$0x1C200] =	vst v63  }
0x35: {  	s0 =	sshll.u32 s22, $0x7;
	s31 =	sshll.u32 s22, $0xE;
	_ =	swait.ge [sflag:s16], $0x80  }
0x36: {  	s1 =	smov.u32 s25;
	s25 =	sadd.s32 $0x1, s25;
	[sflag:s16] =	ssyncset.done $0x0  }
0x37: {  	s29 =	sor.u32 $0x1C100, s29;
	s28 =	sadd.s32 s6, s28;
	[sflag:s16] =	ssyncadd.s32 $0xFFFFFF80  }
0x38: {  	[tilespmem:s29], [sflag:$0x3] =	stream.linear.gather [hbm4b:s28+s3], $0x80, $0x38;
	[tilespmem:$0x1C200] =	vst v63  }
0x39: {  	p1 =	sne.s32 s13, s25;
	_ =	swait.ge [sflag:s16], $0x80  }
0x3a: {  	s28 =	sadd.s32 $0x1, s22;
	[sflag:s16] =	ssyncset.done $0x0  }
0x3b: {  	s23 =	sadd.s32 $0x1, s23;
	s22 =	sadd.s32 $0x14000, s24;
	[sflag:s16] =	ssyncadd.s32 $0xFFFFFF80  }
0x3c: {  	[tilespmem:s22], [sflag:s23] =	stream.indirect.gather [hbm4b:s4+s19], $0x80, s30, s19, $0xb8;
	[tilespmem:$0x1C200] =	vst v63  }
0x3d: {  	s26 =	sadd.s32 $0x100, s26;
	_ =	swait.ge [sflag:s28], $0x4000  }
.Ltmp2:
0x3e: {  	s0 =	sor.u32 $0x1C100, s0;
	[sflag:s28] =	ssyncset.done $0x0;
	(pc) =	sbr.rel @p1 .LBB2_4-.Ltmp2, $4  }
0x3f: {  	s22 =	sand.u32 $0x1, s1;
	s1 =	sadd.s32 $0x14000, s31;
	[sflag:s28] =	ssyncadd.s32 $0xFFFFC000  }
0x40: {  	[spmem:s2] =	stream.indirect.scatter.add.f32 [tilespmem:s1], [sflag:$0x3], $0x80, s0, s19, $0xb8;
	[tilespmem:$0x1C200] =	vst v63  }
0x41: {  	s23 =	sxor.u32 $0x1, s22;
	s28 =	sshrl.u32 s26, $0x3;
	_ =	swait.ge [sflag:s16], $0x4000  }
0x42: {  	s29 =	sshll.u32 s23, $0x7;
	s24 =	sshll.u32 s23, $0xE;
	[sflag:s16] =	ssyncset.done $0x0  }
0x43: {  	s26 =	smov.u32 s25  }
.LBB2_6:
0x44: {  	s0 =	sor.u32 $0x1C000, s29;
	s1 =	sadd.s32 s5, s28;
	[sflag:s16] =	ssyncadd.s32 @p0 $0xFFFFC000  }
0x45: {  	[tilespmem:s0], [sflag:$0x3] =	stream.linear.gather [hbm4b:s1+s3], $0x80, $0x38;
	[tilespmem:$0x1C200] =	vst v63  }
0x46: {  	_ =	swait.ge [sflag:s16], $0x80  }
0x47: {  	[sflag:s16] =	ssyncset.done $0x0  }
0x48: {  	s30 =	sor.u32 $0x1C100, s29;
	s25 =	sadd.s32 s6, s28;
	[sflag:s16] =	ssyncadd.s32 $0xFFFFFF80  }
0x49: {  	[tilespmem:s30], [sflag:$0x3] =	stream.linear.gather [hbm4b:s25+s3], $0x80, $0x38;
	[tilespmem:$0x1C200] =	vst v63  }
0x4a: {  	_ =	swait.ge [sflag:s16], $0x80  }
0x4b: {  	s31 =	sadd.s32 $0x1, s22;
	[sflag:s16] =	ssyncset.done $0x0  }
0x4c: {  	s24 =	sadd.s32 $0x14000, s24;
	s23 =	sadd.s32 $0x1, s23;
	[sflag:s16] =	ssyncadd.s32 $0xFFFFFF80  }
0x4d: {  	[tilespmem:s24], [sflag:s23] =	stream.indirect.gather [hbm4b:s4+s19], $0x80, s0, s19, $0xb8;
	[tilespmem:$0x1C200] =	vst v63  }
0x4e: {  	_ =	swait.ge [sflag:s31], $0x4000  }
0x4f: {  	s28 =	sshll.u32 s22, $0x7;
	s25 =	sshll.u32 s22, $0xE;
	[sflag:s31] =	ssyncset.done $0x0  }
0x50: {  	s22 =	sor.u32 $0x1C100, s28;
	s0 =	sadd.s32 $0x14000, s25;
	[sflag:s31] =	ssyncadd.s32 $0xFFFFC000  }
0x51: {  	[spmem:s2] =	stream.indirect.scatter.add.f32 [tilespmem:s0], [sflag:$0x3], $0x80, s22, s19, $0xb8;
	[tilespmem:$0x1C200] =	vst v63  }
0x52: {  	_ =	swait.ge [sflag:s16], $0x4000  }
0x53: {  	s29 =	sand.u32 $0x1, s26;
	[sflag:s16] =	ssyncset.done $0x0  }
0x54: {  	s30 =	sadd.s32 $0x1, s29;
	[sflag:s16] =	ssyncadd.s32 $0xFFFFC000  }
0x55: {  	_ =	swait.ge [sflag:s30], $0x4000  }
0x56: {  	s31 =	sshll.u32 s29, $0xE;
	s0 =	sshll.u32 s29, $0x7;
	[sflag:s30] =	ssyncset.done $0x0  }
0x57: {  	s22 =	sadd.s32 $0x14000, s31;
	s0 =	sor.u32 $0x1C100, s0;
	[sflag:s30] =	ssyncadd.s32 $0xFFFFC000  }
0x58: {  	[spmem:s2] =	stream.indirect.scatter.add.f32 [tilespmem:s22], [sflag:$0x3], $0x80, s0, s19, $0xb8;
	[tilespmem:$0x1C200] =	vst v63  }
0x59: {  	_ =	swait.ge [sflag:s16], $0x4000  }
0x5a: {  	[sflag:s16] =	ssyncset.done $0x0  }
0x5b: {  	s21 =	sadd.s32 $0x1, s21;
	[sflag:s16] =	ssyncadd.s32 $0xFFFFC000  }
0x5c: {  	p0 =	sne.s32 s21, s12;
	[bflag:$0x0] =	sbarrier.arrive $0xFFFF  }
0x5d: {  	[hbm:s11], [sflag:s8] =	dma.local [spmem:s15], $0x2800  }
.Ltmp3:
0x5e: {  	_ = 	snop;
	(pc) =	sbr.rel @p0 .LBB2_1-.Ltmp3, $4  }
.Ltmp4:
0x5f: {  	_ = 	snop;
	(pc) =	sbr.rel @!p0 .LBB2_7-.Ltmp4, $4  }
0x60: {  	_ =	swait.ge [sflag:s16], $0x2800  }
0x61: {  	[sflag:s16] =	ssyncset.done $0x0  }
0x62: {  	[sflag:s16] =	ssyncadd.s32 $0xFFFFD800  }
0x63: {  	_ = 	snop  }
.LBB2_3:
.Ltmp5:
0x64: {  	(pc) =	sbr.rel .LBB2_6-.Ltmp5, $2  }
0x65: {  	_ =	sdelay $0x2  }
0x66: {  	s26 =	simm.s32 $0x2  }
.LBB2_7:
0x67: {  	_ =	sfence.sel $0x180000  }
0x68: {  	[bflag:$0x0] =	sbarrier.arrive $0xFFFF  }
0x69: {  	_ =	strace $0x9000004D  }
0x6a: {  	s0 =	stileid.u32;
	[bflag:$0x2] =	sbarrier.arrive $0xFFFF  }
0x6b: {  	p0 =	sne.s32 s0, $0x0;
	s0 =	rddreg [dreg:$0x2]  }
0x6c: {  	s0 =	sadd.s32 @!p0 $0x100000, s0  }
0x6d: {  	[sflag:s0] =	ssyncadd.tile.s32 @!p0 $0x1;
	_ =	shalt  }
.Lfunc_end2:
_tile_overlayer_lowered:
.L_overlay_start_2:
0x6e: {  	(tag) =	ssettag $0x2  }
0x6f: {  	s0 =	rddreg [dreg:$0x0];
	s2 =	stileid.u32  }
0x70: {  	s1 =	rddreg [dreg:$0x1];
	p0 =	sne.s32 s2, $0x0  }
0x71: {  	s3 =	rddreg [dreg:$0x2];
	[bflag:$0x3] =	sbarrier.arrive $0xFFFF;
	s2 =	simm.s32 @!p0 $0x1C03  }
0x72: {  	[timem:s3], [sflag:s2] =	dma.local @!p0 [hbm:s0], s1  }
0x73: {  	s0 =	simm.s32 @!p0 $0x3  }
0x74: {  	_ =	swait.ge @!p0 [sflag:s0], s1  }
0x75: {  	s1 =	ssub.s32 @!p0 $0x0, s1;
	[sflag:s0] =	ssyncset.done @!p0 $0x0  }
0x76: {  	[sflag:s0] =	ssyncadd.s32 @!p0 s1  }
0x77: {  	[bflag:$0x3] =	sbarrier.arrive $0xFFFF  }
0x78: {  	_ =	shalt  }

// kernel: kernel.19.cloned.1.call-start
scs
__scs_entry_jumppad:
0x0: {  	(pc) =	sbr.rel $0x88, $3  }
0x1: {  	(tag) =	ssettag $0x0;
	lr =	simm.s32 $0x1  }
0x2: {  	[smem:$0x3F8D] =	sst lr;
	_ =	strace $0xD0000000  }
0x3: {  	_ = 	snop  }
0x4: {  	_ = 	snop  }
0x5: {  	_ = 	snop  }
0x6: {  	_ = 	snop  }
0x7: {  	_ = 	snop  }
__scs_overlays_trampoline_lowered:
0x8: {  	[smem:$0x3F9C] =	sst s0  }
0x9: {  	[smem:$0x3F9D] =	sst s1  }
0xa: {  	[smem:$0x3F9E] =	sst s2  }
0xb: {  	[smem:$0x3F9F] =	sst s3  }
0xc: {  	[smem:$0x3FA0] =	sst s4  }
0xd: {  	[smem:$0x3FA1] =	sst s5  }
0xe: {  	[smem:$0x3FA2] =	sst s6  }
0xf: {  	[smem:$0x3FA3] =	sst s7  }
0x10: {  	[smem:$0x3FA4] =	sst s8  }
0x11: {  	[smem:$0x3FA5] =	sst s9;
	s0 =	simm.s32 @!p0 $0x0  }
0x12: {  	s1 =	sld [smem:$0x3F8B];
	s0 =	simm.s32 @p0 $0x1  }
0x13: {  	[smem:$0x3FA6] =	sst s0;
	s0 =	simm.s32 @!p1 $0x0  }
0x14: {  	s2 =	sld [smem:$0x3F8A];
	s0 =	simm.s32 @p1 $0x1  }
0x15: {  	[smem:$0x3FA7] =	sst s0;
	s0 =	simm.s32 @!p2 $0x0  }
0x16: {  	s3 =	sld [smem:$0x3FDB];
	s0 =	simm.s32 @p2 $0x1  }
0x17: {  	s4 =	simm.s32 $0x1BF5;
	[smem:$0x3FA9] =	sst s0  }
0x18: {  	s0 =	sld [smem:$0x3F8C];
	_ =	swait.ge [sflag:s4], $0x0  }
0x19: {  	s7 =	sld [smem:$0x3F8D]  }
0x1a: {  	s8 =	sadd.s32 $0xFFFFE003, lr  }
0x1b: {  	s9 =	sadd.s32 $0xFFFFFEF7, lr;
	s5 =	simm.s32 $0xFFFFFFFF;
	p2 =	slt.u32 s8, $0xFFFFF086  }
0x1c: {  	p1 =	slt.u32 s9, $0xF7A;
	s5 =	simm.s32 @!p2 $0x0  }
0x1d: {  	s5 =	simm.s32 @p1 $0x1;
	p0 =	seq.s32 s7, s2  }
0x1e: {  	s7 =	smul.u32 @!p0 $0xF7A, s2;
	p2 =	seq.s32 @!p0 s5, $0x0  }
0x1f: {  	s9 =	smul.u32 $0xF7A, s1;
	s8 =	simm.s32 @!p0 $0x1BF5;
	p2 =	por !p2, p0  }
0x20: {  	[sflag:s8] =	ssyncset.s32 @!p0 $0xFFFFF086;
	s6 =	sadd.s32 @!p0 s3, s7;
	s7 =	simm.s32 @!p0 $0x108  }
0x21: {  	s3 =	sadd.s32 s3, s9;
	s6 =	sadd.s32 @!p0 $0x88, s6;
	s7 =	simm.s32 @p2 $0x1082  }
0x22: {  	[simem:s7], [sflag:s8] =	dma.local @!p0 [hbm:s6], $0xF7A  }
0x23: {  	s9 =	sor.u32 $0xD0000000, s2;
	s6 =	simm.s32 $0x108;
	_ =	swait.ge @!p0 [sflag:s8], $0x0  }
0x24: {  	s3 =	sadd.s32 $0x88, s3;
	s6 =	simm.s32 @!p1 $0x1082;
	[sflag:s4] =	ssyncset.s32 $0xFFFFF086  }
0x25: {  	[simem:s6], [sflag:s4] =	dma.local [hbm:s3], $0xF7A  }
0x26: {  	[smem:$0x3F8D] =	sst s1;
	(tag) =	ssettag s2;
	_ =	strace s9  }
0x27: {  	s1 =	sld [smem:$0x3F9D]  }
0x28: {  	s2 =	sld [smem:$0x3F9E]  }
0x29: {  	s4 =	sld [smem:$0x3FA0]  }
0x2a: {  	p0 =	seq.s32 s5, $0x0;
	s5 =	sld [smem:$0x3FA1]  }
0x2b: {  	s6 =	sld [smem:$0x3FA2]  }
0x2c: {  	s7 =	sld [smem:$0x3FA3]  }
0x2d: {  	s3 =	simm.s32 $0x108;
	s8 =	sld [smem:$0x3FA4]  }
0x2e: {  	s3 =	simm.s32 @!p0 $0x1082;
	s9 =	sld [smem:$0x3FA5]  }
0x2f: {  	lr =	sadd.s32 s0, s3;
	s0 =	sld [smem:$0x3F9C]  }
0x30: {  	s3 =	sld [smem:$0x3F9F]  }
0x31: {  	[smem:$0x3FA8] =	sst s10  }
0x32: {  	s10 =	sld [smem:$0x3FA6];
	_ =	sdelay $0x3  }
0x33: {  	p0 =	seq.s32 s10, $0x1;
	s10 =	sld [smem:$0x3FA8];
	_ =	sdelay $0x3  }
0x34: {  	[smem:$0x3FA8] =	sst s10  }
0x35: {  	s10 =	sld [smem:$0x3FA7];
	_ =	sdelay $0x3  }
0x36: {  	p1 =	seq.s32 s10, $0x1;
	s10 =	sld [smem:$0x3FA8];
	_ =	sdelay $0x3  }
0x37: {  	[smem:$0x3FA8] =	sst s10  }
0x38: {  	s10 =	sld [smem:$0x3FA9]  }
0x39: {  	_ = 	snop;
	(pc) =	sbr.ind lr, $3  }
0x3a: {  	_ = 	snop  }
0x3b: {  	_ = 	snop  }
0x3c: {  	p2 =	seq.s32 s10, $0x1;
	s10 =	sld [smem:$0x3FA8]  }
0x3d: {  	_ =	shalt  }
0x3e: {  	_ =	shalt  }
0x3f: {  	_ =	shalt  }
0x40: {  	_ =	shalt  }
0x41: {  	_ =	shalt  }
0x42: {  	_ =	shalt  }
0x43: {  	_ =	shalt  }
0x44: {  	_ =	shalt  }
0x45: {  	_ =	shalt  }
0x46: {  	_ =	shalt  }
0x47: {  	_ =	shalt  }
0x48: {  	_ =	shalt  }
0x49: {  	_ =	shalt  }
0x4a: {  	_ =	shalt  }
0x4b: {  	_ =	shalt  }
0x4c: {  	_ =	shalt  }
0x4d: {  	_ =	shalt  }
0x4e: {  	_ =	shalt  }
0x4f: {  	_ =	shalt  }
0x50: {  	_ =	shalt  }
0x51: {  	_ =	shalt  }
0x52: {  	_ =	shalt  }
0x53: {  	_ =	shalt  }
0x54: {  	_ =	shalt  }
0x55: {  	_ =	shalt  }
0x56: {  	_ =	shalt  }
0x57: {  	_ =	shalt  }
0x58: {  	_ =	shalt  }
0x59: {  	_ =	shalt  }
0x5a: {  	_ =	shalt  }
0x5b: {  	_ =	shalt  }
0x5c: {  	_ =	shalt  }
0x5d: {  	_ =	shalt  }
0x5e: {  	_ =	shalt  }
0x5f: {  	_ =	shalt  }
0x60: {  	_ =	shalt  }
0x61: {  	_ =	shalt  }
0x62: {  	_ =	shalt  }
0x63: {  	_ =	shalt  }
0x64: {  	_ =	shalt  }
0x65: {  	_ =	shalt  }
0x66: {  	_ =	shalt  }
0x67: {  	_ =	shalt  }
0x68: {  	_ =	shalt  }
0x69: {  	_ =	shalt  }
0x6a: {  	_ =	shalt  }
0x6b: {  	_ =	shalt  }
0x6c: {  	_ =	shalt  }
0x6d: {  	_ =	shalt  }
0x6e: {  	_ =	shalt  }
0x6f: {  	_ =	shalt  }
0x70: {  	_ =	shalt  }
0x71: {  	_ =	shalt  }
0x72: {  	_ =	shalt  }
0x73: {  	_ =	shalt  }
0x74: {  	_ =	shalt  }
0x75: {  	_ =	shalt  }
0x76: {  	_ =	shalt  }
0x77: {  	_ =	shalt  }
0x78: {  	_ =	shalt  }
0x79: {  	_ =	shalt  }
0x7a: {  	_ =	shalt  }
0x7b: {  	_ =	shalt  }
0x7c: {  	_ =	shalt  }
0x7d: {  	_ =	shalt  }
0x7e: {  	_ =	shalt  }
0x7f: {  	_ =	shalt  }
0x80: {  	_ =	shalt  }
0x81: {  	_ =	shalt  }
0x82: {  	_ =	shalt  }
0x83: {  	_ =	shalt  }
0x84: {  	_ =	shalt  }
0x85: {  	_ =	shalt  }
0x86: {  	_ =	shalt  }
0x87: {  	_ =	shalt  }
.Lfunc_end0:
.L_simem_size_0:
called_computation.3_lowered:
.L_overlay_start_0:
0x88: {  	s2 =	sld [smem:$0x3FD9]  }
0x89: {  	s3 =	sld [smem:$0x3FFE];
	_ =	sdelay $0x1  }
0x8a: {  	s1 =	srdreg.scid  }
0x8b: {  	s0 =	sand.u32 $0x1, s1  }
0x8c: {  	s16 =	sshll.u32 s0, $0xA;
	s2 =	sadd.s32 s3, s2  }
0x8d: {  	s2 =	sadd.s32 s2, s16  }
0x8e: {  	[smem:$0x3FB4] =	sst s2  }
0x8f: {  	_ = 	snop  }
0x90: {  	(tm) =	ssettm $0x1  }
0x91: {  	s17 =	sld [smem:$0x3FFB];
	_ =	sdelay $0x3  }
0x92: {  	_ =	strace s17  }
0x93: {  	s2 =	sld [smem:$0x3FFC];
	_ =	sdelay $0x3  }
0x94: {  	_ =	strace s2  }
0x95: {  	s2 =	sld [smem:$0x3FFD];
	_ =	sdelay $0x3  }
0x96: {  	_ =	strace s2  }
0x97: {  	_ =	strace $0x8FFFFFFF  }
0x98: {  	s18 =	sld [smem:$0x3FDB];
	_ =	sdelay $0x1  }
0x99: {  	s19 =	simm.s32 $_scs_section_size  }
0x9a: {  	s4 =	simm.s32 $_size__tile_overlayer_lowered;
	s5 =	simm.s32 $_tile_overlayer_lowered  }
0x9b: {  	s22 =	simm.s32 $0x1BFF;
	s21 =	sshll.u32 s5, $0x1;
	s2 =	sadd.s32 s19, s18  }
0x9c: {  	s6 =	simm.s32 $0x0;
	s20 =	sshll.u32 s4, $0x1;
	s4 =	sadd.s32 s21, s2  }
0x9d: {  	[timem:s6], [sflag:s22] =	dma.local [hbm:s4], s20  }
0x9e: {  	_ =	swait.ge [sflag:s22], s20  }
0x9f: {  	s3 =	ssub.s32 $0x0, s20;
	[sflag:s22] =	ssyncset.done $0x0  }
0xa0: {  	[sflag:s22] =	ssyncadd.s32 s3;
	_ =	sdelay $0x1  }
0xa1: {  	s23 =	simm.s32 $0x1B8B  }
0xa2: {  	_ =	swait.ge [sflag:s23], $0x1  }
0xa3: {  	[sflag:s23] =	ssyncset.done $0x0  }
0xa4: {  	s25 =	simm.s32 $0x1B8E;
	s24 =	sld [smem:$0x3FFE];
	[sflag:s23] =	ssyncadd.s32 $0xFFFFFFFF  }
0xa5: {  	s26 =	simm.s32 $execute0_lowered;
	[smem:$0x3FD2] =	sst s25  }
0xa6: {  	s4 =	sshll.u32 s26, $0x1;
	_ =	strace $0x8000004F;
	[dreg:$0x1] =	wrdreg $0xFFFFFFFF  }
0xa7: {  	s28 =	simm.s32 $_size_execute0_lowered;
	s2 =	sadd.s32 s2, s4;
	[dreg:$0x0] =	wrdreg $0x0  }
0xa8: {  	s4 =	sshll.u32 s28, $0x1;
	[dreg:$0x2] =	wrdreg s2  }
0xa9: {  	[dreg:$0x3] =	wrdreg s4  }
0xaa: {  	[dreg:$0x4] =	wrdreg $0xC0  }
0xab: {  	_ =	task [dreg:s6], $0x5FFFF  }
0xac: {  	[dreg:$0x1] =	wrdreg $0xFFFFFFFF  }
0xad: {  	[dreg:$0x0] =	wrdreg $0x60  }
0xae: {  	[dreg:$0x2] =	wrdreg s24  }
0xaf: {  	[dreg:$0x3] =	wrdreg $0x0  }
0xb0: {  	[dreg:$0x4] =	wrdreg $0x9  }
0xb1: {  	_ =	task.clear_ibuf [dreg:s6], $0x5FFFF;
	_ =	strace $0x9000004F  }
0xb2: {  	s29 =	simm.s32 $0x9;
	_ =	strace $0x80000051  }
0xb3: {  	_ =	swait.ge [sflag:s29], $0x1  }
0xb4: {  	[sflag:s29] =	ssyncadd.s32 $0xFFFFFFFF  }
0xb5: {  	_ =	strace $0x90000051  }
0xb6: {  	_ =	sfence  }
0xb7: {  	s30 =	sld [smem:$0x0];
	_ =	sdelay $0x2  }
0xb8: {  	s31 =	sshll.u32 s1, $0xD;
	s1 =	sshrl.u32 s1, $0x2  }
0xb9: {  	s3 =	sand.u32 $0x4000, s31;
	s1 =	sadd.s32 s1, s30  }
0xba: {  	s0 =	sor.u32 s3, s0;
	s1 =	sshll.u32 s1, $0x11  }
0xbb: {  	s0 =	sor.u32 s1, s0  }
0xbc: {  	s0 =	sadd.s32 $0x8F2B, s0  }
0xbd: {  	[sflag:s0] =	ssyncadd.remote.s32 $0x1  }
0xbe: {  	_ =	sfence.sel $0xFFFF  }
0xbf: {  	[dreg:$0x0] =	wrdreg $0xFFFFFFFF;
	(pc) =	sbr.abs _section_cstart, $3  }
0xc0: {  	[dreg:$0x1] =	wrdreg $0xFFFFFFFF  }
0xc1: {  	_ =	task.clear_ibuf [dreg:s6], $0x2FFFF;
	_ =	strace $0x9FFFFFFF  }
0xc2: {  	(tm) =	ssettm $0x7FFFFFFF  }
0xc3: {  	_ =	shalt  }
tec
execute0_lowered:
.L_overlay_start_1:
0x0: {  	(tag) =	ssettag $0x1  }
0x1: {  	s7 =	rddreg [dreg:$0x0]  }
0x2: {  	s2 =	rddreg [dreg:$0x1]  }
0x3: {  	s3 =	simm.s32 $0x0;
	s0 =	stileid.u32;
	s4 =	srdreg.scid  }
0x4: {  	s18 =	simm.s32 $0x1C100;
	s19 =	simm.s32 $0x80;
	s20 =	simm.s32 $0x14000  }
0x5: {  	s21 =	simm.s32 $0x0;
	[smem:$0x7FF] =	sst s3;
	s8 =	smul.u32 $0x14000, s0  }
0x6: {  	s9 =	sand.u32 $0x1, s4;
	s4 =	sadd.s32 $0xA6600, s7;
	s23 =	smul.u32 $0x50000, s0  }
0x7: {  	s5 =	sadd.s32 $0x1A400, s7;
	s6 =	sadd.s32 $0x6A00, s7;
	s13 =	smul.u32 $0x9C, s0  }
0x8: {  	s15 =	smin.u32 s0, $0x4;
	s28 =	sshll.u32 s0, $0x6;
	s30 =	smul.u32 $0x9C00, s0  }
0x9: {  	p0 =	slt.u32 s0, $0x4;
	_ =	strace $0x80000050;
	s10 =	smul.u32 $0x140000, s9  }
0xa: {  	s12 =	ssub.s32 $0x2, s9;
	s17 =	sshll.u32 s9, $0x7;
	s11 =	sshrl.u32 s8, $0x3  }
0xb: {  	s24 =	sshrl.u32 s12, $0x1;
	s25 =	sshrl.u32 s23, $0x2;
	s26 =	sadd.s32 s15, s13  }
0xc: {  	s15 =	sshll.u32 s15, $0x8;
	s13 =	simm.s32 $0x9C;
	s11 =	sadd.s32 s11, s7  }
0xd: {  	s8 =	sadd.s32 s8, s10;
	s12 =	ssub.s32 s12, s24;
	s16 =	sadd.s32 s25, s2  }
0xe: {  	s31 =	sadd.s32 s15, s30;
	s13 =	simm.s32 @!p0 $0x9B;
	s8 =	sshrl.u32 s8, $0x3  }
0xf: {  	s12 =	smax.u32 s12, $0x1;
	s15 =	sshrl.u32 s16, $0x3;
	s16 =	simm.s32 $0x3  }
0x10: {  	s14 =	sadd.s32 s8, s7;
	s8 =	sshll.u32 s26, $0x8;
	s7 =	sadd.s32 $0x2DE00, s11  }
0x11: {  	s29 =	sor.u32 s17, s8;
	s8 =	sor.u32 $0x1C03, s28;
	s11 =	sadd.s32 $0x146600, s14  }
0x12: {  	s14 =	sor.u32 s17, s31;
	s17 =	simm.s32 $0x1C000;
	s10 =	sshrl.u32 s29, $0x3  }
0x13: {  	s14 =	sadd.s32 $0x100, s14;
	s9 =	sadd.s32 s5, s10;
	s10 =	sadd.s32 s6, s10  }
.LBB2_1:
0x14: {  	[spmem:s15], [sflag:s8] =	dma.local [hbm:s7], $0x2800  }
0x15: {  	_ =	swait.ge [sflag:s16], $0x2800  }
0x16: {  	[sflag:s16] =	ssyncset.done $0x0  }
0x17: {  	[sflag:s16] =	ssyncadd.s32 $0xFFFFD800  }
0x18: {  	[bflag:$0x0] =	sbarrier.arrive $0xFFFF  }
0x19: {  	[tilespmem:s17], [sflag:$0x3] =	stream.linear.gather [hbm4b:s9+s3], $0x80, $0x38;
	[tilespmem:$0x1C200] =	vst v63  }
0x1a: {  	_ =	swait.ge [sflag:s16], $0x80  }
0x1b: {  	[sflag:s16] =	ssyncset.done $0x0  }
0x1c: {  	p1 =	sne.s32 s13, $0x1;
	[sflag:s16] =	ssyncadd.s32 $0xFFFFFF80  }
0x1d: {  	[tilespmem:s18], [sflag:$0x3] =	stream.linear.gather [hbm4b:s10+s3], $0x80, $0x38;
	[tilespmem:$0x1C200] =	vst v63  }
.Ltmp0:
0x1e: {  	s26 =	simm.s32 $0x1;
	(pc) =	sbr.rel @!p1 .LBB2_6-.Ltmp0, $4  }
0x1f: {  	s22 =	sand.u32 $0x1, s3;
	s28 =	sshrl.u32 s14, $0x3;
	_ =	swait.ge [sflag:s16], $0x80  }
0x20: {  	p0 =	por $0x0, $0x0;
	s23 =	sxor.u32 $0x1, s22;
	[sflag:s16] =	ssyncset.done $0x0  }
0x21: {  	s29 =	sshll.u32 s23, $0x7;
	s24 =	sshll.u32 s23, $0xE;
	[sflag:s16] =	ssyncadd.s32 $0xFFFFFF80  }
0x22: {  	[tilespmem:s20], [sflag:$0x1] =	stream.indirect.gather [hbm4b:s4+s19], $0x80, s17, s19, $0xb8;
	[tilespmem:$0x1C200] =	vst v63  }
0x23: {  	s25 =	sor.u32 $0x1C000, s29;
	s30 =	sadd.s32 s5, s28  }
0x24: {  	[tilespmem:s25], [sflag:$0x3] =	stream.linear.gather [hbm4b:s30+s3], $0x80, $0x38;
	[tilespmem:$0x1C200] =	vst v63  }
0x25: {  	_ =	swait.ge [sflag:s16], $0x80  }
0x26: {  	s29 =	sor.u32 $0x1C100, s29;
	[sflag:s16] =	ssyncset.done $0x0  }
0x27: {  	s28 =	sadd.s32 s6, s28;
	s24 =	sadd.s32 $0x14000, s24;
	[sflag:s16] =	ssyncadd.s32 $0xFFFFFF80  }
0x28: {  	[tilespmem:s29], [sflag:$0x3] =	stream.linear.gather [hbm4b:s28+s3], $0x80, $0x38;
	[tilespmem:$0x1C200] =	vst v63  }
0x29: {  	s23 =	sadd.s32 $0x1, s23;
	p1 =	sne.s32 s13, $0x2;
	_ =	swait.ge [sflag:s16], $0x80  }
0x2a: {  	p0 =	por $0x1, $0x1;
	s30 =	sshll.u32 s22, $0x7;
	[sflag:s16] =	ssyncset.done $0x0  }
0x2b: {  	s31 =	sor.u32 $0x1C100, s30;
	s28 =	sadd.s32 $0x1, s22;
	[sflag:s16] =	ssyncadd.s32 $0xFFFFFF80  }
0x2c: {  	[tilespmem:s24], [sflag:s23] =	stream.indirect.gather [hbm4b:s4+s19], $0x80, s25, s19, $0xb8;
	[tilespmem:$0x1C200] =	vst v63  }
0x2d: {  	s24 =	sshll.u32 s22, $0xE;
	s25 =	simm.s32 $0x2;
	_ =	swait.ge [sflag:s28], $0x4000  }
.Ltmp1:
0x2e: {  	s22 =	sand.u32 $0x1, s26;
	[sflag:s28] =	ssyncset.done $0x0;
	(pc) =	sbr.rel @!p1 .LBB2_3-.Ltmp1, $4  }
0x2f: {  	s26 =	sadd.s32 $0x100, s14;
	s23 =	sadd.s32 $0x14000, s24;
	[sflag:s28] =	ssyncadd.s32 $0xFFFFC000  }
0x30: {  	[spmem:s2] =	stream.indirect.scatter.add.f32 [tilespmem:s23], [sflag:$0x3], $0x80, s31, s19, $0xb8;
	[tilespmem:$0x1C200] =	vst v63  }
0x31: {  	s28 =	sshrl.u32 s26, $0x3;
	s23 =	sxor.u32 $0x1, s22;
	_ =	swait.ge [sflag:s16], $0x4000  }
0x32: {  	s29 =	sshll.u32 s23, $0x7;
	s24 =	sshll.u32 s23, $0xE;
	[sflag:s16] =	ssyncset.done $0x0  }
.LBB2_4:
0x33: {  	s30 =	sor.u32 $0x1C000, s29;
	s31 =	sadd.s32 s5, s28;
	[sflag:s16] =	ssyncadd.s32 $0xFFFFC000  }
0x34: {  	[tilespmem:s30], [sflag:$0x3] =	stream.linear.gather [hbm4b:s31+s3], $0x80, $0x38;
	[tilespmem:$0x1C200] =	vst v63  }
0x35: {  	s0 =	sshll.u32 s22, $0x7;
	s31 =	sshll.u32 s22, $0xE;
	_ =	swait.ge [sflag:s16], $0x80  }
0x36: {  	s1 =	smov.u32 s25;
	s25 =	sadd.s32 $0x1, s25;
	[sflag:s16] =	ssyncset.done $0x0  }
0x37: {  	s29 =	sor.u32 $0x1C100, s29;
	s28 =	sadd.s32 s6, s28;
	[sflag:s16] =	ssyncadd.s32 $0xFFFFFF80  }
0x38: {  	[tilespmem:s29], [sflag:$0x3] =	stream.linear.gather [hbm4b:s28+s3], $0x80, $0x38;
	[tilespmem:$0x1C200] =	vst v63  }
0x39: {  	p1 =	sne.s32 s13, s25;
	_ =	swait.ge [sflag:s16], $0x80  }
0x3a: {  	s28 =	sadd.s32 $0x1, s22;
	[sflag:s16] =	ssyncset.done $0x0  }
0x3b: {  	s23 =	sadd.s32 $0x1, s23;
	s22 =	sadd.s32 $0x14000, s24;
	[sflag:s16] =	ssyncadd.s32 $0xFFFFFF80  }
0x3c: {  	[tilespmem:s22], [sflag:s23] =	stream.indirect.gather [hbm4b:s4+s19], $0x80, s30, s19, $0xb8;
	[tilespmem:$0x1C200] =	vst v63  }
0x3d: {  	s26 =	sadd.s32 $0x100, s26;
	_ =	swait.ge [sflag:s28], $0x4000  }
.Ltmp2:
0x3e: {  	s0 =	sor.u32 $0x1C100, s0;
	[sflag:s28] =	ssyncset.done $0x0;
	(pc) =	sbr.rel @p1 .LBB2_4-.Ltmp2, $4  }
0x3f: {  	s22 =	sand.u32 $0x1, s1;
	s1 =	sadd.s32 $0x14000, s31;
	[sflag:s28] =	ssyncadd.s32 $0xFFFFC000  }
0x40: {  	[spmem:s2] =	stream.indirect.scatter.add.f32 [tilespmem:s1], [sflag:$0x3], $0x80, s0, s19, $0xb8;
	[tilespmem:$0x1C200] =	vst v63  }
0x41: {  	s23 =	sxor.u32 $0x1, s22;
	s28 =	sshrl.u32 s26, $0x3;
	_ =	swait.ge [sflag:s16], $0x4000  }
0x42: {  	s29 =	sshll.u32 s23, $0x7;
	s24 =	sshll.u32 s23, $0xE;
	[sflag:s16] =	ssyncset.done $0x0  }
0x43: {  	s26 =	smov.u32 s25  }
.LBB2_6:
0x44: {  	s0 =	sor.u32 $0x1C000, s29;
	s1 =	sadd.s32 s5, s28;
	[sflag:s16] =	ssyncadd.s32 @p0 $0xFFFFC000  }
0x45: {  	[tilespmem:s0], [sflag:$0x3] =	stream.linear.gather [hbm4b:s1+s3], $0x80, $0x38;
	[tilespmem:$0x1C200] =	vst v63  }
0x46: {  	_ =	swait.ge [sflag:s16], $0x80  }
0x47: {  	[sflag:s16] =	ssyncset.done $0x0  }
0x48: {  	s30 =	sor.u32 $0x1C100, s29;
	s25 =	sadd.s32 s6, s28;
	[sflag:s16] =	ssyncadd.s32 $0xFFFFFF80  }
0x49: {  	[tilespmem:s30], [sflag:$0x3] =	stream.linear.gather [hbm4b:s25+s3], $0x80, $0x38;
	[tilespmem:$0x1C200] =	vst v63  }
0x4a: {  	_ =	swait.ge [sflag:s16], $0x80  }
0x4b: {  	s31 =	sadd.s32 $0x1, s22;
	[sflag:s16] =	ssyncset.done $0x0  }
0x4c: {  	s24 =	sadd.s32 $0x14000, s24;
	s23 =	sadd.s32 $0x1, s23;
	[sflag:s16] =	ssyncadd.s32 $0xFFFFFF80  }
0x4d: {  	[tilespmem:s24], [sflag:s23] =	stream.indirect.gather [hbm4b:s4+s19], $0x80, s0, s19, $0xb8;
	[tilespmem:$0x1C200] =	vst v63  }
0x4e: {  	_ =	swait.ge [sflag:s31], $0x4000  }
0x4f: {  	s28 =	sshll.u32 s22, $0x7;
	s25 =	sshll.u32 s22, $0xE;
	[sflag:s31] =	ssyncset.done $0x0  }
0x50: {  	s22 =	sor.u32 $0x1C100, s28;
	s0 =	sadd.s32 $0x14000, s25;
	[sflag:s31] =	ssyncadd.s32 $0xFFFFC000  }
0x51: {  	[spmem:s2] =	stream.indirect.scatter.add.f32 [tilespmem:s0], [sflag:$0x3], $0x80, s22, s19, $0xb8;
	[tilespmem:$0x1C200] =	vst v63  }
0x52: {  	_ =	swait.ge [sflag:s16], $0x4000  }
0x53: {  	s29 =	sand.u32 $0x1, s26;
	[sflag:s16] =	ssyncset.done $0x0  }
0x54: {  	s30 =	sadd.s32 $0x1, s29;
	[sflag:s16] =	ssyncadd.s32 $0xFFFFC000  }
0x55: {  	_ =	swait.ge [sflag:s30], $0x4000  }
0x56: {  	s31 =	sshll.u32 s29, $0xE;
	s0 =	sshll.u32 s29, $0x7;
	[sflag:s30] =	ssyncset.done $0x0  }
0x57: {  	s22 =	sadd.s32 $0x14000, s31;
	s0 =	sor.u32 $0x1C100, s0;
	[sflag:s30] =	ssyncadd.s32 $0xFFFFC000  }
0x58: {  	[spmem:s2] =	stream.indirect.scatter.add.f32 [tilespmem:s22], [sflag:$0x3], $0x80, s0, s19, $0xb8;
	[tilespmem:$0x1C200] =	vst v63  }
0x59: {  	_ =	swait.ge [sflag:s16], $0x4000  }
0x5a: {  	[sflag:s16] =	ssyncset.done $0x0  }
0x5b: {  	s21 =	sadd.s32 $0x1, s21;
	[sflag:s16] =	ssyncadd.s32 $0xFFFFC000  }
0x5c: {  	p0 =	sne.s32 s21, s12;
	[bflag:$0x0] =	sbarrier.arrive $0xFFFF  }
0x5d: {  	[hbm:s11], [sflag:s8] =	dma.local [spmem:s15], $0x2800  }
.Ltmp3:
0x5e: {  	_ = 	snop;
	(pc) =	sbr.rel @p0 .LBB2_1-.Ltmp3, $4  }
.Ltmp4:
0x5f: {  	_ = 	snop;
	(pc) =	sbr.rel @!p0 .LBB2_7-.Ltmp4, $4  }
0x60: {  	_ =	swait.ge [sflag:s16], $0x2800  }
0x61: {  	[sflag:s16] =	ssyncset.done $0x0  }
0x62: {  	[sflag:s16] =	ssyncadd.s32 $0xFFFFD800  }
0x63: {  	_ = 	snop  }
.LBB2_3:
.Ltmp5:
0x64: {  	(pc) =	sbr.rel .LBB2_6-.Ltmp5, $2  }
0x65: {  	_ =	sdelay $0x2  }
0x66: {  	s26 =	simm.s32 $0x2  }
.LBB2_7:
0x67: {  	_ =	sfence.sel $0x180000  }
0x68: {  	[bflag:$0x0] =	sbarrier.arrive $0xFFFF  }
0x69: {  	_ =	strace $0x90000050  }
0x6a: {  	s0 =	stileid.u32;
	[bflag:$0x2] =	sbarrier.arrive $0xFFFF  }
0x6b: {  	p0 =	sne.s32 s0, $0x0;
	s0 =	rddreg [dreg:$0x2]  }
0x6c: {  	s0 =	sadd.s32 @!p0 $0x100000, s0  }
0x6d: {  	[sflag:s0] =	ssyncadd.tile.s32 @!p0 $0x1;
	_ =	shalt  }
.Lfunc_end2:
_tile_overlayer_lowered:
.L_overlay_start_2:
0x6e: {  	(tag) =	ssettag $0x2  }
0x6f: {  	s0 =	rddreg [dreg:$0x0];
	s2 =	stileid.u32  }
0x70: {  	s1 =	rddreg [dreg:$0x1];
	p0 =	sne.s32 s2, $0x0  }
0x71: {  	s3 =	rddreg [dreg:$0x2];
	[bflag:$0x3] =	sbarrier.arrive $0xFFFF;
	s2 =	simm.s32 @!p0 $0x1C03  }
0x72: {  	[timem:s3], [sflag:s2] =	dma.local @!p0 [hbm:s0], s1  }
0x73: {  	s0 =	simm.s32 @!p0 $0x3  }
0x74: {  	_ =	swait.ge @!p0 [sflag:s0], s1  }
0x75: {  	s1 =	ssub.s32 @!p0 $0x0, s1;
	[sflag:s0] =	ssyncset.done @!p0 $0x0  }
0x76: {  	[sflag:s0] =	ssyncadd.s32 @!p0 s1  }
0x77: {  	[bflag:$0x3] =	sbarrier.arrive $0xFFFF  }
0x78: {  	_ =	shalt  }

</sc_bundles>
